<compile_context>
chip_gen: v7x
topology: tpu7x:2x2x1
jax: 0.10.2.dev20260603
libtpu: 0.0.44.dev20260713+nightly
codegen_flags: <defaults>
</compile_context>

<pallas_src>
import functools

import jax
import jax.numpy as jnp
from jax import lax
from jax.experimental import pallas as pl
from jax.experimental.pallas import tpu as pltpu
from jax.experimental.pallas import tpu_sc as plsc

B, N, C, D = 4, 1024, 8, 512
BN = B * N
HB = 2
M = HB * N
TN = 512
NTILES = M // TN

NC, NS = 2, 16
NW = NC * NS
NPW = M // NW
EPW = NPW * C
CHUNK = 8
ROWS = CHUNK * C
NCHUNK = NPW // CHUNK


def _coeffs(ch):
    chf = ch.astype(jnp.float32)
    mask = jnp.minimum(chf, 1.0)
    num_sib = jnp.sum(mask, axis=1, keepdims=True)
    jidx = lax.broadcasted_iota(jnp.int32, ch.shape, 1).astype(jnp.float32)
    child_idx = jidx * mask
    denom = jnp.where(num_sib == 1.0, 1.0, num_sib - 1.0)
    single = jnp.where(jidx == 0.0, 0.5, 0.0)
    cr = jnp.where(num_sib == 1.0, single, child_idx / denom)
    cl = (1.0 - cr) * mask
    return cr, cl, mask


def _rep16(x):
    return jnp.broadcast_to(x[:, :, None], (x.shape[0], C, 16)).reshape(
        x.shape[0], C * 16)


def _stage1_body(nodes_ref, ce_ref, ch_ref, wt, wr, wl, bias, wt1, bias1,
                 h0_ref, t1_ref, gidx_ref, crm_ref, clm_ref):
    ch = ch_ref[...]
    cr, cl, mask = _coeffs(ch)
    pre_r = cr[:, 0:1] * ce_ref[:, 0, :]
    pre_l = cl[:, 0:1] * ce_ref[:, 0, :]
    for j in range(1, C):
        cej = ce_ref[:, j, :]
        pre_r = pre_r + cr[:, j:j + 1] * cej
        pre_l = pre_l + cl[:, j:j + 1] * cej
    acc = jnp.dot(nodes_ref[...], wt[...], preferred_element_type=jnp.float32)
    acc = acc + jnp.dot(pre_r, wr[...], preferred_element_type=jnp.float32)
    acc = acc + jnp.dot(pre_l, wl[...], preferred_element_type=jnp.float32)
    h0 = jnp.tanh(acc + bias[...])
    h0_ref[...] = h0
    t1_ref[...] = jnp.dot(h0, wt1[...], preferred_element_type=jnp.float32) + bias1[...]
    b = pl.program_id(0) // (N // TN)
    gidx_ref[...] = ch + b * N
    crm_ref[...] = _rep16(cr * mask)
    clm_ref[...] = _rep16(cl)


def _stage3_body(t1_ref, prer_ref, prel_ref, wr, wl, out_ref):
    acc = t1_ref[...] + jnp.dot(prer_ref[...], wr[...], preferred_element_type=jnp.float32)
    acc = acc + jnp.dot(prel_ref[...], wl[...], preferred_element_type=jnp.float32)
    out_ref[...] = jnp.tanh(acc)


def _row_spec():
    return pl.BlockSpec((TN, D), lambda i: (i, 0))


def _full_spec():
    return pl.BlockSpec((D, D), lambda i: (0, 0))


def _bias_spec():
    return pl.BlockSpec((1, D), lambda i: (0, 0))


def _stage1(h, nodes2, ce2, ch2, wt0, wr0, wl0, b0r, wt1, b1r):
    off = h * NTILES
    return pl.pallas_call(
        _stage1_body,
        grid=(NTILES,),
        in_specs=[
            pl.BlockSpec((TN, D), lambda i: (i + off, 0)),
            pl.BlockSpec((TN, C, D), lambda i: (i + off, 0, 0)),
            pl.BlockSpec((TN, C), lambda i: (i + off, 0)),
            _full_spec(), _full_spec(), _full_spec(),
            _bias_spec(),
            _full_spec(),
            _bias_spec(),
        ],
        out_specs=[
            _row_spec(),
            _row_spec(),
            pl.BlockSpec((TN, C), lambda i: (i, 0)),
            pl.BlockSpec((TN, C * 16), lambda i: (i, 0)),
            pl.BlockSpec((TN, C * 16), lambda i: (i, 0)),
        ],
        out_shape=[
            jax.ShapeDtypeStruct((M, D), jnp.float32),
            jax.ShapeDtypeStruct((M, D), jnp.float32),
            jax.ShapeDtypeStruct((M, C), jnp.int32),
            jax.ShapeDtypeStruct((M, C * 16), jnp.float32),
            jax.ShapeDtypeStruct((M, C * 16), jnp.float32),
        ],
    )(nodes2, ce2, ch2, wt0, wr0, wl0, b0r, wt1, b1r)


def _stage2_sc(h0, gidx, crm, clm):
    mesh = plsc.VectorSubcoreMesh(core_axis_name="c", subcore_axis_name="s")

    @functools.partial(
        pl.kernel,
        mesh=mesh,
        out_type=[jax.ShapeDtypeStruct((M, D), jnp.float32),
                  jax.ShapeDtypeStruct((M, D), jnp.float32)],
        scratch_types=[
            pltpu.VMEM((EPW,), jnp.int32),
            pltpu.VMEM((NPW, 128), jnp.float32),
            pltpu.VMEM((NPW, 128), jnp.float32),
            pltpu.VMEM((ROWS, D), jnp.float32),
            pltpu.VMEM((ROWS, D), jnp.float32),
            pltpu.VMEM((CHUNK, D), jnp.float32),
            pltpu.VMEM((CHUNK, D), jnp.float32),
            pltpu.VMEM((CHUNK, D), jnp.float32),
            pltpu.VMEM((CHUNK, D), jnp.float32),
            pltpu.SemaphoreType.DMA,
            pltpu.SemaphoreType.DMA,
            pltpu.SemaphoreType.DMA,
            pltpu.SemaphoreType.DMA,
        ],
    )
    def run(h0_hbm, gidx_hbm, crm_hbm, clm_hbm, prer_hbm, prel_hbm,
            idx_v, crm_v, clm_v, rows0, rows1, outr0, outl0, outr1, outl1,
            gsem0, gsem1, ssem0, ssem1):
        cid = lax.axis_index("c")
        sid = lax.axis_index("s")
        wid = sid * NC + cid
        ebase = wid * EPW
        nbase = wid * NPW
        pltpu.sync_copy(gidx_hbm.at[pl.ds(ebase, EPW)], idx_v)
        pltpu.sync_copy(crm_hbm.at[pl.ds(nbase, NPW)], crm_v)
        pltpu.sync_copy(clm_hbm.at[pl.ds(nbase, NPW)], clm_v)

        rows = (rows0, rows1)
        outr = (outr0, outr1)
        outl = (outl0, outl1)
        gsem = (gsem0, gsem1)
        ssem = (ssem0, ssem1)

        def fire(ck, b):
            pltpu.async_copy(
                h0_hbm.at[idx_v.at[pl.ds(ck * ROWS, ROWS)]], rows[b], gsem[b])

        def wait_rows(b):
            pltpu.make_async_copy(
                h0_hbm.at[pl.ds(0, ROWS)], rows[b], gsem[b]).wait()

        def wait_stores(b):
            pltpu.make_async_copy(
                outr[b], prer_hbm.at[pl.ds(0, CHUNK)], ssem[b]).wait()
            pltpu.make_async_copy(
                outl[b], prel_hbm.at[pl.ds(0, CHUNK)], ssem[b]).wait()

        def compute(ck, b):
            rv, orv, olv = rows[b], outr[b], outl[b]

            def node_body(i, carry2):
                nl = ck * CHUNK + i
                cw = [crm_v[nl, pl.ds(j * 16, 16)] for j in range(C)]
                lw = [clm_v[nl, pl.ds(j * 16, 16)] for j in range(C)]

                def d_body(d, carry3):
                    sl = pl.ds(d * 16, 16)
                    r0 = rv[i * C, sl]
                    accr = r0 * cw[0]
                    accl = r0 * lw[0]
                    for j in range(1, C):
                        rj = rv[i * C + j, sl]
                        accr = accr + rj * cw[j]
                        accl = accl + rj * lw[j]
                    orv[i, sl] = accr
                    olv[i, sl] = accl
                    return carry3

                return lax.fori_loop(0, D // 16, d_body, carry2, unroll=2)

            lax.fori_loop(0, CHUNK, node_body, 0)
            row0 = nbase + ck * CHUNK
            pltpu.async_copy(orv, prer_hbm.at[pl.ds(row0, CHUNK)], ssem[b])
            pltpu.async_copy(olv, prel_hbm.at[pl.ds(row0, CHUNK)], ssem[b])

        fire(0, 0)

        def outer(k, carry):
            fire(2 * k + 1, 1)

            @pl.when(k > 0)
            def _():
                wait_stores(0)

            wait_rows(0)
            compute(2 * k, 0)

            @pl.when(k < NCHUNK // 2 - 1)
            def _():
                fire(2 * k + 2, 0)

            @pl.when(k > 0)
            def _():
                wait_stores(1)

            wait_rows(1)
            compute(2 * k + 1, 1)
            return carry

        lax.fori_loop(0, NCHUNK // 2, outer, 0)
        wait_stores(0)
        wait_stores(1)

    return run(h0, gidx, crm, clm)


def _stage3(h, t1, pre_r, pre_l, wr1, wl1, prev):
    off = h * NTILES
    body = _stage3_body if h == 0 else (
        lambda p, a, b_, c_, d_, e_, o: _stage3_body(a, b_, c_, d_, e_, o))
    in_specs = [
        _row_spec(), _row_spec(), _row_spec(),
        _full_spec(), _full_spec(),
    ]
    args = (t1, pre_r, pre_l, wr1, wl1)
    kwargs = {}
    if h == 1:
        in_specs = [pl.BlockSpec(memory_space=pl.ANY)] + in_specs
        args = (prev,) + args
        kwargs = dict(input_output_aliases={0: 0})
    return pl.pallas_call(
        body,
        grid=(NTILES,),
        in_specs=in_specs,
        out_specs=pl.BlockSpec((TN, D), lambda i: (i + off, 0)),
        out_shape=jax.ShapeDtypeStruct((BN, D), jnp.float32),
        **kwargs,
    )(*args)


def kernel(nodes, children, children_embedding,
           w_t_0, w_r_0, w_l_0, b_0, w_t_1, w_r_1, w_l_1, b_1):
    nodes2 = nodes.reshape(BN, D)
    ce2 = children_embedding.reshape(BN, C, D)
    ch2 = children.reshape(BN, C).astype(jnp.int32)
    b0r = b_0.reshape(1, D)
    b1r = b_1.reshape(1, D)

    stage1_res = []
    for h in range(2):
        stage1_res.append(_stage1(
            h, nodes2, ce2, ch2,
            w_t_0, w_r_0, w_l_0, b0r, w_t_1, b1r))

    out = None
    for h in range(2):
        h0, t1, gidx, crm_b, clm_b = stage1_res[h]
        pre_r, pre_l = _stage2_sc(h0, gidx.reshape(M * C), crm_b, clm_b)
        out = _stage3(h, t1, pre_r, pre_l, w_r_1, w_l_1, out)

    return out.reshape(B, N, D)

# --- scband reference (transcript-rebuilt; emitter-appended) ---
"""Pipeline reference for scband-convolution-layer-2439541424849 (READ-ONLY COPY).

The authoritative reference and input builder live on the scoring server;
editing this copy changes nothing except your own understanding.
"""

import jax, jax.numpy as jnp
import numpy as np

B, N, C, D = 4, 1024, 8, 512
NUM_LAYERS = 2


def setup_inputs(seed: int = 0):
    key = jax.random.key(seed)
    ks = jax.random.split(key, 3 + 4 * NUM_LAYERS)
    inp = {
        "nodes": jax.random.normal(ks[0], (B, N, D), dtype=jnp.float32),
        "children": jax.random.randint(ks[1], (B, N, C), 0, N, dtype=jnp.int64) if jax.config.jax_enable_x64 else jax.random.randint(ks[1], (B, N, C), 0, N, dtype=jnp.int32),
        "children_embedding": jax.random.normal(ks[2], (B, N, C, D), dtype=jnp.float32),
    }
    for i in range(NUM_LAYERS):
        base = 3 + 4 * i
        inp[f"w_t_{i}"] = jax.random.normal(ks[base + 0], (D, D), dtype=jnp.float32) / np.sqrt(D)
        inp[f"w_r_{i}"] = jax.random.normal(ks[base + 1], (D, D), dtype=jnp.float32) / np.sqrt(D)
        inp[f"w_l_{i}"] = jax.random.normal(ks[base + 2], (D, D), dtype=jnp.float32) / np.sqrt(D)
        inp[f"b_{i}"] = jax.random.normal(ks[base + 3], (D,), dtype=jnp.float32) * 0.01
    return inp


def _gen_children_embeddings(parent_nodes, children):
    # faithful port of gen_children_embeddings: index 0 maps to zero vector
    b, n, d = parent_nodes.shape
    zero_vecs = jnp.zeros((b, 1, d), dtype=parent_nodes.dtype)
    vector_lookup = jnp.concatenate([zero_vecs, parent_nodes[:, 1:, :]], axis=1)
    bidx = jnp.arange(b)[:, None, None]
    return vector_lookup[bidx, children]


def _conv_node(nodes, children, children_emb, w_t, w_r, w_l, b_conv):
    # TBCNN conv step (ConvNode): positional coefficients eta_t / eta_r / eta_l
    bs, n, c = children.shape
    tree = jnp.concatenate([nodes[:, :, None, :], children_emb], axis=2)  # [b,n,c+1,f]
    c_t = jnp.concatenate([jnp.ones((bs, n, 1), jnp.float32), jnp.zeros((bs, n, c), jnp.float32)], axis=2)
    num_sib = jnp.sum((children != 0).astype(jnp.float32), axis=2, keepdims=True)
    num_sib = jnp.tile(num_sib, (1, 1, c + 1))
    mask = jnp.concatenate(
        [jnp.zeros((bs, n, 1), jnp.float32), jnp.minimum(children.astype(jnp.float32), 1.0)], axis=2)
    child_idx = jnp.arange(-1.0, float(c), 1.0, dtype=jnp.float32)[None, None, :] * mask
    singles = jnp.concatenate(
        [jnp.zeros((bs, n, 1), jnp.float32), jnp.full((bs, n, 1), 0.5, jnp.float32),
         jnp.zeros((bs, n, c - 1), jnp.float32)], axis=2)
    denom = jnp.where(num_sib == 1.0, 1.0, num_sib - 1.0)
    c_r = jnp.where(num_sib == 1.0, singles, (1.0 - c_t) * child_idx / denom)
    c_l = (1.0 - c_t) * (1.0 - c_r) * mask
    coef = jnp.stack([c_t, c_r, c_l], axis=3)            # [b,n,c+1,3]
    weights = jnp.stack([w_t, w_r, w_l], axis=0)         # [3,f,o]
    pre = jnp.einsum('bnck,bncf->bnkf', coef, tree)      # [b,n,3,f]
    out = jnp.einsum('bnkf,kfo->bno', pre, weights) + b_conv
    return jnp.tanh(out)


def reference(nodes, children, children_embedding,
              w_t_0, w_r_0, w_l_0, b_0,
              w_t_1, w_r_1, w_l_1, b_1):
    params = [(w_t_0, w_r_0, w_l_0, b_0), (w_t_1, w_r_1, w_l_1, b_1)]
    x = nodes
    ce = children_embedding
    for (wt, wr, wl, bb) in params:
        x = _conv_node(x, children, ce, wt, wr, wl, bb)
        ce = _gen_children_embeddings(x, children)
    return x

if __name__ == "__main__":
    import jax
    _d = setup_inputs()
    print(jax.jit(kernel)(*tuple(_d.values())))

</pallas_src>

<mosaic_0001>
#map = affine_map<(d0, d1) -> (0, 0)>
#map1 = affine_map<(d0, d1) -> (0)>
module attributes {stable_mosaic.version = 14 : i64} {
  func.func @run(%arg0: i32, %arg1: i32, %arg2: memref<2048x512xf32, #tpu.memory_space<hbm>>, %arg3: memref<16384xi32, #tpu.memory_space<hbm>>, %arg4: memref<2048x128xf32, #tpu.memory_space<hbm>>, %arg5: memref<2048x128xf32, #tpu.memory_space<hbm>>, %arg6: memref<2048x512xf32, #tpu.memory_space<hbm>>, %arg7: memref<2048x512xf32, #tpu.memory_space<hbm>>, %arg8: memref<512xi32, #tpu.memory_space<vmem>>, %arg9: memref<64x128xf32, #tpu.memory_space<vmem>>, %arg10: memref<64x128xf32, #tpu.memory_space<vmem>>, %arg11: memref<64x512xf32, #tpu.memory_space<vmem>>, %arg12: memref<64x512xf32, #tpu.memory_space<vmem>>, %arg13: memref<8x512xf32, #tpu.memory_space<vmem>>, %arg14: memref<8x512xf32, #tpu.memory_space<vmem>>, %arg15: memref<8x512xf32, #tpu.memory_space<vmem>>, %arg16: memref<8x512xf32, #tpu.memory_space<vmem>>, %arg17: memref<!tpu.dma_semaphore, #tpu.memory_space<semaphore_mem>>, %arg18: memref<!tpu.dma_semaphore, #tpu.memory_space<semaphore_mem>>, %arg19: memref<!tpu.dma_semaphore, #tpu.memory_space<semaphore_mem>>, %arg20: memref<!tpu.dma_semaphore, #tpu.memory_space<semaphore_mem>>) attributes {dimension_semantics = [#tpu.dimension_semantics<core_parallel>, #tpu.dimension_semantics<subcore_parallel>], iteration_bounds = array<i64: 2, 16>, scalar_prefetch = 0 : i64, scratch_operands = 13 : i64, tpu.core_type = #tpu.core_type<sc_vector_subcore>, window_params = [{transform_indices = #map}, {transform_indices = #map1}, {transform_indices = #map}, {transform_indices = #map}, {transform_indices = #map}, {transform_indices = #map}]} {
    %mul3A = arith.constant 2 : i32
    %mul3A_0 = arith.muli %arg1, %mul3A : i32
    %add3A = arith.addi %mul3A_0, %arg0 : i32
    %mul3A_1 = arith.constant 512 : i32
    %mul3A_2 = arith.muli %add3A, %mul3A_1 : i32
    %mul3A_3 = arith.constant 64 : i32
    %mul3A_4 = arith.muli %add3A, %mul3A_3 : i32
    "tpu.region"() ({
      %run_scoped3A = tpu.sem_alloc : memref<!tpu.dma_semaphore, #tpu.memory_space<semaphore_mem>>
      %dma_start3A_37 = tpu.memref_slice %arg3[%mul3A_2] : memref<16384xi32, #tpu.memory_space<hbm>> -> memref<512xi32, #tpu.memory_space<hbm>>
      %dma_start3A_38 = tpu.memref_slice %arg3[%mul3A_2] : memref<16384xi32, #tpu.memory_space<hbm>> -> memref<512xi32, #tpu.memory_space<hbm>>
      tpu.enqueue_dma source(%dma_start3A_38 : memref<512xi32, #tpu.memory_space<hbm>>) target(%arg8 : memref<512xi32, #tpu.memory_space<vmem>>) target_semaphore(%run_scoped3A : memref<!tpu.dma_semaphore, #tpu.memory_space<semaphore_mem>>)
      %dma_wait3A_39 = tpu.memref_slice %arg3[%mul3A_2] : memref<16384xi32, #tpu.memory_space<hbm>> -> memref<512xi32, #tpu.memory_space<hbm>>
      %dma_wait3A_40 = tpu.memref_slice %arg3[%mul3A_2] : memref<16384xi32, #tpu.memory_space<hbm>> -> memref<512xi32, #tpu.memory_space<hbm>>
      tpu.wait_dma2 semaphore(%run_scoped3A : memref<!tpu.dma_semaphore, #tpu.memory_space<semaphore_mem>>) src(%dma_wait3A_40 : memref<512xi32, #tpu.memory_space<hbm>>) dst(%arg8 : memref<512xi32, #tpu.memory_space<vmem>>)
      tpu.yield
    }) : () -> ()
    "tpu.region"() ({
      %run_scoped3A = tpu.sem_alloc : memref<!tpu.dma_semaphore, #tpu.memory_space<semaphore_mem>>
      %dma_start3A_37 = arith.constant 0 : i32
      %dma_start3A_38 = tpu.memref_slice %arg4[%mul3A_4, %dma_start3A_37] : memref<2048x128xf32, #tpu.memory_space<hbm>> -> memref<64x128xf32, #tpu.memory_space<hbm>>
      %dma_start3A_39 = arith.constant 0 : i32
      %dma_start3A_40 = tpu.memref_slice %arg4[%mul3A_4, %dma_start3A_39] : memref<2048x128xf32, #tpu.memory_space<hbm>> -> memref<64x128xf32, #tpu.memory_space<hbm>>
      tpu.enqueue_dma source(%dma_start3A_40 : memref<64x128xf32, #tpu.memory_space<hbm>>) target(%arg9 : memref<64x128xf32, #tpu.memory_space<vmem>>) target_semaphore(%run_scoped3A : memref<!tpu.dma_semaphore, #tpu.memory_space<semaphore_mem>>)
      %dma_wait3A_41 = arith.constant 0 : i32
      %dma_wait3A_42 = tpu.memref_slice %arg4[%mul3A_4, %dma_wait3A_41] : memref<2048x128xf32, #tpu.memory_space<hbm>> -> memref<64x128xf32, #tpu.memory_space<hbm>>
      %dma_wait3A_43 = arith.constant 0 : i32
      %dma_wait3A_44 = tpu.memref_slice %arg4[%mul3A_4, %dma_wait3A_43] : memref<2048x128xf32, #tpu.memory_space<hbm>> -> memref<64x128xf32, #tpu.memory_space<hbm>>
      tpu.wait_dma2 semaphore(%run_scoped3A : memref<!tpu.dma_semaphore, #tpu.memory_space<semaphore_mem>>) src(%dma_wait3A_44 : memref<64x128xf32, #tpu.memory_space<hbm>>) dst(%arg9 : memref<64x128xf32, #tpu.memory_space<vmem>>)
      tpu.yield
    }) : () -> ()
    "tpu.region"() ({
      %run_scoped3A = tpu.sem_alloc : memref<!tpu.dma_semaphore, #tpu.memory_space<semaphore_mem>>
      %dma_start3A_37 = arith.constant 0 : i32
      %dma_start3A_38 = tpu.memref_slice %arg5[%mul3A_4, %dma_start3A_37] : memref<2048x128xf32, #tpu.memory_space<hbm>> -> memref<64x128xf32, #tpu.memory_space<hbm>>
      %dma_start3A_39 = arith.constant 0 : i32
      %dma_start3A_40 = tpu.memref_slice %arg5[%mul3A_4, %dma_start3A_39] : memref<2048x128xf32, #tpu.memory_space<hbm>> -> memref<64x128xf32, #tpu.memory_space<hbm>>
      tpu.enqueue_dma source(%dma_start3A_40 : memref<64x128xf32, #tpu.memory_space<hbm>>) target(%arg10 : memref<64x128xf32, #tpu.memory_space<vmem>>) target_semaphore(%run_scoped3A : memref<!tpu.dma_semaphore, #tpu.memory_space<semaphore_mem>>)
      %dma_wait3A_41 = arith.constant 0 : i32
      %dma_wait3A_42 = tpu.memref_slice %arg5[%mul3A_4, %dma_wait3A_41] : memref<2048x128xf32, #tpu.memory_space<hbm>> -> memref<64x128xf32, #tpu.memory_space<hbm>>
      %dma_wait3A_43 = arith.constant 0 : i32
      %dma_wait3A_44 = tpu.memref_slice %arg5[%mul3A_4, %dma_wait3A_43] : memref<2048x128xf32, #tpu.memory_space<hbm>> -> memref<64x128xf32, #tpu.memory_space<hbm>>
      tpu.wait_dma2 semaphore(%run_scoped3A : memref<!tpu.dma_semaphore, #tpu.memory_space<semaphore_mem>>) src(%dma_wait3A_44 : memref<64x128xf32, #tpu.memory_space<hbm>>) dst(%arg10 : memref<64x128xf32, #tpu.memory_space<vmem>>)
      tpu.yield
    }) : () -> ()
    %dma_start3A = arith.constant 0 : i32
    %dma_start3A_5 = tpu.memref_slice %arg8[%dma_start3A] : memref<512xi32, #tpu.memory_space<vmem>> -> memref<64xi32, #tpu.memory_space<vmem>>
    %dma_start3A_6 = arith.constant 0 : i32
    %dma_start3A_7 = arith.constant 0 : i32
    %dma_start3A_8 = tpu.memref_slice %arg2[%dma_start3A_6, %dma_start3A_7] : memref<2048x512xf32, #tpu.memory_space<hbm>> -> memref<2048x512xf32, #tpu.memory_space<hbm>>
    tpu.enqueue_indirect_dma source(%dma_start3A_8 : memref<2048x512xf32, #tpu.memory_space<hbm>>) target(%arg11 : memref<64x512xf32, #tpu.memory_space<vmem>>) offsets(%dma_start3A_5 : memref<64xi32, #tpu.memory_space<vmem>>) semaphore(%arg17 : memref<!tpu.dma_semaphore, #tpu.memory_space<semaphore_mem>>)
    %scan3A = arith.constant 0 : i32
    %scan3A_9 = arith.constant 0 : i32
    %scan3A_10 = arith.constant 4 : i32
    %scan3A_11 = arith.addi %scan3A_9, %scan3A_10 : i32
    %scan3A_12 = arith.constant 1 : i32
    scf.for %scan3A_37 = %scan3A_9 to %scan3A_11 step %scan3A_12  : i32 {
      %mul3A_38 = arith.constant 2 : i32
      %mul3A_39 = arith.muli %mul3A_38, %scan3A_37 : i32
      %add3A_40 = arith.constant 1 : i32
      %add3A_41 = arith.addi %mul3A_39, %add3A_40 : i32
      %mul3A_42 = arith.constant 64 : i32
      %mul3A_43 = arith.muli %add3A_41, %mul3A_42 : i32
      %dma_start3A_44 = tpu.memref_slice %arg8[%mul3A_43] : memref<512xi32, #tpu.memory_space<vmem>> -> memref<64xi32, #tpu.memory_space<vmem>>
      %dma_start3A_45 = arith.constant 0 : i32
      %dma_start3A_46 = arith.constant 0 : i32
      %dma_start3A_47 = tpu.memref_slice %arg2[%dma_start3A_45, %dma_start3A_46] : memref<2048x512xf32, #tpu.memory_space<hbm>> -> memref<2048x512xf32, #tpu.memory_space<hbm>>
      tpu.enqueue_indirect_dma source(%dma_start3A_47 : memref<2048x512xf32, #tpu.memory_space<hbm>>) target(%arg12 : memref<64x512xf32, #tpu.memory_space<vmem>>) offsets(%dma_start3A_44 : memref<64xi32, #tpu.memory_space<vmem>>) semaphore(%arg18 : memref<!tpu.dma_semaphore, #tpu.memory_space<semaphore_mem>>)
      %gt3A = arith.constant 0 : i32
      %gt3A_48 = arith.cmpi sgt, %scan3A_37, %gt3A : i32
      %convert_element_type3A = arith.extui %gt3A_48 : i1 to i32
      %cond3A = arith.constant 0 : i32
      %cond3A_49 = arith.cmpi ne, %convert_element_type3A, %cond3A : i32
      scf.if %cond3A_49 {
        %dma_wait3A_111 = arith.constant 0 : i32
        %dma_wait3A_112 = arith.constant 0 : i32
        %dma_wait3A_113 = tpu.memref_slice %arg6[%dma_wait3A_111, %dma_wait3A_112] : memref<2048x512xf32, #tpu.memory_space<hbm>> -> memref<8x512xf32, #tpu.memory_space<hbm>>
        %dma_wait3A_114 = arith.constant 0 : i32
        %dma_wait3A_115 = arith.constant 0 : i32
        %dma_wait3A_116 = tpu.memref_slice %arg6[%dma_wait3A_114, %dma_wait3A_115] : memref<2048x512xf32, #tpu.memory_space<hbm>> -> memref<8x512xf32, #tpu.memory_space<hbm>>
        tpu.wait_dma2 semaphore(%arg19 : memref<!tpu.dma_semaphore, #tpu.memory_space<semaphore_mem>>) src(%arg13 : memref<8x512xf32, #tpu.memory_space<vmem>>) dst(%dma_wait3A_116 : memref<8x512xf32, #tpu.memory_space<hbm>>)
        %dma_wait3A_117 = arith.constant 0 : i32
        %dma_wait3A_118 = arith.constant 0 : i32
        %dma_wait3A_119 = tpu.memref_slice %arg7[%dma_wait3A_117, %dma_wait3A_118] : memref<2048x512xf32, #tpu.memory_space<hbm>> -> memref<8x512xf32, #tpu.memory_space<hbm>>
        %dma_wait3A_120 = arith.constant 0 : i32
        %dma_wait3A_121 = arith.constant 0 : i32
        %dma_wait3A_122 = tpu.memref_slice %arg7[%dma_wait3A_120, %dma_wait3A_121] : memref<2048x512xf32, #tpu.memory_space<hbm>> -> memref<8x512xf32, #tpu.memory_space<hbm>>
        tpu.wait_dma2 semaphore(%arg19 : memref<!tpu.dma_semaphore, #tpu.memory_space<semaphore_mem>>) src(%arg14 : memref<8x512xf32, #tpu.memory_space<vmem>>) dst(%dma_wait3A_122 : memref<8x512xf32, #tpu.memory_space<hbm>>)
      } else {
      }
      %dma_wait3A_50 = arith.constant 0 : i32
      %dma_wait3A_51 = arith.constant 0 : i32
      %dma_wait3A_52 = tpu.memref_slice %arg2[%dma_wait3A_50, %dma_wait3A_51] : memref<2048x512xf32, #tpu.memory_space<hbm>> -> memref<64x512xf32, #tpu.memory_space<hbm>>
      %dma_wait3A_53 = arith.constant 0 : i32
      %dma_wait3A_54 = arith.constant 0 : i32
      %dma_wait3A_55 = tpu.memref_slice %arg2[%dma_wait3A_53, %dma_wait3A_54] : memref<2048x512xf32, #tpu.memory_space<hbm>> -> memref<64x512xf32, #tpu.memory_space<hbm>>
      tpu.wait_dma2 semaphore(%arg17 : memref<!tpu.dma_semaphore, #tpu.memory_space<semaphore_mem>>) src(%dma_wait3A_55 : memref<64x512xf32, #tpu.memory_space<hbm>>) dst(%arg11 : memref<64x512xf32, #tpu.memory_space<vmem>>)
      %mul3A_56 = arith.constant 2 : i32
      %mul3A_57 = arith.muli %mul3A_56, %scan3A_37 : i32
      %scan3A_58 = arith.constant 0 : i32
      %scan3A_59 = arith.constant 0 : i32
      %scan3A_60 = arith.constant 8 : i32
      %scan3A_61 = arith.addi %scan3A_59, %scan3A_60 : i32
      %scan3A_62 = arith.constant 1 : i32
      scf.for %scan3A_111 = %scan3A_59 to %scan3A_61 step %scan3A_62  : i32 {
        %mul3A_112 = arith.constant 8 : i32
        %mul3A_113 = arith.muli %mul3A_57, %mul3A_112 : i32
        %add3A_114 = arith.addi %mul3A_113, %scan3A_111 : i32
        %get3A = arith.index_cast %add3A_114 : i32 to index
        %get3A_115 = arith.constant 0 : index
        %get3A_116 = tpu.vector_load %arg9[%get3A, %get3A_115] {strides = array<i32>} : memref<64x128xf32, #tpu.memory_space<vmem>>, vector<1x16xf32>,
        %get3A_117 = vector.shape_cast %get3A_116 : vector<1x16xf32> to vector<16xf32>
        %get3A_118 = arith.index_cast %add3A_114 : i32 to index
        %get3A_119 = arith.constant 16 : index
        %get3A_120 = tpu.vector_load %arg9[%get3A_118, %get3A_119] {strides = array<i32>} : memref<64x128xf32, #tpu.memory_space<vmem>>, vector<1x16xf32>,
        %get3A_121 = vector.shape_cast %get3A_120 : vector<1x16xf32> to vector<16xf32>
        %get3A_122 = arith.index_cast %add3A_114 : i32 to index
        %get3A_123 = arith.constant 32 : index
        %get3A_124 = tpu.vector_load %arg9[%get3A_122, %get3A_123] {strides = array<i32>} : memref<64x128xf32, #tpu.memory_space<vmem>>, vector<1x16xf32>,
        %get3A_125 = vector.shape_cast %get3A_124 : vector<1x16xf32> to vector<16xf32>
        %get3A_126 = arith.index_cast %add3A_114 : i32 to index
        %get3A_127 = arith.constant 48 : index
        %get3A_128 = tpu.vector_load %arg9[%get3A_126, %get3A_127] {strides = array<i32>} : memref<64x128xf32, #tpu.memory_space<vmem>>, vector<1x16xf32>,
        %get3A_129 = vector.shape_cast %get3A_128 : vector<1x16xf32> to vector<16xf32>
        %get3A_130 = arith.index_cast %add3A_114 : i32 to index
        %get3A_131 = arith.constant 64 : index
        %get3A_132 = tpu.vector_load %arg9[%get3A_130, %get3A_131] {strides = array<i32>} : memref<64x128xf32, #tpu.memory_space<vmem>>, vector<1x16xf32>,
        %get3A_133 = vector.shape_cast %get3A_132 : vector<1x16xf32> to vector<16xf32>
        %get3A_134 = arith.index_cast %add3A_114 : i32 to index
        %get3A_135 = arith.constant 80 : index
        %get3A_136 = tpu.vector_load %arg9[%get3A_134, %get3A_135] {strides = array<i32>} : memref<64x128xf32, #tpu.memory_space<vmem>>, vector<1x16xf32>,
        %get3A_137 = vector.shape_cast %get3A_136 : vector<1x16xf32> to vector<16xf32>
        %get3A_138 = arith.index_cast %add3A_114 : i32 to index
        %get3A_139 = arith.constant 96 : index
        %get3A_140 = tpu.vector_load %arg9[%get3A_138, %get3A_139] {strides = array<i32>} : memref<64x128xf32, #tpu.memory_space<vmem>>, vector<1x16xf32>,
        %get3A_141 = vector.shape_cast %get3A_140 : vector<1x16xf32> to vector<16xf32>
        %get3A_142 = arith.index_cast %add3A_114 : i32 to index
        %get3A_143 = arith.constant 112 : index
        %get3A_144 = tpu.vector_load %arg9[%get3A_142, %get3A_143] {strides = array<i32>} : memref<64x128xf32, #tpu.memory_space<vmem>>, vector<1x16xf32>,
        %get3A_145 = vector.shape_cast %get3A_144 : vector<1x16xf32> to vector<16xf32>
        %get3A_146 = arith.index_cast %add3A_114 : i32 to index
        %get3A_147 = arith.constant 0 : index
        %get3A_148 = tpu.vector_load %arg10[%get3A_146, %get3A_147] {strides = array<i32>} : memref<64x128xf32, #tpu.memory_space<vmem>>, vector<1x16xf32>,
        %get3A_149 = vector.shape_cast %get3A_148 : vector<1x16xf32> to vector<16xf32>
        %get3A_150 = arith.index_cast %add3A_114 : i32 to index
        %get3A_151 = arith.constant 16 : index
        %get3A_152 = tpu.vector_load %arg10[%get3A_150, %get3A_151] {strides = array<i32>} : memref<64x128xf32, #tpu.memory_space<vmem>>, vector<1x16xf32>,
        %get3A_153 = vector.shape_cast %get3A_152 : vector<1x16xf32> to vector<16xf32>
        %get3A_154 = arith.index_cast %add3A_114 : i32 to index
        %get3A_155 = arith.constant 32 : index
        %get3A_156 = tpu.vector_load %arg10[%get3A_154, %get3A_155] {strides = array<i32>} : memref<64x128xf32, #tpu.memory_space<vmem>>, vector<1x16xf32>,
        %get3A_157 = vector.shape_cast %get3A_156 : vector<1x16xf32> to vector<16xf32>
        %get3A_158 = arith.index_cast %add3A_114 : i32 to index
        %get3A_159 = arith.constant 48 : index
        %get3A_160 = tpu.vector_load %arg10[%get3A_158, %get3A_159] {strides = array<i32>} : memref<64x128xf32, #tpu.memory_space<vmem>>, vector<1x16xf32>,
        %get3A_161 = vector.shape_cast %get3A_160 : vector<1x16xf32> to vector<16xf32>
        %get3A_162 = arith.index_cast %add3A_114 : i32 to index
        %get3A_163 = arith.constant 64 : index
        %get3A_164 = tpu.vector_load %arg10[%get3A_162, %get3A_163] {strides = array<i32>} : memref<64x128xf32, #tpu.memory_space<vmem>>, vector<1x16xf32>,
        %get3A_165 = vector.shape_cast %get3A_164 : vector<1x16xf32> to vector<16xf32>
        %get3A_166 = arith.index_cast %add3A_114 : i32 to index
        %get3A_167 = arith.constant 80 : index
        %get3A_168 = tpu.vector_load %arg10[%get3A_166, %get3A_167] {strides = array<i32>} : memref<64x128xf32, #tpu.memory_space<vmem>>, vector<1x16xf32>,
        %get3A_169 = vector.shape_cast %get3A_168 : vector<1x16xf32> to vector<16xf32>
        %get3A_170 = arith.index_cast %add3A_114 : i32 to index
        %get3A_171 = arith.constant 96 : index
        %get3A_172 = tpu.vector_load %arg10[%get3A_170, %get3A_171] {strides = array<i32>} : memref<64x128xf32, #tpu.memory_space<vmem>>, vector<1x16xf32>,
        %get3A_173 = vector.shape_cast %get3A_172 : vector<1x16xf32> to vector<16xf32>
        %get3A_174 = arith.index_cast %add3A_114 : i32 to index
        %get3A_175 = arith.constant 112 : index
        %get3A_176 = tpu.vector_load %arg10[%get3A_174, %get3A_175] {strides = array<i32>} : memref<64x128xf32, #tpu.memory_space<vmem>>, vector<1x16xf32>,
        %get3A_177 = vector.shape_cast %get3A_176 : vector<1x16xf32> to vector<16xf32>
        %scan3A_178 = arith.constant 0 : i32
        %scan3A_179 = arith.constant 32 : i32
        %scan3A_180 = arith.addi %scan3A_178, %scan3A_179 : i32
        %scan3A_181 = arith.constant 2 : i32
        scf.for %scan3A_183 = %scan3A_178 to %scan3A_180 step %scan3A_181  : i32 {
          %mul3A_184 = arith.constant 16 : i32
          %mul3A_185 = arith.muli %scan3A_183, %mul3A_184 : i32
          %mul3A_186 = arith.constant 8 : i32
          %mul3A_187 = arith.muli %scan3A_111, %mul3A_186 : i32
          %get3A_188 = arith.index_cast %mul3A_187 : i32 to index
          %get3A_189 = arith.index_cast %mul3A_185 : i32 to index
          %get3A_190 = tpu.vector_load %arg11[%get3A_188, %get3A_189] {strides = array<i32>} : memref<64x512xf32, #tpu.memory_space<vmem>>, vector<1x16xf32>,
          %get3A_191 = vector.shape_cast %get3A_190 : vector<1x16xf32> to vector<16xf32>
          %mul3A_192 = arith.mulf %get3A_191, %get3A_117 : vector<16xf32>
          %mul3A_193 = arith.mulf %get3A_191, %get3A_149 : vector<16xf32>
          %mul3A_194 = arith.constant 8 : i32
          %mul3A_195 = arith.muli %scan3A_111, %mul3A_194 : i32
          %add3A_196 = arith.constant 1 : i32
          %add3A_197 = arith.addi %mul3A_195, %add3A_196 : i32
          %get3A_198 = arith.index_cast %add3A_197 : i32 to index
          %get3A_199 = arith.index_cast %mul3A_185 : i32 to index
          %get3A_200 = tpu.vector_load %arg11[%get3A_198, %get3A_199] {strides = array<i32>} : memref<64x512xf32, #tpu.memory_space<vmem>>, vector<1x16xf32>,
          %get3A_201 = vector.shape_cast %get3A_200 : vector<1x16xf32> to vector<16xf32>
          %mul3A_202 = arith.mulf %get3A_201, %get3A_121 : vector<16xf32>
          %add3A_203 = arith.addf %mul3A_192, %mul3A_202 : vector<16xf32>
          %mul3A_204 = arith.mulf %get3A_201, %get3A_153 : vector<16xf32>
          %add3A_205 = arith.addf %mul3A_193, %mul3A_204 : vector<16xf32>
          %mul3A_206 = arith.constant 8 : i32
          %mul3A_207 = arith.muli %scan3A_111, %mul3A_206 : i32
          %add3A_208 = arith.constant 2 : i32
          %add3A_209 = arith.addi %mul3A_207, %add3A_208 : i32
          %get3A_210 = arith.index_cast %add3A_209 : i32 to index
          %get3A_211 = arith.index_cast %mul3A_185 : i32 to index
          %get3A_212 = tpu.vector_load %arg11[%get3A_210, %get3A_211] {strides = array<i32>} : memref<64x512xf32, #tpu.memory_space<vmem>>, vector<1x16xf32>,
          %get3A_213 = vector.shape_cast %get3A_212 : vector<1x16xf32> to vector<16xf32>
          %mul3A_214 = arith.mulf %get3A_213, %get3A_125 : vector<16xf32>
          %add3A_215 = arith.addf %add3A_203, %mul3A_214 : vector<16xf32>
          %mul3A_216 = arith.mulf %get3A_213, %get3A_157 : vector<16xf32>
          %add3A_217 = arith.addf %add3A_205, %mul3A_216 : vector<16xf32>
          %mul3A_218 = arith.constant 8 : i32
          %mul3A_219 = arith.muli %scan3A_111, %mul3A_218 : i32
          %add3A_220 = arith.constant 3 : i32
          %add3A_221 = arith.addi %mul3A_219, %add3A_220 : i32
          %get3A_222 = arith.index_cast %add3A_221 : i32 to index
          %get3A_223 = arith.index_cast %mul3A_185 : i32 to index
          %get3A_224 = tpu.vector_load %arg11[%get3A_222, %get3A_223] {strides = array<i32>} : memref<64x512xf32, #tpu.memory_space<vmem>>, vector<1x16xf32>,
          %get3A_225 = vector.shape_cast %get3A_224 : vector<1x16xf32> to vector<16xf32>
          %mul3A_226 = arith.mulf %get3A_225, %get3A_129 : vector<16xf32>
          %add3A_227 = arith.addf %add3A_215, %mul3A_226 : vector<16xf32>
          %mul3A_228 = arith.mulf %get3A_225, %get3A_161 : vector<16xf32>
          %add3A_229 = arith.addf %add3A_217, %mul3A_228 : vector<16xf32>
          %mul3A_230 = arith.constant 8 : i32
          %mul3A_231 = arith.muli %scan3A_111, %mul3A_230 : i32
          %add3A_232 = arith.constant 4 : i32
          %add3A_233 = arith.addi %mul3A_231, %add3A_232 : i32
          %get3A_234 = arith.index_cast %add3A_233 : i32 to index
          %get3A_235 = arith.index_cast %mul3A_185 : i32 to index
          %get3A_236 = tpu.vector_load %arg11[%get3A_234, %get3A_235] {strides = array<i32>} : memref<64x512xf32, #tpu.memory_space<vmem>>, vector<1x16xf32>,
          %get3A_237 = vector.shape_cast %get3A_236 : vector<1x16xf32> to vector<16xf32>
          %mul3A_238 = arith.mulf %get3A_237, %get3A_133 : vector<16xf32>
          %add3A_239 = arith.addf %add3A_227, %mul3A_238 : vector<16xf32>
          %mul3A_240 = arith.mulf %get3A_237, %get3A_165 : vector<16xf32>
          %add3A_241 = arith.addf %add3A_229, %mul3A_240 : vector<16xf32>
          %mul3A_242 = arith.constant 8 : i32
          %mul3A_243 = arith.muli %scan3A_111, %mul3A_242 : i32
          %add3A_244 = arith.constant 5 : i32
          %add3A_245 = arith.addi %mul3A_243, %add3A_244 : i32
          %get3A_246 = arith.index_cast %add3A_245 : i32 to index
          %get3A_247 = arith.index_cast %mul3A_185 : i32 to index
          %get3A_248 = tpu.vector_load %arg11[%get3A_246, %get3A_247] {strides = array<i32>} : memref<64x512xf32, #tpu.memory_space<vmem>>, vector<1x16xf32>,
          %get3A_249 = vector.shape_cast %get3A_248 : vector<1x16xf32> to vector<16xf32>
          %mul3A_250 = arith.mulf %get3A_249, %get3A_137 : vector<16xf32>
          %add3A_251 = arith.addf %add3A_239, %mul3A_250 : vector<16xf32>
          %mul3A_252 = arith.mulf %get3A_249, %get3A_169 : vector<16xf32>
          %add3A_253 = arith.addf %add3A_241, %mul3A_252 : vector<16xf32>
          %mul3A_254 = arith.constant 8 : i32
          %mul3A_255 = arith.muli %scan3A_111, %mul3A_254 : i32
          %add3A_256 = arith.constant 6 : i32
          %add3A_257 = arith.addi %mul3A_255, %add3A_256 : i32
          %get3A_258 = arith.index_cast %add3A_257 : i32 to index
          %get3A_259 = arith.index_cast %mul3A_185 : i32 to index
          %get3A_260 = tpu.vector_load %arg11[%get3A_258, %get3A_259] {strides = array<i32>} : memref<64x512xf32, #tpu.memory_space<vmem>>, vector<1x16xf32>,
          %get3A_261 = vector.shape_cast %get3A_260 : vector<1x16xf32> to vector<16xf32>
          %mul3A_262 = arith.mulf %get3A_261, %get3A_141 : vector<16xf32>
          %add3A_263 = arith.addf %add3A_251, %mul3A_262 : vector<16xf32>
          %mul3A_264 = arith.mulf %get3A_261, %get3A_173 : vector<16xf32>
          %add3A_265 = arith.addf %add3A_253, %mul3A_264 : vector<16xf32>
          %mul3A_266 = arith.constant 8 : i32
          %mul3A_267 = arith.muli %scan3A_111, %mul3A_266 : i32
          %add3A_268 = arith.constant 7 : i32
          %add3A_269 = arith.addi %mul3A_267, %add3A_268 : i32
          %get3A_270 = arith.index_cast %add3A_269 : i32 to index
          %get3A_271 = arith.index_cast %mul3A_185 : i32 to index
          %get3A_272 = tpu.vector_load %arg11[%get3A_270, %get3A_271] {strides = array<i32>} : memref<64x512xf32, #tpu.memory_space<vmem>>, vector<1x16xf32>,
          %get3A_273 = vector.shape_cast %get3A_272 : vector<1x16xf32> to vector<16xf32>
          %mul3A_274 = arith.mulf %get3A_273, %get3A_145 : vector<16xf32>
          %add3A_275 = arith.addf %add3A_263, %mul3A_274 : vector<16xf32>
          %mul3A_276 = arith.mulf %get3A_273, %get3A_177 : vector<16xf32>
          %add3A_277 = arith.addf %add3A_265, %mul3A_276 : vector<16xf32>
          %swap3A = arith.index_cast %scan3A_111 : i32 to index
          %swap3A_278 = arith.index_cast %mul3A_185 : i32 to index
          %swap3A_279 = tpu.vector_load %arg13[%swap3A, %swap3A_278] {strides = array<i32>} : memref<8x512xf32, #tpu.memory_space<vmem>>, vector<1x16xf32>,
          %swap3A_280 = vector.shape_cast %swap3A_279 : vector<1x16xf32> to vector<16xf32>
          %swap3A_281 = vector.shape_cast %add3A_275 : vector<16xf32> to vector<1x16xf32>
          tpu.vector_store %arg13[%swap3A, %swap3A_278], %swap3A_281 {strides = array<i32>} : memref<8x512xf32, #tpu.memory_space<vmem>>, vector<1x16xf32>,
          %swap3A_282 = arith.index_cast %scan3A_111 : i32 to index
          %swap3A_283 = arith.index_cast %mul3A_185 : i32 to index
          %swap3A_284 = tpu.vector_load %arg14[%swap3A_282, %swap3A_283] {strides = array<i32>} : memref<8x512xf32, #tpu.memory_space<vmem>>, vector<1x16xf32>,
          %swap3A_285 = vector.shape_cast %swap3A_284 : vector<1x16xf32> to vector<16xf32>
          %swap3A_286 = vector.shape_cast %add3A_277 : vector<16xf32> to vector<1x16xf32>
          tpu.vector_store %arg14[%swap3A_282, %swap3A_283], %swap3A_286 {strides = array<i32>} : memref<8x512xf32, #tpu.memory_space<vmem>>, vector<1x16xf32>,
          %scan3A_287 = arith.constant 1 : i32
          %scan3A_288 = arith.addi %scan3A_183, %scan3A_287 : i32
          %mul3A_289 = arith.constant 16 : i32
          %mul3A_290 = arith.muli %scan3A_288, %mul3A_289 : i32
          %mul3A_291 = arith.constant 8 : i32
          %mul3A_292 = arith.muli %scan3A_111, %mul3A_291 : i32
          %get3A_293 = arith.index_cast %mul3A_292 : i32 to index
          %get3A_294 = arith.index_cast %mul3A_290 : i32 to index
          %get3A_295 = tpu.vector_load %arg11[%get3A_293, %get3A_294] {strides = array<i32>} : memref<64x512xf32, #tpu.memory_space<vmem>>, vector<1x16xf32>,
          %get3A_296 = vector.shape_cast %get3A_295 : vector<1x16xf32> to vector<16xf32>
          %mul3A_297 = arith.mulf %get3A_296, %get3A_117 : vector<16xf32>
          %mul3A_298 = arith.mulf %get3A_296, %get3A_149 : vector<16xf32>
          %mul3A_299 = arith.constant 8 : i32
          %mul3A_300 = arith.muli %scan3A_111, %mul3A_299 : i32
          %add3A_301 = arith.constant 1 : i32
          %add3A_302 = arith.addi %mul3A_300, %add3A_301 : i32
          %get3A_303 = arith.index_cast %add3A_302 : i32 to index
          %get3A_304 = arith.index_cast %mul3A_290 : i32 to index
          %get3A_305 = tpu.vector_load %arg11[%get3A_303, %get3A_304] {strides = array<i32>} : memref<64x512xf32, #tpu.memory_space<vmem>>, vector<1x16xf32>,
          %get3A_306 = vector.shape_cast %get3A_305 : vector<1x16xf32> to vector<16xf32>
          %mul3A_307 = arith.mulf %get3A_306, %get3A_121 : vector<16xf32>
          %add3A_308 = arith.addf %mul3A_297, %mul3A_307 : vector<16xf32>
          %mul3A_309 = arith.mulf %get3A_306, %get3A_153 : vector<16xf32>
          %add3A_310 = arith.addf %mul3A_298, %mul3A_309 : vector<16xf32>
          %mul3A_311 = arith.constant 8 : i32
          %mul3A_312 = arith.muli %scan3A_111, %mul3A_311 : i32
          %add3A_313 = arith.constant 2 : i32
          %add3A_314 = arith.addi %mul3A_312, %add3A_313 : i32
          %get3A_315 = arith.index_cast %add3A_314 : i32 to index
          %get3A_316 = arith.index_cast %mul3A_290 : i32 to index
          %get3A_317 = tpu.vector_load %arg11[%get3A_315, %get3A_316] {strides = array<i32>} : memref<64x512xf32, #tpu.memory_space<vmem>>, vector<1x16xf32>,
          %get3A_318 = vector.shape_cast %get3A_317 : vector<1x16xf32> to vector<16xf32>
          %mul3A_319 = arith.mulf %get3A_318, %get3A_125 : vector<16xf32>
          %add3A_320 = arith.addf %add3A_308, %mul3A_319 : vector<16xf32>
          %mul3A_321 = arith.mulf %get3A_318, %get3A_157 : vector<16xf32>
          %add3A_322 = arith.addf %add3A_310, %mul3A_321 : vector<16xf32>
          %mul3A_323 = arith.constant 8 : i32
          %mul3A_324 = arith.muli %scan3A_111, %mul3A_323 : i32
          %add3A_325 = arith.constant 3 : i32
          %add3A_326 = arith.addi %mul3A_324, %add3A_325 : i32
          %get3A_327 = arith.index_cast %add3A_326 : i32 to index
          %get3A_328 = arith.index_cast %mul3A_290 : i32 to index
          %get3A_329 = tpu.vector_load %arg11[%get3A_327, %get3A_328] {strides = array<i32>} : memref<64x512xf32, #tpu.memory_space<vmem>>, vector<1x16xf32>,
          %get3A_330 = vector.shape_cast %get3A_329 : vector<1x16xf32> to vector<16xf32>
          %mul3A_331 = arith.mulf %get3A_330, %get3A_129 : vector<16xf32>
          %add3A_332 = arith.addf %add3A_320, %mul3A_331 : vector<16xf32>
          %mul3A_333 = arith.mulf %get3A_330, %get3A_161 : vector<16xf32>
          %add3A_334 = arith.addf %add3A_322, %mul3A_333 : vector<16xf32>
          %mul3A_335 = arith.constant 8 : i32
          %mul3A_336 = arith.muli %scan3A_111, %mul3A_335 : i32
          %add3A_337 = arith.constant 4 : i32
          %add3A_338 = arith.addi %mul3A_336, %add3A_337 : i32
          %get3A_339 = arith.index_cast %add3A_338 : i32 to index
          %get3A_340 = arith.index_cast %mul3A_290 : i32 to index
          %get3A_341 = tpu.vector_load %arg11[%get3A_339, %get3A_340] {strides = array<i32>} : memref<64x512xf32, #tpu.memory_space<vmem>>, vector<1x16xf32>,
          %get3A_342 = vector.shape_cast %get3A_341 : vector<1x16xf32> to vector<16xf32>
          %mul3A_343 = arith.mulf %get3A_342, %get3A_133 : vector<16xf32>
          %add3A_344 = arith.addf %add3A_332, %mul3A_343 : vector<16xf32>
          %mul3A_345 = arith.mulf %get3A_342, %get3A_165 : vector<16xf32>
          %add3A_346 = arith.addf %add3A_334, %mul3A_345 : vector<16xf32>
          %mul3A_347 = arith.constant 8 : i32
          %mul3A_348 = arith.muli %scan3A_111, %mul3A_347 : i32
          %add3A_349 = arith.constant 5 : i32
          %add3A_350 = arith.addi %mul3A_348, %add3A_349 : i32
          %get3A_351 = arith.index_cast %add3A_350 : i32 to index
          %get3A_352 = arith.index_cast %mul3A_290 : i32 to index
          %get3A_353 = tpu.vector_load %arg11[%get3A_351, %get3A_352] {strides = array<i32>} : memref<64x512xf32, #tpu.memory_space<vmem>>, vector<1x16xf32>,
          %get3A_354 = vector.shape_cast %get3A_353 : vector<1x16xf32> to vector<16xf32>
          %mul3A_355 = arith.mulf %get3A_354, %get3A_137 : vector<16xf32>
          %add3A_356 = arith.addf %add3A_344, %mul3A_355 : vector<16xf32>
          %mul3A_357 = arith.mulf %get3A_354, %get3A_169 : vector<16xf32>
          %add3A_358 = arith.addf %add3A_346, %mul3A_357 : vector<16xf32>
          %mul3A_359 = arith.constant 8 : i32
          %mul3A_360 = arith.muli %scan3A_111, %mul3A_359 : i32
          %add3A_361 = arith.constant 6 : i32
          %add3A_362 = arith.addi %mul3A_360, %add3A_361 : i32
          %get3A_363 = arith.index_cast %add3A_362 : i32 to index
          %get3A_364 = arith.index_cast %mul3A_290 : i32 to index
          %get3A_365 = tpu.vector_load %arg11[%get3A_363, %get3A_364] {strides = array<i32>} : memref<64x512xf32, #tpu.memory_space<vmem>>, vector<1x16xf32>,
          %get3A_366 = vector.shape_cast %get3A_365 : vector<1x16xf32> to vector<16xf32>
          %mul3A_367 = arith.mulf %get3A_366, %get3A_141 : vector<16xf32>
          %add3A_368 = arith.addf %add3A_356, %mul3A_367 : vector<16xf32>
          %mul3A_369 = arith.mulf %get3A_366, %get3A_173 : vector<16xf32>
          %add3A_370 = arith.addf %add3A_358, %mul3A_369 : vector<16xf32>
          %mul3A_371 = arith.constant 8 : i32
          %mul3A_372 = arith.muli %scan3A_111, %mul3A_371 : i32
          %add3A_373 = arith.constant 7 : i32
          %add3A_374 = arith.addi %mul3A_372, %add3A_373 : i32
          %get3A_375 = arith.index_cast %add3A_374 : i32 to index
          %get3A_376 = arith.index_cast %mul3A_290 : i32 to index
          %get3A_377 = tpu.vector_load %arg11[%get3A_375, %get3A_376] {strides = array<i32>} : memref<64x512xf32, #tpu.memory_space<vmem>>, vector<1x16xf32>,
          %get3A_378 = vector.shape_cast %get3A_377 : vector<1x16xf32> to vector<16xf32>
          %mul3A_379 = arith.mulf %get3A_378, %get3A_145 : vector<16xf32>
          %add3A_380 = arith.addf %add3A_368, %mul3A_379 : vector<16xf32>
          %mul3A_381 = arith.mulf %get3A_378, %get3A_177 : vector<16xf32>
          %add3A_382 = arith.addf %add3A_370, %mul3A_381 : vector<16xf32>
          %swap3A_383 = arith.index_cast %scan3A_111 : i32 to index
          %swap3A_384 = arith.index_cast %mul3A_290 : i32 to index
          %swap3A_385 = tpu.vector_load %arg13[%swap3A_383, %swap3A_384] {strides = array<i32>} : memref<8x512xf32, #tpu.memory_space<vmem>>, vector<1x16xf32>,
          %swap3A_386 = vector.shape_cast %swap3A_385 : vector<1x16xf32> to vector<16xf32>
          %swap3A_387 = vector.shape_cast %add3A_380 : vector<16xf32> to vector<1x16xf32>
          tpu.vector_store %arg13[%swap3A_383, %swap3A_384], %swap3A_387 {strides = array<i32>} : memref<8x512xf32, #tpu.memory_space<vmem>>, vector<1x16xf32>,
          %swap3A_388 = arith.index_cast %scan3A_111 : i32 to index
          %swap3A_389 = arith.index_cast %mul3A_290 : i32 to index
          %swap3A_390 = tpu.vector_load %arg14[%swap3A_388, %swap3A_389] {strides = array<i32>} : memref<8x512xf32, #tpu.memory_space<vmem>>, vector<1x16xf32>,
          %swap3A_391 = vector.shape_cast %swap3A_390 : vector<1x16xf32> to vector<16xf32>
          %swap3A_392 = vector.shape_cast %add3A_382 : vector<16xf32> to vector<1x16xf32>
          tpu.vector_store %arg14[%swap3A_388, %swap3A_389], %swap3A_392 {strides = array<i32>} : memref<8x512xf32, #tpu.memory_space<vmem>>, vector<1x16xf32>,
        }
        %scan3A_182 = arith.constant 32 : i32
      }
      %scan3A_63 = arith.constant 8 : i32
      %mul3A_64 = arith.constant 8 : i32
      %mul3A_65 = arith.muli %mul3A_57, %mul3A_64 : i32
      %add3A_66 = arith.addi %mul3A_4, %mul3A_65 : i32
      %dma_start3A_67 = arith.constant 0 : i32
      %dma_start3A_68 = tpu.memref_slice %arg6[%add3A_66, %dma_start3A_67] : memref<2048x512xf32, #tpu.memory_space<hbm>> -> memref<8x512xf32, #tpu.memory_space<hbm>>
      %dma_start3A_69 = arith.constant 0 : i32
      %dma_start3A_70 = tpu.memref_slice %arg6[%add3A_66, %dma_start3A_69] : memref<2048x512xf32, #tpu.memory_space<hbm>> -> memref<8x512xf32, #tpu.memory_space<hbm>>
      tpu.enqueue_dma source(%arg13 : memref<8x512xf32, #tpu.memory_space<vmem>>) target(%dma_start3A_70 : memref<8x512xf32, #tpu.memory_space<hbm>>) target_semaphore(%arg19 : memref<!tpu.dma_semaphore, #tpu.memory_space<semaphore_mem>>)
      %dma_start3A_71 = arith.constant 0 : i32
      %dma_start3A_72 = tpu.memref_slice %arg7[%add3A_66, %dma_start3A_71] : memref<2048x512xf32, #tpu.memory_space<hbm>> -> memref<8x512xf32, #tpu.memory_space<hbm>>
      %dma_start3A_73 = arith.constant 0 : i32
      %dma_start3A_74 = tpu.memref_slice %arg7[%add3A_66, %dma_start3A_73] : memref<2048x512xf32, #tpu.memory_space<hbm>> -> memref<8x512xf32, #tpu.memory_space<hbm>>
      tpu.enqueue_dma source(%arg14 : memref<8x512xf32, #tpu.memory_space<vmem>>) target(%dma_start3A_74 : memref<8x512xf32, #tpu.memory_space<hbm>>) target_semaphore(%arg19 : memref<!tpu.dma_semaphore, #tpu.memory_space<semaphore_mem>>)
      %lt3A = arith.constant 3 : i32
      %lt3A_75 = arith.cmpi slt, %scan3A_37, %lt3A : i32
      %convert_element_type3A_76 = arith.extui %lt3A_75 : i1 to i32
      %cond3A_77 = arith.constant 0 : i32
      %cond3A_78 = arith.cmpi ne, %convert_element_type3A_76, %cond3A_77 : i32
      scf.if %cond3A_78 {
        %mul3A_111 = arith.constant 2 : i32
        %mul3A_112 = arith.muli %mul3A_111, %scan3A_37 : i32
        %add3A_113 = arith.constant 2 : i32
        %add3A_114 = arith.addi %mul3A_112, %add3A_113 : i32
        %mul3A_115 = arith.constant 64 : i32
        %mul3A_116 = arith.muli %add3A_114, %mul3A_115 : i32
        %dma_start3A_117 = tpu.memref_slice %arg8[%mul3A_116] : memref<512xi32, #tpu.memory_space<vmem>> -> memref<64xi32, #tpu.memory_space<vmem>>
        %dma_start3A_118 = arith.constant 0 : i32
        %dma_start3A_119 = arith.constant 0 : i32
        %dma_start3A_120 = tpu.memref_slice %arg2[%dma_start3A_118, %dma_start3A_119] : memref<2048x512xf32, #tpu.memory_space<hbm>> -> memref<2048x512xf32, #tpu.memory_space<hbm>>
        tpu.enqueue_indirect_dma source(%dma_start3A_120 : memref<2048x512xf32, #tpu.memory_space<hbm>>) target(%arg11 : memref<64x512xf32, #tpu.memory_space<vmem>>) offsets(%dma_start3A_117 : memref<64xi32, #tpu.memory_space<vmem>>) semaphore(%arg17 : memref<!tpu.dma_semaphore, #tpu.memory_space<semaphore_mem>>)
      } else {
      }
      %gt3A_79 = arith.constant 0 : i32
      %gt3A_80 = arith.cmpi sgt, %scan3A_37, %gt3A_79 : i32
      %convert_element_type3A_81 = arith.extui %gt3A_80 : i1 to i32
      %cond3A_82 = arith.constant 0 : i32
      %cond3A_83 = arith.cmpi ne, %convert_element_type3A_81, %cond3A_82 : i32
      scf.if %cond3A_83 {
        %dma_wait3A_111 = arith.constant 0 : i32
        %dma_wait3A_112 = arith.constant 0 : i32
        %dma_wait3A_113 = tpu.memref_slice %arg6[%dma_wait3A_111, %dma_wait3A_112] : memref<2048x512xf32, #tpu.memory_space<hbm>> -> memref<8x512xf32, #tpu.memory_space<hbm>>
        %dma_wait3A_114 = arith.constant 0 : i32
        %dma_wait3A_115 = arith.constant 0 : i32
        %dma_wait3A_116 = tpu.memref_slice %arg6[%dma_wait3A_114, %dma_wait3A_115] : memref<2048x512xf32, #tpu.memory_space<hbm>> -> memref<8x512xf32, #tpu.memory_space<hbm>>
        tpu.wait_dma2 semaphore(%arg20 : memref<!tpu.dma_semaphore, #tpu.memory_space<semaphore_mem>>) src(%arg15 : memref<8x512xf32, #tpu.memory_space<vmem>>) dst(%dma_wait3A_116 : memref<8x512xf32, #tpu.memory_space<hbm>>)
        %dma_wait3A_117 = arith.constant 0 : i32
        %dma_wait3A_118 = arith.constant 0 : i32
        %dma_wait3A_119 = tpu.memref_slice %arg7[%dma_wait3A_117, %dma_wait3A_118] : memref<2048x512xf32, #tpu.memory_space<hbm>> -> memref<8x512xf32, #tpu.memory_space<hbm>>
        %dma_wait3A_120 = arith.constant 0 : i32
        %dma_wait3A_121 = arith.constant 0 : i32
        %dma_wait3A_122 = tpu.memref_slice %arg7[%dma_wait3A_120, %dma_wait3A_121] : memref<2048x512xf32, #tpu.memory_space<hbm>> -> memref<8x512xf32, #tpu.memory_space<hbm>>
        tpu.wait_dma2 semaphore(%arg20 : memref<!tpu.dma_semaphore, #tpu.memory_space<semaphore_mem>>) src(%arg16 : memref<8x512xf32, #tpu.memory_space<vmem>>) dst(%dma_wait3A_122 : memref<8x512xf32, #tpu.memory_space<hbm>>)
      } else {
      }
      %dma_wait3A_84 = arith.constant 0 : i32
      %dma_wait3A_85 = arith.constant 0 : i32
      %dma_wait3A_86 = tpu.memref_slice %arg2[%dma_wait3A_84, %dma_wait3A_85] : memref<2048x512xf32, #tpu.memory_space<hbm>> -> memref<64x512xf32, #tpu.memory_space<hbm>>
      %dma_wait3A_87 = arith.constant 0 : i32
      %dma_wait3A_88 = arith.constant 0 : i32
      %dma_wait3A_89 = tpu.memref_slice %arg2[%dma_wait3A_87, %dma_wait3A_88] : memref<2048x512xf32, #tpu.memory_space<hbm>> -> memref<64x512xf32, #tpu.memory_space<hbm>>
      tpu.wait_dma2 semaphore(%arg18 : memref<!tpu.dma_semaphore, #tpu.memory_space<semaphore_mem>>) src(%dma_wait3A_89 : memref<64x512xf32, #tpu.memory_space<hbm>>) dst(%arg12 : memref<64x512xf32, #tpu.memory_space<vmem>>)
      %mul3A_90 = arith.constant 2 : i32
      %mul3A_91 = arith.muli %mul3A_90, %scan3A_37 : i32
      %add3A_92 = arith.constant 1 : i32
      %add3A_93 = arith.addi %mul3A_91, %add3A_92 : i32
      %scan3A_94 = arith.constant 0 : i32
      %scan3A_95 = arith.constant 0 : i32
      %scan3A_96 = arith.constant 8 : i32
      %scan3A_97 = arith.addi %scan3A_95, %scan3A_96 : i32
      %scan3A_98 = arith.constant 1 : i32
      scf.for %scan3A_111 = %scan3A_95 to %scan3A_97 step %scan3A_98  : i32 {
        %mul3A_112 = arith.constant 8 : i32
        %mul3A_113 = arith.muli %add3A_93, %mul3A_112 : i32
        %add3A_114 = arith.addi %mul3A_113, %scan3A_111 : i32
        %get3A = arith.index_cast %add3A_114 : i32 to index
        %get3A_115 = arith.constant 0 : index
        %get3A_116 = tpu.vector_load %arg9[%get3A, %get3A_115] {strides = array<i32>} : memref<64x128xf32, #tpu.memory_space<vmem>>, vector<1x16xf32>,
        %get3A_117 = vector.shape_cast %get3A_116 : vector<1x16xf32> to vector<16xf32>
        %get3A_118 = arith.index_cast %add3A_114 : i32 to index
        %get3A_119 = arith.constant 16 : index
        %get3A_120 = tpu.vector_load %arg9[%get3A_118, %get3A_119] {strides = array<i32>} : memref<64x128xf32, #tpu.memory_space<vmem>>, vector<1x16xf32>,
        %get3A_121 = vector.shape_cast %get3A_120 : vector<1x16xf32> to vector<16xf32>
        %get3A_122 = arith.index_cast %add3A_114 : i32 to index
        %get3A_123 = arith.constant 32 : index
        %get3A_124 = tpu.vector_load %arg9[%get3A_122, %get3A_123] {strides = array<i32>} : memref<64x128xf32, #tpu.memory_space<vmem>>, vector<1x16xf32>,
        %get3A_125 = vector.shape_cast %get3A_124 : vector<1x16xf32> to vector<16xf32>
        %get3A_126 = arith.index_cast %add3A_114 : i32 to index
        %get3A_127 = arith.constant 48 : index
        %get3A_128 = tpu.vector_load %arg9[%get3A_126, %get3A_127] {strides = array<i32>} : memref<64x128xf32, #tpu.memory_space<vmem>>, vector<1x16xf32>,
        %get3A_129 = vector.shape_cast %get3A_128 : vector<1x16xf32> to vector<16xf32>
        %get3A_130 = arith.index_cast %add3A_114 : i32 to index
        %get3A_131 = arith.constant 64 : index
        %get3A_132 = tpu.vector_load %arg9[%get3A_130, %get3A_131] {strides = array<i32>} : memref<64x128xf32, #tpu.memory_space<vmem>>, vector<1x16xf32>,
        %get3A_133 = vector.shape_cast %get3A_132 : vector<1x16xf32> to vector<16xf32>
        %get3A_134 = arith.index_cast %add3A_114 : i32 to index
        %get3A_135 = arith.constant 80 : index
        %get3A_136 = tpu.vector_load %arg9[%get3A_134, %get3A_135] {strides = array<i32>} : memref<64x128xf32, #tpu.memory_space<vmem>>, vector<1x16xf32>,
        %get3A_137 = vector.shape_cast %get3A_136 : vector<1x16xf32> to vector<16xf32>
        %get3A_138 = arith.index_cast %add3A_114 : i32 to index
        %get3A_139 = arith.constant 96 : index
        %get3A_140 = tpu.vector_load %arg9[%get3A_138, %get3A_139] {strides = array<i32>} : memref<64x128xf32, #tpu.memory_space<vmem>>, vector<1x16xf32>,
        %get3A_141 = vector.shape_cast %get3A_140 : vector<1x16xf32> to vector<16xf32>
        %get3A_142 = arith.index_cast %add3A_114 : i32 to index
        %get3A_143 = arith.constant 112 : index
        %get3A_144 = tpu.vector_load %arg9[%get3A_142, %get3A_143] {strides = array<i32>} : memref<64x128xf32, #tpu.memory_space<vmem>>, vector<1x16xf32>,
        %get3A_145 = vector.shape_cast %get3A_144 : vector<1x16xf32> to vector<16xf32>
        %get3A_146 = arith.index_cast %add3A_114 : i32 to index
        %get3A_147 = arith.constant 0 : index
        %get3A_148 = tpu.vector_load %arg10[%get3A_146, %get3A_147] {strides = array<i32>} : memref<64x128xf32, #tpu.memory_space<vmem>>, vector<1x16xf32>,
        %get3A_149 = vector.shape_cast %get3A_148 : vector<1x16xf32> to vector<16xf32>
        %get3A_150 = arith.index_cast %add3A_114 : i32 to index
        %get3A_151 = arith.constant 16 : index
        %get3A_152 = tpu.vector_load %arg10[%get3A_150, %get3A_151] {strides = array<i32>} : memref<64x128xf32, #tpu.memory_space<vmem>>, vector<1x16xf32>,
        %get3A_153 = vector.shape_cast %get3A_152 : vector<1x16xf32> to vector<16xf32>
        %get3A_154 = arith.index_cast %add3A_114 : i32 to index
        %get3A_155 = arith.constant 32 : index
        %get3A_156 = tpu.vector_load %arg10[%get3A_154, %get3A_155] {strides = array<i32>} : memref<64x128xf32, #tpu.memory_space<vmem>>, vector<1x16xf32>,
        %get3A_157 = vector.shape_cast %get3A_156 : vector<1x16xf32> to vector<16xf32>
        %get3A_158 = arith.index_cast %add3A_114 : i32 to index
        %get3A_159 = arith.constant 48 : index
        %get3A_160 = tpu.vector_load %arg10[%get3A_158, %get3A_159] {strides = array<i32>} : memref<64x128xf32, #tpu.memory_space<vmem>>, vector<1x16xf32>,
        %get3A_161 = vector.shape_cast %get3A_160 : vector<1x16xf32> to vector<16xf32>
        %get3A_162 = arith.index_cast %add3A_114 : i32 to index
        %get3A_163 = arith.constant 64 : index
        %get3A_164 = tpu.vector_load %arg10[%get3A_162, %get3A_163] {strides = array<i32>} : memref<64x128xf32, #tpu.memory_space<vmem>>, vector<1x16xf32>,
        %get3A_165 = vector.shape_cast %get3A_164 : vector<1x16xf32> to vector<16xf32>
        %get3A_166 = arith.index_cast %add3A_114 : i32 to index
        %get3A_167 = arith.constant 80 : index
        %get3A_168 = tpu.vector_load %arg10[%get3A_166, %get3A_167] {strides = array<i32>} : memref<64x128xf32, #tpu.memory_space<vmem>>, vector<1x16xf32>,
        %get3A_169 = vector.shape_cast %get3A_168 : vector<1x16xf32> to vector<16xf32>
        %get3A_170 = arith.index_cast %add3A_114 : i32 to index
        %get3A_171 = arith.constant 96 : index
        %get3A_172 = tpu.vector_load %arg10[%get3A_170, %get3A_171] {strides = array<i32>} : memref<64x128xf32, #tpu.memory_space<vmem>>, vector<1x16xf32>,
        %get3A_173 = vector.shape_cast %get3A_172 : vector<1x16xf32> to vector<16xf32>
        %get3A_174 = arith.index_cast %add3A_114 : i32 to index
        %get3A_175 = arith.constant 112 : index
        %get3A_176 = tpu.vector_load %arg10[%get3A_174, %get3A_175] {strides = array<i32>} : memref<64x128xf32, #tpu.memory_space<vmem>>, vector<1x16xf32>,
        %get3A_177 = vector.shape_cast %get3A_176 : vector<1x16xf32> to vector<16xf32>
        %scan3A_178 = arith.constant 0 : i32
        %scan3A_179 = arith.constant 32 : i32
        %scan3A_180 = arith.addi %scan3A_178, %scan3A_179 : i32
        %scan3A_181 = arith.constant 2 : i32
        scf.for %scan3A_183 = %scan3A_178 to %scan3A_180 step %scan3A_181  : i32 {
          %mul3A_184 = arith.constant 16 : i32
          %mul3A_185 = arith.muli %scan3A_183, %mul3A_184 : i32
          %mul3A_186 = arith.constant 8 : i32
          %mul3A_187 = arith.muli %scan3A_111, %mul3A_186 : i32
          %get3A_188 = arith.index_cast %mul3A_187 : i32 to index
          %get3A_189 = arith.index_cast %mul3A_185 : i32 to index
          %get3A_190 = tpu.vector_load %arg12[%get3A_188, %get3A_189] {strides = array<i32>} : memref<64x512xf32, #tpu.memory_space<vmem>>, vector<1x16xf32>,
          %get3A_191 = vector.shape_cast %get3A_190 : vector<1x16xf32> to vector<16xf32>
          %mul3A_192 = arith.mulf %get3A_191, %get3A_117 : vector<16xf32>
          %mul3A_193 = arith.mulf %get3A_191, %get3A_149 : vector<16xf32>
          %mul3A_194 = arith.constant 8 : i32
          %mul3A_195 = arith.muli %scan3A_111, %mul3A_194 : i32
          %add3A_196 = arith.constant 1 : i32
          %add3A_197 = arith.addi %mul3A_195, %add3A_196 : i32
          %get3A_198 = arith.index_cast %add3A_197 : i32 to index
          %get3A_199 = arith.index_cast %mul3A_185 : i32 to index
          %get3A_200 = tpu.vector_load %arg12[%get3A_198, %get3A_199] {strides = array<i32>} : memref<64x512xf32, #tpu.memory_space<vmem>>, vector<1x16xf32>,
          %get3A_201 = vector.shape_cast %get3A_200 : vector<1x16xf32> to vector<16xf32>
          %mul3A_202 = arith.mulf %get3A_201, %get3A_121 : vector<16xf32>
          %add3A_203 = arith.addf %mul3A_192, %mul3A_202 : vector<16xf32>
          %mul3A_204 = arith.mulf %get3A_201, %get3A_153 : vector<16xf32>
          %add3A_205 = arith.addf %mul3A_193, %mul3A_204 : vector<16xf32>
          %mul3A_206 = arith.constant 8 : i32
          %mul3A_207 = arith.muli %scan3A_111, %mul3A_206 : i32
          %add3A_208 = arith.constant 2 : i32
          %add3A_209 = arith.addi %mul3A_207, %add3A_208 : i32
          %get3A_210 = arith.index_cast %add3A_209 : i32 to index
          %get3A_211 = arith.index_cast %mul3A_185 : i32 to index
          %get3A_212 = tpu.vector_load %arg12[%get3A_210, %get3A_211] {strides = array<i32>} : memref<64x512xf32, #tpu.memory_space<vmem>>, vector<1x16xf32>,
          %get3A_213 = vector.shape_cast %get3A_212 : vector<1x16xf32> to vector<16xf32>
          %mul3A_214 = arith.mulf %get3A_213, %get3A_125 : vector<16xf32>
          %add3A_215 = arith.addf %add3A_203, %mul3A_214 : vector<16xf32>
          %mul3A_216 = arith.mulf %get3A_213, %get3A_157 : vector<16xf32>
          %add3A_217 = arith.addf %add3A_205, %mul3A_216 : vector<16xf32>
          %mul3A_218 = arith.constant 8 : i32
          %mul3A_219 = arith.muli %scan3A_111, %mul3A_218 : i32
          %add3A_220 = arith.constant 3 : i32
          %add3A_221 = arith.addi %mul3A_219, %add3A_220 : i32
          %get3A_222 = arith.index_cast %add3A_221 : i32 to index
          %get3A_223 = arith.index_cast %mul3A_185 : i32 to index
          %get3A_224 = tpu.vector_load %arg12[%get3A_222, %get3A_223] {strides = array<i32>} : memref<64x512xf32, #tpu.memory_space<vmem>>, vector<1x16xf32>,
          %get3A_225 = vector.shape_cast %get3A_224 : vector<1x16xf32> to vector<16xf32>
          %mul3A_226 = arith.mulf %get3A_225, %get3A_129 : vector<16xf32>
          %add3A_227 = arith.addf %add3A_215, %mul3A_226 : vector<16xf32>
          %mul3A_228 = arith.mulf %get3A_225, %get3A_161 : vector<16xf32>
          %add3A_229 = arith.addf %add3A_217, %mul3A_228 : vector<16xf32>
          %mul3A_230 = arith.constant 8 : i32
          %mul3A_231 = arith.muli %scan3A_111, %mul3A_230 : i32
          %add3A_232 = arith.constant 4 : i32
          %add3A_233 = arith.addi %mul3A_231, %add3A_232 : i32
          %get3A_234 = arith.index_cast %add3A_233 : i32 to index
          %get3A_235 = arith.index_cast %mul3A_185 : i32 to index
          %get3A_236 = tpu.vector_load %arg12[%get3A_234, %get3A_235] {strides = array<i32>} : memref<64x512xf32, #tpu.memory_space<vmem>>, vector<1x16xf32>,
          %get3A_237 = vector.shape_cast %get3A_236 : vector<1x16xf32> to vector<16xf32>
          %mul3A_238 = arith.mulf %get3A_237, %get3A_133 : vector<16xf32>
          %add3A_239 = arith.addf %add3A_227, %mul3A_238 : vector<16xf32>
          %mul3A_240 = arith.mulf %get3A_237, %get3A_165 : vector<16xf32>
          %add3A_241 = arith.addf %add3A_229, %mul3A_240 : vector<16xf32>
          %mul3A_242 = arith.constant 8 : i32
          %mul3A_243 = arith.muli %scan3A_111, %mul3A_242 : i32
          %add3A_244 = arith.constant 5 : i32
          %add3A_245 = arith.addi %mul3A_243, %add3A_244 : i32
          %get3A_246 = arith.index_cast %add3A_245 : i32 to index
          %get3A_247 = arith.index_cast %mul3A_185 : i32 to index
          %get3A_248 = tpu.vector_load %arg12[%get3A_246, %get3A_247] {strides = array<i32>} : memref<64x512xf32, #tpu.memory_space<vmem>>, vector<1x16xf32>,
          %get3A_249 = vector.shape_cast %get3A_248 : vector<1x16xf32> to vector<16xf32>
          %mul3A_250 = arith.mulf %get3A_249, %get3A_137 : vector<16xf32>
          %add3A_251 = arith.addf %add3A_239, %mul3A_250 : vector<16xf32>
          %mul3A_252 = arith.mulf %get3A_249, %get3A_169 : vector<16xf32>
          %add3A_253 = arith.addf %add3A_241, %mul3A_252 : vector<16xf32>
          %mul3A_254 = arith.constant 8 : i32
          %mul3A_255 = arith.muli %scan3A_111, %mul3A_254 : i32
          %add3A_256 = arith.constant 6 : i32
          %add3A_257 = arith.addi %mul3A_255, %add3A_256 : i32
          %get3A_258 = arith.index_cast %add3A_257 : i32 to index
          %get3A_259 = arith.index_cast %mul3A_185 : i32 to index
          %get3A_260 = tpu.vector_load %arg12[%get3A_258, %get3A_259] {strides = array<i32>} : memref<64x512xf32, #tpu.memory_space<vmem>>, vector<1x16xf32>,
          %get3A_261 = vector.shape_cast %get3A_260 : vector<1x16xf32> to vector<16xf32>
          %mul3A_262 = arith.mulf %get3A_261, %get3A_141 : vector<16xf32>
          %add3A_263 = arith.addf %add3A_251, %mul3A_262 : vector<16xf32>
          %mul3A_264 = arith.mulf %get3A_261, %get3A_173 : vector<16xf32>
          %add3A_265 = arith.addf %add3A_253, %mul3A_264 : vector<16xf32>
          %mul3A_266 = arith.constant 8 : i32
          %mul3A_267 = arith.muli %scan3A_111, %mul3A_266 : i32
          %add3A_268 = arith.constant 7 : i32
          %add3A_269 = arith.addi %mul3A_267, %add3A_268 : i32
          %get3A_270 = arith.index_cast %add3A_269 : i32 to index
          %get3A_271 = arith.index_cast %mul3A_185 : i32 to index
          %get3A_272 = tpu.vector_load %arg12[%get3A_270, %get3A_271] {strides = array<i32>} : memref<64x512xf32, #tpu.memory_space<vmem>>, vector<1x16xf32>,
          %get3A_273 = vector.shape_cast %get3A_272 : vector<1x16xf32> to vector<16xf32>
          %mul3A_274 = arith.mulf %get3A_273, %get3A_145 : vector<16xf32>
          %add3A_275 = arith.addf %add3A_263, %mul3A_274 : vector<16xf32>
          %mul3A_276 = arith.mulf %get3A_273, %get3A_177 : vector<16xf32>
          %add3A_277 = arith.addf %add3A_265, %mul3A_276 : vector<16xf32>
          %swap3A = arith.index_cast %scan3A_111 : i32 to index
          %swap3A_278 = arith.index_cast %mul3A_185 : i32 to index
          %swap3A_279 = tpu.vector_load %arg15[%swap3A, %swap3A_278] {strides = array<i32>} : memref<8x512xf32, #tpu.memory_space<vmem>>, vector<1x16xf32>,
          %swap3A_280 = vector.shape_cast %swap3A_279 : vector<1x16xf32> to vector<16xf32>
          %swap3A_281 = vector.shape_cast %add3A_275 : vector<16xf32> to vector<1x16xf32>
          tpu.vector_store %arg15[%swap3A, %swap3A_278], %swap3A_281 {strides = array<i32>} : memref<8x512xf32, #tpu.memory_space<vmem>>, vector<1x16xf32>,
          %swap3A_282 = arith.index_cast %scan3A_111 : i32 to index
          %swap3A_283 = arith.index_cast %mul3A_185 : i32 to index
          %swap3A_284 = tpu.vector_load %arg16[%swap3A_282, %swap3A_283] {strides = array<i32>} : memref<8x512xf32, #tpu.memory_space<vmem>>, vector<1x16xf32>,
          %swap3A_285 = vector.shape_cast %swap3A_284 : vector<1x16xf32> to vector<16xf32>
          %swap3A_286 = vector.shape_cast %add3A_277 : vector<16xf32> to vector<1x16xf32>
          tpu.vector_store %arg16[%swap3A_282, %swap3A_283], %swap3A_286 {strides = array<i32>} : memref<8x512xf32, #tpu.memory_space<vmem>>, vector<1x16xf32>,
          %scan3A_287 = arith.constant 1 : i32
          %scan3A_288 = arith.addi %scan3A_183, %scan3A_287 : i32
          %mul3A_289 = arith.constant 16 : i32
          %mul3A_290 = arith.muli %scan3A_288, %mul3A_289 : i32
          %mul3A_291 = arith.constant 8 : i32
          %mul3A_292 = arith.muli %scan3A_111, %mul3A_291 : i32
          %get3A_293 = arith.index_cast %mul3A_292 : i32 to index
          %get3A_294 = arith.index_cast %mul3A_290 : i32 to index
          %get3A_295 = tpu.vector_load %arg12[%get3A_293, %get3A_294] {strides = array<i32>} : memref<64x512xf32, #tpu.memory_space<vmem>>, vector<1x16xf32>,
          %get3A_296 = vector.shape_cast %get3A_295 : vector<1x16xf32> to vector<16xf32>
          %mul3A_297 = arith.mulf %get3A_296, %get3A_117 : vector<16xf32>
          %mul3A_298 = arith.mulf %get3A_296, %get3A_149 : vector<16xf32>
          %mul3A_299 = arith.constant 8 : i32
          %mul3A_300 = arith.muli %scan3A_111, %mul3A_299 : i32
          %add3A_301 = arith.constant 1 : i32
          %add3A_302 = arith.addi %mul3A_300, %add3A_301 : i32
          %get3A_303 = arith.index_cast %add3A_302 : i32 to index
          %get3A_304 = arith.index_cast %mul3A_290 : i32 to index
          %get3A_305 = tpu.vector_load %arg12[%get3A_303, %get3A_304] {strides = array<i32>} : memref<64x512xf32, #tpu.memory_space<vmem>>, vector<1x16xf32>,
          %get3A_306 = vector.shape_cast %get3A_305 : vector<1x16xf32> to vector<16xf32>
          %mul3A_307 = arith.mulf %get3A_306, %get3A_121 : vector<16xf32>
          %add3A_308 = arith.addf %mul3A_297, %mul3A_307 : vector<16xf32>
          %mul3A_309 = arith.mulf %get3A_306, %get3A_153 : vector<16xf32>
          %add3A_310 = arith.addf %mul3A_298, %mul3A_309 : vector<16xf32>
          %mul3A_311 = arith.constant 8 : i32
          %mul3A_312 = arith.muli %scan3A_111, %mul3A_311 : i32
          %add3A_313 = arith.constant 2 : i32
          %add3A_314 = arith.addi %mul3A_312, %add3A_313 : i32
          %get3A_315 = arith.index_cast %add3A_314 : i32 to index
          %get3A_316 = arith.index_cast %mul3A_290 : i32 to index
          %get3A_317 = tpu.vector_load %arg12[%get3A_315, %get3A_316] {strides = array<i32>} : memref<64x512xf32, #tpu.memory_space<vmem>>, vector<1x16xf32>,
          %get3A_318 = vector.shape_cast %get3A_317 : vector<1x16xf32> to vector<16xf32>
          %mul3A_319 = arith.mulf %get3A_318, %get3A_125 : vector<16xf32>
          %add3A_320 = arith.addf %add3A_308, %mul3A_319 : vector<16xf32>
          %mul3A_321 = arith.mulf %get3A_318, %get3A_157 : vector<16xf32>
          %add3A_322 = arith.addf %add3A_310, %mul3A_321 : vector<16xf32>
          %mul3A_323 = arith.constant 8 : i32
          %mul3A_324 = arith.muli %scan3A_111, %mul3A_323 : i32
          %add3A_325 = arith.constant 3 : i32
          %add3A_326 = arith.addi %mul3A_324, %add3A_325 : i32
          %get3A_327 = arith.index_cast %add3A_326 : i32 to index
          %get3A_328 = arith.index_cast %mul3A_290 : i32 to index
          %get3A_329 = tpu.vector_load %arg12[%get3A_327, %get3A_328] {strides = array<i32>} : memref<64x512xf32, #tpu.memory_space<vmem>>, vector<1x16xf32>,
          %get3A_330 = vector.shape_cast %get3A_329 : vector<1x16xf32> to vector<16xf32>
          %mul3A_331 = arith.mulf %get3A_330, %get3A_129 : vector<16xf32>
          %add3A_332 = arith.addf %add3A_320, %mul3A_331 : vector<16xf32>
          %mul3A_333 = arith.mulf %get3A_330, %get3A_161 : vector<16xf32>
          %add3A_334 = arith.addf %add3A_322, %mul3A_333 : vector<16xf32>
          %mul3A_335 = arith.constant 8 : i32
          %mul3A_336 = arith.muli %scan3A_111, %mul3A_335 : i32
          %add3A_337 = arith.constant 4 : i32
          %add3A_338 = arith.addi %mul3A_336, %add3A_337 : i32
          %get3A_339 = arith.index_cast %add3A_338 : i32 to index
          %get3A_340 = arith.index_cast %mul3A_290 : i32 to index
          %get3A_341 = tpu.vector_load %arg12[%get3A_339, %get3A_340] {strides = array<i32>} : memref<64x512xf32, #tpu.memory_space<vmem>>, vector<1x16xf32>,
          %get3A_342 = vector.shape_cast %get3A_341 : vector<1x16xf32> to vector<16xf32>
          %mul3A_343 = arith.mulf %get3A_342, %get3A_133 : vector<16xf32>
          %add3A_344 = arith.addf %add3A_332, %mul3A_343 : vector<16xf32>
          %mul3A_345 = arith.mulf %get3A_342, %get3A_165 : vector<16xf32>
          %add3A_346 = arith.addf %add3A_334, %mul3A_345 : vector<16xf32>
          %mul3A_347 = arith.constant 8 : i32
          %mul3A_348 = arith.muli %scan3A_111, %mul3A_347 : i32
          %add3A_349 = arith.constant 5 : i32
          %add3A_350 = arith.addi %mul3A_348, %add3A_349 : i32
          %get3A_351 = arith.index_cast %add3A_350 : i32 to index
          %get3A_352 = arith.index_cast %mul3A_290 : i32 to index
          %get3A_353 = tpu.vector_load %arg12[%get3A_351, %get3A_352] {strides = array<i32>} : memref<64x512xf32, #tpu.memory_space<vmem>>, vector<1x16xf32>,
          %get3A_354 = vector.shape_cast %get3A_353 : vector<1x16xf32> to vector<16xf32>
          %mul3A_355 = arith.mulf %get3A_354, %get3A_137 : vector<16xf32>
          %add3A_356 = arith.addf %add3A_344, %mul3A_355 : vector<16xf32>
          %mul3A_357 = arith.mulf %get3A_354, %get3A_169 : vector<16xf32>
          %add3A_358 = arith.addf %add3A_346, %mul3A_357 : vector<16xf32>
          %mul3A_359 = arith.constant 8 : i32
          %mul3A_360 = arith.muli %scan3A_111, %mul3A_359 : i32
          %add3A_361 = arith.constant 6 : i32
          %add3A_362 = arith.addi %mul3A_360, %add3A_361 : i32
          %get3A_363 = arith.index_cast %add3A_362 : i32 to index
          %get3A_364 = arith.index_cast %mul3A_290 : i32 to index
          %get3A_365 = tpu.vector_load %arg12[%get3A_363, %get3A_364] {strides = array<i32>} : memref<64x512xf32, #tpu.memory_space<vmem>>, vector<1x16xf32>,
          %get3A_366 = vector.shape_cast %get3A_365 : vector<1x16xf32> to vector<16xf32>
          %mul3A_367 = arith.mulf %get3A_366, %get3A_141 : vector<16xf32>
          %add3A_368 = arith.addf %add3A_356, %mul3A_367 : vector<16xf32>
          %mul3A_369 = arith.mulf %get3A_366, %get3A_173 : vector<16xf32>
          %add3A_370 = arith.addf %add3A_358, %mul3A_369 : vector<16xf32>
          %mul3A_371 = arith.constant 8 : i32
          %mul3A_372 = arith.muli %scan3A_111, %mul3A_371 : i32
          %add3A_373 = arith.constant 7 : i32
          %add3A_374 = arith.addi %mul3A_372, %add3A_373 : i32
          %get3A_375 = arith.index_cast %add3A_374 : i32 to index
          %get3A_376 = arith.index_cast %mul3A_290 : i32 to index
          %get3A_377 = tpu.vector_load %arg12[%get3A_375, %get3A_376] {strides = array<i32>} : memref<64x512xf32, #tpu.memory_space<vmem>>, vector<1x16xf32>,
          %get3A_378 = vector.shape_cast %get3A_377 : vector<1x16xf32> to vector<16xf32>
          %mul3A_379 = arith.mulf %get3A_378, %get3A_145 : vector<16xf32>
          %add3A_380 = arith.addf %add3A_368, %mul3A_379 : vector<16xf32>
          %mul3A_381 = arith.mulf %get3A_378, %get3A_177 : vector<16xf32>
          %add3A_382 = arith.addf %add3A_370, %mul3A_381 : vector<16xf32>
          %swap3A_383 = arith.index_cast %scan3A_111 : i32 to index
          %swap3A_384 = arith.index_cast %mul3A_290 : i32 to index
          %swap3A_385 = tpu.vector_load %arg15[%swap3A_383, %swap3A_384] {strides = array<i32>} : memref<8x512xf32, #tpu.memory_space<vmem>>, vector<1x16xf32>,
          %swap3A_386 = vector.shape_cast %swap3A_385 : vector<1x16xf32> to vector<16xf32>
          %swap3A_387 = vector.shape_cast %add3A_380 : vector<16xf32> to vector<1x16xf32>
          tpu.vector_store %arg15[%swap3A_383, %swap3A_384], %swap3A_387 {strides = array<i32>} : memref<8x512xf32, #tpu.memory_space<vmem>>, vector<1x16xf32>,
          %swap3A_388 = arith.index_cast %scan3A_111 : i32 to index
          %swap3A_389 = arith.index_cast %mul3A_290 : i32 to index
          %swap3A_390 = tpu.vector_load %arg16[%swap3A_388, %swap3A_389] {strides = array<i32>} : memref<8x512xf32, #tpu.memory_space<vmem>>, vector<1x16xf32>,
          %swap3A_391 = vector.shape_cast %swap3A_390 : vector<1x16xf32> to vector<16xf32>
          %swap3A_392 = vector.shape_cast %add3A_382 : vector<16xf32> to vector<1x16xf32>
          tpu.vector_store %arg16[%swap3A_388, %swap3A_389], %swap3A_392 {strides = array<i32>} : memref<8x512xf32, #tpu.memory_space<vmem>>, vector<1x16xf32>,
        }
        %scan3A_182 = arith.constant 32 : i32
      }
      %scan3A_99 = arith.constant 8 : i32
      %mul3A_100 = arith.constant 8 : i32
      %mul3A_101 = arith.muli %add3A_93, %mul3A_100 : i32
      %add3A_102 = arith.addi %mul3A_4, %mul3A_101 : i32
      %dma_start3A_103 = arith.constant 0 : i32
      %dma_start3A_104 = tpu.memref_slice %arg6[%add3A_102, %dma_start3A_103] : memref<2048x512xf32, #tpu.memory_space<hbm>> -> memref<8x512xf32, #tpu.memory_space<hbm>>
      %dma_start3A_105 = arith.constant 0 : i32
      %dma_start3A_106 = tpu.memref_slice %arg6[%add3A_102, %dma_start3A_105] : memref<2048x512xf32, #tpu.memory_space<hbm>> -> memref<8x512xf32, #tpu.memory_space<hbm>>
      tpu.enqueue_dma source(%arg15 : memref<8x512xf32, #tpu.memory_space<vmem>>) target(%dma_start3A_106 : memref<8x512xf32, #tpu.memory_space<hbm>>) target_semaphore(%arg20 : memref<!tpu.dma_semaphore, #tpu.memory_space<semaphore_mem>>)
      %dma_start3A_107 = arith.constant 0 : i32
      %dma_start3A_108 = tpu.memref_slice %arg7[%add3A_102, %dma_start3A_107] : memref<2048x512xf32, #tpu.memory_space<hbm>> -> memref<8x512xf32, #tpu.memory_space<hbm>>
      %dma_start3A_109 = arith.constant 0 : i32
      %dma_start3A_110 = tpu.memref_slice %arg7[%add3A_102, %dma_start3A_109] : memref<2048x512xf32, #tpu.memory_space<hbm>> -> memref<8x512xf32, #tpu.memory_space<hbm>>
      tpu.enqueue_dma source(%arg16 : memref<8x512xf32, #tpu.memory_space<vmem>>) target(%dma_start3A_110 : memref<8x512xf32, #tpu.memory_space<hbm>>) target_semaphore(%arg20 : memref<!tpu.dma_semaphore, #tpu.memory_space<semaphore_mem>>)
    }
    %scan3A_13 = arith.constant 4 : i32
    %dma_wait3A = arith.constant 0 : i32
    %dma_wait3A_14 = arith.constant 0 : i32
    %dma_wait3A_15 = tpu.memref_slice %arg6[%dma_wait3A, %dma_wait3A_14] : memref<2048x512xf32, #tpu.memory_space<hbm>> -> memref<8x512xf32, #tpu.memory_space<hbm>>
    %dma_wait3A_16 = arith.constant 0 : i32
    %dma_wait3A_17 = arith.constant 0 : i32
    %dma_wait3A_18 = tpu.memref_slice %arg6[%dma_wait3A_16, %dma_wait3A_17] : memref<2048x512xf32, #tpu.memory_space<hbm>> -> memref<8x512xf32, #tpu.memory_space<hbm>>
    tpu.wait_dma2 semaphore(%arg19 : memref<!tpu.dma_semaphore, #tpu.memory_space<semaphore_mem>>) src(%arg13 : memref<8x512xf32, #tpu.memory_space<vmem>>) dst(%dma_wait3A_18 : memref<8x512xf32, #tpu.memory_space<hbm>>)
    %dma_wait3A_19 = arith.constant 0 : i32
    %dma_wait3A_20 = arith.constant 0 : i32
    %dma_wait3A_21 = tpu.memref_slice %arg7[%dma_wait3A_19, %dma_wait3A_20] : memref<2048x512xf32, #tpu.memory_space<hbm>> -> memref<8x512xf32, #tpu.memory_space<hbm>>
    %dma_wait3A_22 = arith.constant 0 : i32
    %dma_wait3A_23 = arith.constant 0 : i32
    %dma_wait3A_24 = tpu.memref_slice %arg7[%dma_wait3A_22, %dma_wait3A_23] : memref<2048x512xf32, #tpu.memory_space<hbm>> -> memref<8x512xf32, #tpu.memory_space<hbm>>
    tpu.wait_dma2 semaphore(%arg19 : memref<!tpu.dma_semaphore, #tpu.memory_space<semaphore_mem>>) src(%arg14 : memref<8x512xf32, #tpu.memory_space<vmem>>) dst(%dma_wait3A_24 : memref<8x512xf32, #tpu.memory_space<hbm>>)
    %dma_wait3A_25 = arith.constant 0 : i32
    %dma_wait3A_26 = arith.constant 0 : i32
    %dma_wait3A_27 = tpu.memref_slice %arg6[%dma_wait3A_25, %dma_wait3A_26] : memref<2048x512xf32, #tpu.memory_space<hbm>> -> memref<8x512xf32, #tpu.memory_space<hbm>>
    %dma_wait3A_28 = arith.constant 0 : i32
    %dma_wait3A_29 = arith.constant 0 : i32
    %dma_wait3A_30 = tpu.memref_slice %arg6[%dma_wait3A_28, %dma_wait3A_29] : memref<2048x512xf32, #tpu.memory_space<hbm>> -> memref<8x512xf32, #tpu.memory_space<hbm>>
    tpu.wait_dma2 semaphore(%arg20 : memref<!tpu.dma_semaphore, #tpu.memory_space<semaphore_mem>>) src(%arg15 : memref<8x512xf32, #tpu.memory_space<vmem>>) dst(%dma_wait3A_30 : memref<8x512xf32, #tpu.memory_space<hbm>>)
    %dma_wait3A_31 = arith.constant 0 : i32
    %dma_wait3A_32 = arith.constant 0 : i32
    %dma_wait3A_33 = tpu.memref_slice %arg7[%dma_wait3A_31, %dma_wait3A_32] : memref<2048x512xf32, #tpu.memory_space<hbm>> -> memref<8x512xf32, #tpu.memory_space<hbm>>
    %dma_wait3A_34 = arith.constant 0 : i32
    %dma_wait3A_35 = arith.constant 0 : i32
    %dma_wait3A_36 = tpu.memref_slice %arg7[%dma_wait3A_34, %dma_wait3A_35] : memref<2048x512xf32, #tpu.memory_space<hbm>> -> memref<8x512xf32, #tpu.memory_space<hbm>>
    tpu.wait_dma2 semaphore(%arg20 : memref<!tpu.dma_semaphore, #tpu.memory_space<semaphore_mem>>) src(%arg16 : memref<8x512xf32, #tpu.memory_space<vmem>>) dst(%dma_wait3A_36 : memref<8x512xf32, #tpu.memory_space<hbm>>)
    return
  }
}

#map = affine_map<(d0, d1) -> (0, 0)>
#map1 = affine_map<(d0, d1) -> (0)>
module attributes {stable_mosaic.version = 14 : i64} {
  func.func @run(%arg0: i32, %arg1: i32, %arg2: memref<2048x512xf32, #tpu.memory_space<hbm>>, %arg3: memref<16384xi32, #tpu.memory_space<hbm>>, %arg4: memref<2048x128xf32, #tpu.memory_space<hbm>>, %arg5: memref<2048x128xf32, #tpu.memory_space<hbm>>, %arg6: memref<2048x512xf32, #tpu.memory_space<hbm>>, %arg7: memref<2048x512xf32, #tpu.memory_space<hbm>>, %arg8: memref<512xi32, #tpu.memory_space<vmem>>, %arg9: memref<64x128xf32, #tpu.memory_space<vmem>>, %arg10: memref<64x128xf32, #tpu.memory_space<vmem>>, %arg11: memref<64x512xf32, #tpu.memory_space<vmem>>, %arg12: memref<64x512xf32, #tpu.memory_space<vmem>>, %arg13: memref<8x512xf32, #tpu.memory_space<vmem>>, %arg14: memref<8x512xf32, #tpu.memory_space<vmem>>, %arg15: memref<8x512xf32, #tpu.memory_space<vmem>>, %arg16: memref<8x512xf32, #tpu.memory_space<vmem>>, %arg17: memref<!tpu.dma_semaphore, #tpu.memory_space<semaphore_mem>>, %arg18: memref<!tpu.dma_semaphore, #tpu.memory_space<semaphore_mem>>, %arg19: memref<!tpu.dma_semaphore, #tpu.memory_space<semaphore_mem>>, %arg20: memref<!tpu.dma_semaphore, #tpu.memory_space<semaphore_mem>>) attributes {dimension_semantics = [#tpu.dimension_semantics<core_parallel>, #tpu.dimension_semantics<subcore_parallel>], iteration_bounds = array<i64: 2, 16>, scalar_prefetch = 0 : i64, scratch_operands = 13 : i64, tpu.core_type = #tpu.core_type<sc_vector_subcore>, window_params = [{transform_indices = #map}, {transform_indices = #map1}, {transform_indices = #map}, {transform_indices = #map}, {transform_indices = #map}, {transform_indices = #map}]} {
    %mul3A = arith.constant 2 : i32
    %mul3A_0 = arith.muli %arg1, %mul3A : i32
    %add3A = arith.addi %mul3A_0, %arg0 : i32
    %mul3A_1 = arith.constant 512 : i32
    %mul3A_2 = arith.muli %add3A, %mul3A_1 : i32
    %mul3A_3 = arith.constant 64 : i32
    %mul3A_4 = arith.muli %add3A, %mul3A_3 : i32
    "tpu.region"() ({
      %run_scoped3A = tpu.sem_alloc : memref<!tpu.dma_semaphore, #tpu.memory_space<semaphore_mem>>
      %dma_start3A_37 = tpu.memref_slice %arg3[%mul3A_2] : memref<16384xi32, #tpu.memory_space<hbm>> -> memref<512xi32, #tpu.memory_space<hbm>>
      %dma_start3A_38 = tpu.memref_slice %arg3[%mul3A_2] : memref<16384xi32, #tpu.memory_space<hbm>> -> memref<512xi32, #tpu.memory_space<hbm>>
      tpu.enqueue_dma source(%dma_start3A_38 : memref<512xi32, #tpu.memory_space<hbm>>) target(%arg8 : memref<512xi32, #tpu.memory_space<vmem>>) target_semaphore(%run_scoped3A : memref<!tpu.dma_semaphore, #tpu.memory_space<semaphore_mem>>)
      %dma_wait3A_39 = tpu.memref_slice %arg3[%mul3A_2] : memref<16384xi32, #tpu.memory_space<hbm>> -> memref<512xi32, #tpu.memory_space<hbm>>
      %dma_wait3A_40 = tpu.memref_slice %arg3[%mul3A_2] : memref<16384xi32, #tpu.memory_space<hbm>> -> memref<512xi32, #tpu.memory_space<hbm>>
      tpu.wait_dma2 semaphore(%run_scoped3A : memref<!tpu.dma_semaphore, #tpu.memory_space<semaphore_mem>>) src(%dma_wait3A_40 : memref<512xi32, #tpu.memory_space<hbm>>) dst(%arg8 : memref<512xi32, #tpu.memory_space<vmem>>)
      tpu.yield
    }) : () -> ()
    "tpu.region"() ({
      %run_scoped3A = tpu.sem_alloc : memref<!tpu.dma_semaphore, #tpu.memory_space<semaphore_mem>>
      %dma_start3A_37 = arith.constant 0 : i32
      %dma_start3A_38 = tpu.memref_slice %arg4[%mul3A_4, %dma_start3A_37] : memref<2048x128xf32, #tpu.memory_space<hbm>> -> memref<64x128xf32, #tpu.memory_space<hbm>>
      %dma_start3A_39 = arith.constant 0 : i32
      %dma_start3A_40 = tpu.memref_slice %arg4[%mul3A_4, %dma_start3A_39] : memref<2048x128xf32, #tpu.memory_space<hbm>> -> memref<64x128xf32, #tpu.memory_space<hbm>>
      tpu.enqueue_dma source(%dma_start3A_40 : memref<64x128xf32, #tpu.memory_space<hbm>>) target(%arg9 : memref<64x128xf32, #tpu.memory_space<vmem>>) target_semaphore(%run_scoped3A : memref<!tpu.dma_semaphore, #tpu.memory_space<semaphore_mem>>)
      %dma_wait3A_41 = arith.constant 0 : i32
      %dma_wait3A_42 = tpu.memref_slice %arg4[%mul3A_4, %dma_wait3A_41] : memref<2048x128xf32, #tpu.memory_space<hbm>> -> memref<64x128xf32, #tpu.memory_space<hbm>>
      %dma_wait3A_43 = arith.constant 0 : i32
      %dma_wait3A_44 = tpu.memref_slice %arg4[%mul3A_4, %dma_wait3A_43] : memref<2048x128xf32, #tpu.memory_space<hbm>> -> memref<64x128xf32, #tpu.memory_space<hbm>>
      tpu.wait_dma2 semaphore(%run_scoped3A : memref<!tpu.dma_semaphore, #tpu.memory_space<semaphore_mem>>) src(%dma_wait3A_44 : memref<64x128xf32, #tpu.memory_space<hbm>>) dst(%arg9 : memref<64x128xf32, #tpu.memory_space<vmem>>)
      tpu.yield
    }) : () -> ()
    "tpu.region"() ({
      %run_scoped3A = tpu.sem_alloc : memref<!tpu.dma_semaphore, #tpu.memory_space<semaphore_mem>>
      %dma_start3A_37 = arith.constant 0 : i32
      %dma_start3A_38 = tpu.memref_slice %arg5[%mul3A_4, %dma_start3A_37] : memref<2048x128xf32, #tpu.memory_space<hbm>> -> memref<64x128xf32, #tpu.memory_space<hbm>>
      %dma_start3A_39 = arith.constant 0 : i32
      %dma_start3A_40 = tpu.memref_slice %arg5[%mul3A_4, %dma_start3A_39] : memref<2048x128xf32, #tpu.memory_space<hbm>> -> memref<64x128xf32, #tpu.memory_space<hbm>>
      tpu.enqueue_dma source(%dma_start3A_40 : memref<64x128xf32, #tpu.memory_space<hbm>>) target(%arg10 : memref<64x128xf32, #tpu.memory_space<vmem>>) target_semaphore(%run_scoped3A : memref<!tpu.dma_semaphore, #tpu.memory_space<semaphore_mem>>)
      %dma_wait3A_41 = arith.constant 0 : i32
      %dma_wait3A_42 = tpu.memref_slice %arg5[%mul3A_4, %dma_wait3A_41] : memref<2048x128xf32, #tpu.memory_space<hbm>> -> memref<64x128xf32, #tpu.memory_space<hbm>>
      %dma_wait3A_43 = arith.constant 0 : i32
      %dma_wait3A_44 = tpu.memref_slice %arg5[%mul3A_4, %dma_wait3A_43] : memref<2048x128xf32, #tpu.memory_space<hbm>> -> memref<64x128xf32, #tpu.memory_space<hbm>>
      tpu.wait_dma2 semaphore(%run_scoped3A : memref<!tpu.dma_semaphore, #tpu.memory_space<semaphore_mem>>) src(%dma_wait3A_44 : memref<64x128xf32, #tpu.memory_space<hbm>>) dst(%arg10 : memref<64x128xf32, #tpu.memory_space<vmem>>)
      tpu.yield
    }) : () -> ()
    %dma_start3A = arith.constant 0 : i32
    %dma_start3A_5 = tpu.memref_slice %arg8[%dma_start3A] : memref<512xi32, #tpu.memory_space<vmem>> -> memref<64xi32, #tpu.memory_space<vmem>>
    %dma_start3A_6 = arith.constant 0 : i32
    %dma_start3A_7 = arith.constant 0 : i32
    %dma_start3A_8 = tpu.memref_slice %arg2[%dma_start3A_6, %dma_start3A_7] : memref<2048x512xf32, #tpu.memory_space<hbm>> -> memref<2048x512xf32, #tpu.memory_space<hbm>>
    tpu.enqueue_indirect_dma source(%dma_start3A_8 : memref<2048x512xf32, #tpu.memory_space<hbm>>) target(%arg11 : memref<64x512xf32, #tpu.memory_space<vmem>>) offsets(%dma_start3A_5 : memref<64xi32, #tpu.memory_space<vmem>>) semaphore(%arg17 : memref<!tpu.dma_semaphore, #tpu.memory_space<semaphore_mem>>)
    %scan3A = arith.constant 0 : i32
    %scan3A_9 = arith.constant 0 : i32
    %scan3A_10 = arith.constant 4 : i32
    %scan3A_11 = arith.addi %scan3A_9, %scan3A_10 : i32
    %scan3A_12 = arith.constant 1 : i32
    scf.for %scan3A_37 = %scan3A_9 to %scan3A_11 step %scan3A_12  : i32 {
      %mul3A_38 = arith.constant 2 : i32
      %mul3A_39 = arith.muli %mul3A_38, %scan3A_37 : i32
      %add3A_40 = arith.constant 1 : i32
      %add3A_41 = arith.addi %mul3A_39, %add3A_40 : i32
      %mul3A_42 = arith.constant 64 : i32
      %mul3A_43 = arith.muli %add3A_41, %mul3A_42 : i32
      %dma_start3A_44 = tpu.memref_slice %arg8[%mul3A_43] : memref<512xi32, #tpu.memory_space<vmem>> -> memref<64xi32, #tpu.memory_space<vmem>>
      %dma_start3A_45 = arith.constant 0 : i32
      %dma_start3A_46 = arith.constant 0 : i32
      %dma_start3A_47 = tpu.memref_slice %arg2[%dma_start3A_45, %dma_start3A_46] : memref<2048x512xf32, #tpu.memory_space<hbm>> -> memref<2048x512xf32, #tpu.memory_space<hbm>>
      tpu.enqueue_indirect_dma source(%dma_start3A_47 : memref<2048x512xf32, #tpu.memory_space<hbm>>) target(%arg12 : memref<64x512xf32, #tpu.memory_space<vmem>>) offsets(%dma_start3A_44 : memref<64xi32, #tpu.memory_space<vmem>>) semaphore(%arg18 : memref<!tpu.dma_semaphore, #tpu.memory_space<semaphore_mem>>)
      %gt3A = arith.constant 0 : i32
      %gt3A_48 = arith.cmpi sgt, %scan3A_37, %gt3A : i32
      %convert_element_type3A = arith.extui %gt3A_48 : i1 to i32
      %cond3A = arith.constant 0 : i32
      %cond3A_49 = arith.cmpi ne, %convert_element_type3A, %cond3A : i32
      scf.if %cond3A_49 {
        %dma_wait3A_111 = arith.constant 0 : i32
        %dma_wait3A_112 = arith.constant 0 : i32
        %dma_wait3A_113 = tpu.memref_slice %arg6[%dma_wait3A_111, %dma_wait3A_112] : memref<2048x512xf32, #tpu.memory_space<hbm>> -> memref<8x512xf32, #tpu.memory_space<hbm>>
        %dma_wait3A_114 = arith.constant 0 : i32
        %dma_wait3A_115 = arith.constant 0 : i32
        %dma_wait3A_116 = tpu.memref_slice %arg6[%dma_wait3A_114, %dma_wait3A_115] : memref<2048x512xf32, #tpu.memory_space<hbm>> -> memref<8x512xf32, #tpu.memory_space<hbm>>
        tpu.wait_dma2 semaphore(%arg19 : memref<!tpu.dma_semaphore, #tpu.memory_space<semaphore_mem>>) src(%arg13 : memref<8x512xf32, #tpu.memory_space<vmem>>) dst(%dma_wait3A_116 : memref<8x512xf32, #tpu.memory_space<hbm>>)
        %dma_wait3A_117 = arith.constant 0 : i32
        %dma_wait3A_118 = arith.constant 0 : i32
        %dma_wait3A_119 = tpu.memref_slice %arg7[%dma_wait3A_117, %dma_wait3A_118] : memref<2048x512xf32, #tpu.memory_space<hbm>> -> memref<8x512xf32, #tpu.memory_space<hbm>>
        %dma_wait3A_120 = arith.constant 0 : i32
        %dma_wait3A_121 = arith.constant 0 : i32
        %dma_wait3A_122 = tpu.memref_slice %arg7[%dma_wait3A_120, %dma_wait3A_121] : memref<2048x512xf32, #tpu.memory_space<hbm>> -> memref<8x512xf32, #tpu.memory_space<hbm>>
        tpu.wait_dma2 semaphore(%arg19 : memref<!tpu.dma_semaphore, #tpu.memory_space<semaphore_mem>>) src(%arg14 : memref<8x512xf32, #tpu.memory_space<vmem>>) dst(%dma_wait3A_122 : memref<8x512xf32, #tpu.memory_space<hbm>>)
      } else {
      }
      %dma_wait3A_50 = arith.constant 0 : i32
      %dma_wait3A_51 = arith.constant 0 : i32
      %dma_wait3A_52 = tpu.memref_slice %arg2[%dma_wait3A_50, %dma_wait3A_51] : memref<2048x512xf32, #tpu.memory_space<hbm>> -> memref<64x512xf32, #tpu.memory_space<hbm>>
      %dma_wait3A_53 = arith.constant 0 : i32
      %dma_wait3A_54 = arith.constant 0 : i32
      %dma_wait3A_55 = tpu.memref_slice %arg2[%dma_wait3A_53, %dma_wait3A_54] : memref<2048x512xf32, #tpu.memory_space<hbm>> -> memref<64x512xf32, #tpu.memory_space<hbm>>
      tpu.wait_dma2 semaphore(%arg17 : memref<!tpu.dma_semaphore, #tpu.memory_space<semaphore_mem>>) src(%dma_wait3A_55 : memref<64x512xf32, #tpu.memory_space<hbm>>) dst(%arg11 : memref<64x512xf32, #tpu.memory_space<vmem>>)
      %mul3A_56 = arith.constant 2 : i32
      %mul3A_57 = arith.muli %mul3A_56, %scan3A_37 : i32
      %scan3A_58 = arith.constant 0 : i32
      %scan3A_59 = arith.constant 0 : i32
      %scan3A_60 = arith.constant 8 : i32
      %scan3A_61 = arith.addi %scan3A_59, %scan3A_60 : i32
      %scan3A_62 = arith.constant 1 : i32
      scf.for %scan3A_111 = %scan3A_59 to %scan3A_61 step %scan3A_62  : i32 {
        %mul3A_112 = arith.constant 8 : i32
        %mul3A_113 = arith.muli %mul3A_57, %mul3A_112 : i32
        %add3A_114 = arith.addi %mul3A_113, %scan3A_111 : i32
        %get3A = arith.index_cast %add3A_114 : i32 to index
        %get3A_115 = arith.constant 0 : index
        %get3A_116 = tpu.vector_load %arg9[%get3A, %get3A_115] {strides = array<i32>} : memref<64x128xf32, #tpu.memory_space<vmem>>, vector<1x16xf32>,
        %get3A_117 = vector.shape_cast %get3A_116 : vector<1x16xf32> to vector<16xf32>
        %get3A_118 = arith.index_cast %add3A_114 : i32 to index
        %get3A_119 = arith.constant 16 : index
        %get3A_120 = tpu.vector_load %arg9[%get3A_118, %get3A_119] {strides = array<i32>} : memref<64x128xf32, #tpu.memory_space<vmem>>, vector<1x16xf32>,
        %get3A_121 = vector.shape_cast %get3A_120 : vector<1x16xf32> to vector<16xf32>
        %get3A_122 = arith.index_cast %add3A_114 : i32 to index
        %get3A_123 = arith.constant 32 : index
        %get3A_124 = tpu.vector_load %arg9[%get3A_122, %get3A_123] {strides = array<i32>} : memref<64x128xf32, #tpu.memory_space<vmem>>, vector<1x16xf32>,
        %get3A_125 = vector.shape_cast %get3A_124 : vector<1x16xf32> to vector<16xf32>
        %get3A_126 = arith.index_cast %add3A_114 : i32 to index
        %get3A_127 = arith.constant 48 : index
        %get3A_128 = tpu.vector_load %arg9[%get3A_126, %get3A_127] {strides = array<i32>} : memref<64x128xf32, #tpu.memory_space<vmem>>, vector<1x16xf32>,
        %get3A_129 = vector.shape_cast %get3A_128 : vector<1x16xf32> to vector<16xf32>
        %get3A_130 = arith.index_cast %add3A_114 : i32 to index
        %get3A_131 = arith.constant 64 : index
        %get3A_132 = tpu.vector_load %arg9[%get3A_130, %get3A_131] {strides = array<i32>} : memref<64x128xf32, #tpu.memory_space<vmem>>, vector<1x16xf32>,
        %get3A_133 = vector.shape_cast %get3A_132 : vector<1x16xf32> to vector<16xf32>
        %get3A_134 = arith.index_cast %add3A_114 : i32 to index
        %get3A_135 = arith.constant 80 : index
        %get3A_136 = tpu.vector_load %arg9[%get3A_134, %get3A_135] {strides = array<i32>} : memref<64x128xf32, #tpu.memory_space<vmem>>, vector<1x16xf32>,
        %get3A_137 = vector.shape_cast %get3A_136 : vector<1x16xf32> to vector<16xf32>
        %get3A_138 = arith.index_cast %add3A_114 : i32 to index
        %get3A_139 = arith.constant 96 : index
        %get3A_140 = tpu.vector_load %arg9[%get3A_138, %get3A_139] {strides = array<i32>} : memref<64x128xf32, #tpu.memory_space<vmem>>, vector<1x16xf32>,
        %get3A_141 = vector.shape_cast %get3A_140 : vector<1x16xf32> to vector<16xf32>
        %get3A_142 = arith.index_cast %add3A_114 : i32 to index
        %get3A_143 = arith.constant 112 : index
        %get3A_144 = tpu.vector_load %arg9[%get3A_142, %get3A_143] {strides = array<i32>} : memref<64x128xf32, #tpu.memory_space<vmem>>, vector<1x16xf32>,
        %get3A_145 = vector.shape_cast %get3A_144 : vector<1x16xf32> to vector<16xf32>
        %get3A_146 = arith.index_cast %add3A_114 : i32 to index
        %get3A_147 = arith.constant 0 : index
        %get3A_148 = tpu.vector_load %arg10[%get3A_146, %get3A_147] {strides = array<i32>} : memref<64x128xf32, #tpu.memory_space<vmem>>, vector<1x16xf32>,
        %get3A_149 = vector.shape_cast %get3A_148 : vector<1x16xf32> to vector<16xf32>
        %get3A_150 = arith.index_cast %add3A_114 : i32 to index
        %get3A_151 = arith.constant 16 : index
        %get3A_152 = tpu.vector_load %arg10[%get3A_150, %get3A_151] {strides = array<i32>} : memref<64x128xf32, #tpu.memory_space<vmem>>, vector<1x16xf32>,
        %get3A_153 = vector.shape_cast %get3A_152 : vector<1x16xf32> to vector<16xf32>
        %get3A_154 = arith.index_cast %add3A_114 : i32 to index
        %get3A_155 = arith.constant 32 : index
        %get3A_156 = tpu.vector_load %arg10[%get3A_154, %get3A_155] {strides = array<i32>} : memref<64x128xf32, #tpu.memory_space<vmem>>, vector<1x16xf32>,
        %get3A_157 = vector.shape_cast %get3A_156 : vector<1x16xf32> to vector<16xf32>
        %get3A_158 = arith.index_cast %add3A_114 : i32 to index
        %get3A_159 = arith.constant 48 : index
        %get3A_160 = tpu.vector_load %arg10[%get3A_158, %get3A_159] {strides = array<i32>} : memref<64x128xf32, #tpu.memory_space<vmem>>, vector<1x16xf32>,
        %get3A_161 = vector.shape_cast %get3A_160 : vector<1x16xf32> to vector<16xf32>
        %get3A_162 = arith.index_cast %add3A_114 : i32 to index
        %get3A_163 = arith.constant 64 : index
        %get3A_164 = tpu.vector_load %arg10[%get3A_162, %get3A_163] {strides = array<i32>} : memref<64x128xf32, #tpu.memory_space<vmem>>, vector<1x16xf32>,
        %get3A_165 = vector.shape_cast %get3A_164 : vector<1x16xf32> to vector<16xf32>
        %get3A_166 = arith.index_cast %add3A_114 : i32 to index
        %get3A_167 = arith.constant 80 : index
        %get3A_168 = tpu.vector_load %arg10[%get3A_166, %get3A_167] {strides = array<i32>} : memref<64x128xf32, #tpu.memory_space<vmem>>, vector<1x16xf32>,
        %get3A_169 = vector.shape_cast %get3A_168 : vector<1x16xf32> to vector<16xf32>
        %get3A_170 = arith.index_cast %add3A_114 : i32 to index
        %get3A_171 = arith.constant 96 : index
        %get3A_172 = tpu.vector_load %arg10[%get3A_170, %get3A_171] {strides = array<i32>} : memref<64x128xf32, #tpu.memory_space<vmem>>, vector<1x16xf32>,
        %get3A_173 = vector.shape_cast %get3A_172 : vector<1x16xf32> to vector<16xf32>
        %get3A_174 = arith.index_cast %add3A_114 : i32 to index
        %get3A_175 = arith.constant 112 : index
        %get3A_176 = tpu.vector_load %arg10[%get3A_174, %get3A_175] {strides = array<i32>} : memref<64x128xf32, #tpu.memory_space<vmem>>, vector<1x16xf32>,
        %get3A_177 = vector.shape_cast %get3A_176 : vector<1x16xf32> to vector<16xf32>
        %scan3A_178 = arith.constant 0 : i32
        %scan3A_179 = arith.constant 32 : i32
        %scan3A_180 = arith.addi %scan3A_178, %scan3A_179 : i32
        %scan3A_181 = arith.constant 2 : i32
        scf.for %scan3A_183 = %scan3A_178 to %scan3A_180 step %scan3A_181  : i32 {
          %mul3A_184 = arith.constant 16 : i32
          %mul3A_185 = arith.muli %scan3A_183, %mul3A_184 : i32
          %mul3A_186 = arith.constant 8 : i32
          %mul3A_187 = arith.muli %scan3A_111, %mul3A_186 : i32
          %get3A_188 = arith.index_cast %mul3A_187 : i32 to index
          %get3A_189 = arith.index_cast %mul3A_185 : i32 to index
          %get3A_190 = tpu.vector_load %arg11[%get3A_188, %get3A_189] {strides = array<i32>} : memref<64x512xf32, #tpu.memory_space<vmem>>, vector<1x16xf32>,
          %get3A_191 = vector.shape_cast %get3A_190 : vector<1x16xf32> to vector<16xf32>
          %mul3A_192 = arith.mulf %get3A_191, %get3A_117 : vector<16xf32>
          %mul3A_193 = arith.mulf %get3A_191, %get3A_149 : vector<16xf32>
          %mul3A_194 = arith.constant 8 : i32
          %mul3A_195 = arith.muli %scan3A_111, %mul3A_194 : i32
          %add3A_196 = arith.constant 1 : i32
          %add3A_197 = arith.addi %mul3A_195, %add3A_196 : i32
          %get3A_198 = arith.index_cast %add3A_197 : i32 to index
          %get3A_199 = arith.index_cast %mul3A_185 : i32 to index
          %get3A_200 = tpu.vector_load %arg11[%get3A_198, %get3A_199] {strides = array<i32>} : memref<64x512xf32, #tpu.memory_space<vmem>>, vector<1x16xf32>,
          %get3A_201 = vector.shape_cast %get3A_200 : vector<1x16xf32> to vector<16xf32>
          %mul3A_202 = arith.mulf %get3A_201, %get3A_121 : vector<16xf32>
          %add3A_203 = arith.addf %mul3A_192, %mul3A_202 : vector<16xf32>
          %mul3A_204 = arith.mulf %get3A_201, %get3A_153 : vector<16xf32>
          %add3A_205 = arith.addf %mul3A_193, %mul3A_204 : vector<16xf32>
          %mul3A_206 = arith.constant 8 : i32
          %mul3A_207 = arith.muli %scan3A_111, %mul3A_206 : i32
          %add3A_208 = arith.constant 2 : i32
          %add3A_209 = arith.addi %mul3A_207, %add3A_208 : i32
          %get3A_210 = arith.index_cast %add3A_209 : i32 to index
          %get3A_211 = arith.index_cast %mul3A_185 : i32 to index
          %get3A_212 = tpu.vector_load %arg11[%get3A_210, %get3A_211] {strides = array<i32>} : memref<64x512xf32, #tpu.memory_space<vmem>>, vector<1x16xf32>,
          %get3A_213 = vector.shape_cast %get3A_212 : vector<1x16xf32> to vector<16xf32>
          %mul3A_214 = arith.mulf %get3A_213, %get3A_125 : vector<16xf32>
          %add3A_215 = arith.addf %add3A_203, %mul3A_214 : vector<16xf32>
          %mul3A_216 = arith.mulf %get3A_213, %get3A_157 : vector<16xf32>
          %add3A_217 = arith.addf %add3A_205, %mul3A_216 : vector<16xf32>
          %mul3A_218 = arith.constant 8 : i32
          %mul3A_219 = arith.muli %scan3A_111, %mul3A_218 : i32
          %add3A_220 = arith.constant 3 : i32
          %add3A_221 = arith.addi %mul3A_219, %add3A_220 : i32
          %get3A_222 = arith.index_cast %add3A_221 : i32 to index
          %get3A_223 = arith.index_cast %mul3A_185 : i32 to index
          %get3A_224 = tpu.vector_load %arg11[%get3A_222, %get3A_223] {strides = array<i32>} : memref<64x512xf32, #tpu.memory_space<vmem>>, vector<1x16xf32>,
          %get3A_225 = vector.shape_cast %get3A_224 : vector<1x16xf32> to vector<16xf32>
          %mul3A_226 = arith.mulf %get3A_225, %get3A_129 : vector<16xf32>
          %add3A_227 = arith.addf %add3A_215, %mul3A_226 : vector<16xf32>
          %mul3A_228 = arith.mulf %get3A_225, %get3A_161 : vector<16xf32>
          %add3A_229 = arith.addf %add3A_217, %mul3A_228 : vector<16xf32>
          %mul3A_230 = arith.constant 8 : i32
          %mul3A_231 = arith.muli %scan3A_111, %mul3A_230 : i32
          %add3A_232 = arith.constant 4 : i32
          %add3A_233 = arith.addi %mul3A_231, %add3A_232 : i32
          %get3A_234 = arith.index_cast %add3A_233 : i32 to index
          %get3A_235 = arith.index_cast %mul3A_185 : i32 to index
          %get3A_236 = tpu.vector_load %arg11[%get3A_234, %get3A_235] {strides = array<i32>} : memref<64x512xf32, #tpu.memory_space<vmem>>, vector<1x16xf32>,
          %get3A_237 = vector.shape_cast %get3A_236 : vector<1x16xf32> to vector<16xf32>
          %mul3A_238 = arith.mulf %get3A_237, %get3A_133 : vector<16xf32>
          %add3A_239 = arith.addf %add3A_227, %mul3A_238 : vector<16xf32>
          %mul3A_240 = arith.mulf %get3A_237, %get3A_165 : vector<16xf32>
          %add3A_241 = arith.addf %add3A_229, %mul3A_240 : vector<16xf32>
          %mul3A_242 = arith.constant 8 : i32
          %mul3A_243 = arith.muli %scan3A_111, %mul3A_242 : i32
          %add3A_244 = arith.constant 5 : i32
          %add3A_245 = arith.addi %mul3A_243, %add3A_244 : i32
          %get3A_246 = arith.index_cast %add3A_245 : i32 to index
          %get3A_247 = arith.index_cast %mul3A_185 : i32 to index
          %get3A_248 = tpu.vector_load %arg11[%get3A_246, %get3A_247] {strides = array<i32>} : memref<64x512xf32, #tpu.memory_space<vmem>>, vector<1x16xf32>,
          %get3A_249 = vector.shape_cast %get3A_248 : vector<1x16xf32> to vector<16xf32>
          %mul3A_250 = arith.mulf %get3A_249, %get3A_137 : vector<16xf32>
          %add3A_251 = arith.addf %add3A_239, %mul3A_250 : vector<16xf32>
          %mul3A_252 = arith.mulf %get3A_249, %get3A_169 : vector<16xf32>
          %add3A_253 = arith.addf %add3A_241, %mul3A_252 : vector<16xf32>
          %mul3A_254 = arith.constant 8 : i32
          %mul3A_255 = arith.muli %scan3A_111, %mul3A_254 : i32
          %add3A_256 = arith.constant 6 : i32
          %add3A_257 = arith.addi %mul3A_255, %add3A_256 : i32
          %get3A_258 = arith.index_cast %add3A_257 : i32 to index
          %get3A_259 = arith.index_cast %mul3A_185 : i32 to index
          %get3A_260 = tpu.vector_load %arg11[%get3A_258, %get3A_259] {strides = array<i32>} : memref<64x512xf32, #tpu.memory_space<vmem>>, vector<1x16xf32>,
          %get3A_261 = vector.shape_cast %get3A_260 : vector<1x16xf32> to vector<16xf32>
          %mul3A_262 = arith.mulf %get3A_261, %get3A_141 : vector<16xf32>
          %add3A_263 = arith.addf %add3A_251, %mul3A_262 : vector<16xf32>
          %mul3A_264 = arith.mulf %get3A_261, %get3A_173 : vector<16xf32>
          %add3A_265 = arith.addf %add3A_253, %mul3A_264 : vector<16xf32>
          %mul3A_266 = arith.constant 8 : i32
          %mul3A_267 = arith.muli %scan3A_111, %mul3A_266 : i32
          %add3A_268 = arith.constant 7 : i32
          %add3A_269 = arith.addi %mul3A_267, %add3A_268 : i32
          %get3A_270 = arith.index_cast %add3A_269 : i32 to index
          %get3A_271 = arith.index_cast %mul3A_185 : i32 to index
          %get3A_272 = tpu.vector_load %arg11[%get3A_270, %get3A_271] {strides = array<i32>} : memref<64x512xf32, #tpu.memory_space<vmem>>, vector<1x16xf32>,
          %get3A_273 = vector.shape_cast %get3A_272 : vector<1x16xf32> to vector<16xf32>
          %mul3A_274 = arith.mulf %get3A_273, %get3A_145 : vector<16xf32>
          %add3A_275 = arith.addf %add3A_263, %mul3A_274 : vector<16xf32>
          %mul3A_276 = arith.mulf %get3A_273, %get3A_177 : vector<16xf32>
          %add3A_277 = arith.addf %add3A_265, %mul3A_276 : vector<16xf32>
          %swap3A = arith.index_cast %scan3A_111 : i32 to index
          %swap3A_278 = arith.index_cast %mul3A_185 : i32 to index
          %swap3A_279 = tpu.vector_load %arg13[%swap3A, %swap3A_278] {strides = array<i32>} : memref<8x512xf32, #tpu.memory_space<vmem>>, vector<1x16xf32>,
          %swap3A_280 = vector.shape_cast %swap3A_279 : vector<1x16xf32> to vector<16xf32>
          %swap3A_281 = vector.shape_cast %add3A_275 : vector<16xf32> to vector<1x16xf32>
          tpu.vector_store %arg13[%swap3A, %swap3A_278], %swap3A_281 {strides = array<i32>} : memref<8x512xf32, #tpu.memory_space<vmem>>, vector<1x16xf32>,
          %swap3A_282 = arith.index_cast %scan3A_111 : i32 to index
          %swap3A_283 = arith.index_cast %mul3A_185 : i32 to index
          %swap3A_284 = tpu.vector_load %arg14[%swap3A_282, %swap3A_283] {strides = array<i32>} : memref<8x512xf32, #tpu.memory_space<vmem>>, vector<1x16xf32>,
          %swap3A_285 = vector.shape_cast %swap3A_284 : vector<1x16xf32> to vector<16xf32>
          %swap3A_286 = vector.shape_cast %add3A_277 : vector<16xf32> to vector<1x16xf32>
          tpu.vector_store %arg14[%swap3A_282, %swap3A_283], %swap3A_286 {strides = array<i32>} : memref<8x512xf32, #tpu.memory_space<vmem>>, vector<1x16xf32>,
          %scan3A_287 = arith.constant 1 : i32
          %scan3A_288 = arith.addi %scan3A_183, %scan3A_287 : i32
          %mul3A_289 = arith.constant 16 : i32
          %mul3A_290 = arith.muli %scan3A_288, %mul3A_289 : i32
          %mul3A_291 = arith.constant 8 : i32
          %mul3A_292 = arith.muli %scan3A_111, %mul3A_291 : i32
          %get3A_293 = arith.index_cast %mul3A_292 : i32 to index
          %get3A_294 = arith.index_cast %mul3A_290 : i32 to index
          %get3A_295 = tpu.vector_load %arg11[%get3A_293, %get3A_294] {strides = array<i32>} : memref<64x512xf32, #tpu.memory_space<vmem>>, vector<1x16xf32>,
          %get3A_296 = vector.shape_cast %get3A_295 : vector<1x16xf32> to vector<16xf32>
          %mul3A_297 = arith.mulf %get3A_296, %get3A_117 : vector<16xf32>
          %mul3A_298 = arith.mulf %get3A_296, %get3A_149 : vector<16xf32>
          %mul3A_299 = arith.constant 8 : i32
          %mul3A_300 = arith.muli %scan3A_111, %mul3A_299 : i32
          %add3A_301 = arith.constant 1 : i32
          %add3A_302 = arith.addi %mul3A_300, %add3A_301 : i32
          %get3A_303 = arith.index_cast %add3A_302 : i32 to index
          %get3A_304 = arith.index_cast %mul3A_290 : i32 to index
          %get3A_305 = tpu.vector_load %arg11[%get3A_303, %get3A_304] {strides = array<i32>} : memref<64x512xf32, #tpu.memory_space<vmem>>, vector<1x16xf32>,
          %get3A_306 = vector.shape_cast %get3A_305 : vector<1x16xf32> to vector<16xf32>
          %mul3A_307 = arith.mulf %get3A_306, %get3A_121 : vector<16xf32>
          %add3A_308 = arith.addf %mul3A_297, %mul3A_307 : vector<16xf32>
          %mul3A_309 = arith.mulf %get3A_306, %get3A_153 : vector<16xf32>
          %add3A_310 = arith.addf %mul3A_298, %mul3A_309 : vector<16xf32>
          %mul3A_311 = arith.constant 8 : i32
          %mul3A_312 = arith.muli %scan3A_111, %mul3A_311 : i32
          %add3A_313 = arith.constant 2 : i32
          %add3A_314 = arith.addi %mul3A_312, %add3A_313 : i32
          %get3A_315 = arith.index_cast %add3A_314 : i32 to index
          %get3A_316 = arith.index_cast %mul3A_290 : i32 to index
          %get3A_317 = tpu.vector_load %arg11[%get3A_315, %get3A_316] {strides = array<i32>} : memref<64x512xf32, #tpu.memory_space<vmem>>, vector<1x16xf32>,
          %get3A_318 = vector.shape_cast %get3A_317 : vector<1x16xf32> to vector<16xf32>
          %mul3A_319 = arith.mulf %get3A_318, %get3A_125 : vector<16xf32>
          %add3A_320 = arith.addf %add3A_308, %mul3A_319 : vector<16xf32>
          %mul3A_321 = arith.mulf %get3A_318, %get3A_157 : vector<16xf32>
          %add3A_322 = arith.addf %add3A_310, %mul3A_321 : vector<16xf32>
          %mul3A_323 = arith.constant 8 : i32
          %mul3A_324 = arith.muli %scan3A_111, %mul3A_323 : i32
          %add3A_325 = arith.constant 3 : i32
          %add3A_326 = arith.addi %mul3A_324, %add3A_325 : i32
          %get3A_327 = arith.index_cast %add3A_326 : i32 to index
          %get3A_328 = arith.index_cast %mul3A_290 : i32 to index
          %get3A_329 = tpu.vector_load %arg11[%get3A_327, %get3A_328] {strides = array<i32>} : memref<64x512xf32, #tpu.memory_space<vmem>>, vector<1x16xf32>,
          %get3A_330 = vector.shape_cast %get3A_329 : vector<1x16xf32> to vector<16xf32>
          %mul3A_331 = arith.mulf %get3A_330, %get3A_129 : vector<16xf32>
          %add3A_332 = arith.addf %add3A_320, %mul3A_331 : vector<16xf32>
          %mul3A_333 = arith.mulf %get3A_330, %get3A_161 : vector<16xf32>
          %add3A_334 = arith.addf %add3A_322, %mul3A_333 : vector<16xf32>
          %mul3A_335 = arith.constant 8 : i32
          %mul3A_336 = arith.muli %scan3A_111, %mul3A_335 : i32
          %add3A_337 = arith.constant 4 : i32
          %add3A_338 = arith.addi %mul3A_336, %add3A_337 : i32
          %get3A_339 = arith.index_cast %add3A_338 : i32 to index
          %get3A_340 = arith.index_cast %mul3A_290 : i32 to index
          %get3A_341 = tpu.vector_load %arg11[%get3A_339, %get3A_340] {strides = array<i32>} : memref<64x512xf32, #tpu.memory_space<vmem>>, vector<1x16xf32>,
          %get3A_342 = vector.shape_cast %get3A_341 : vector<1x16xf32> to vector<16xf32>
          %mul3A_343 = arith.mulf %get3A_342, %get3A_133 : vector<16xf32>
          %add3A_344 = arith.addf %add3A_332, %mul3A_343 : vector<16xf32>
          %mul3A_345 = arith.mulf %get3A_342, %get3A_165 : vector<16xf32>
          %add3A_346 = arith.addf %add3A_334, %mul3A_345 : vector<16xf32>
          %mul3A_347 = arith.constant 8 : i32
          %mul3A_348 = arith.muli %scan3A_111, %mul3A_347 : i32
          %add3A_349 = arith.constant 5 : i32
          %add3A_350 = arith.addi %mul3A_348, %add3A_349 : i32
          %get3A_351 = arith.index_cast %add3A_350 : i32 to index
          %get3A_352 = arith.index_cast %mul3A_290 : i32 to index
          %get3A_353 = tpu.vector_load %arg11[%get3A_351, %get3A_352] {strides = array<i32>} : memref<64x512xf32, #tpu.memory_space<vmem>>, vector<1x16xf32>,
          %get3A_354 = vector.shape_cast %get3A_353 : vector<1x16xf32> to vector<16xf32>
          %mul3A_355 = arith.mulf %get3A_354, %get3A_137 : vector<16xf32>
          %add3A_356 = arith.addf %add3A_344, %mul3A_355 : vector<16xf32>
          %mul3A_357 = arith.mulf %get3A_354, %get3A_169 : vector<16xf32>
          %add3A_358 = arith.addf %add3A_346, %mul3A_357 : vector<16xf32>
          %mul3A_359 = arith.constant 8 : i32
          %mul3A_360 = arith.muli %scan3A_111, %mul3A_359 : i32
          %add3A_361 = arith.constant 6 : i32
          %add3A_362 = arith.addi %mul3A_360, %add3A_361 : i32
          %get3A_363 = arith.index_cast %add3A_362 : i32 to index
          %get3A_364 = arith.index_cast %mul3A_290 : i32 to index
          %get3A_365 = tpu.vector_load %arg11[%get3A_363, %get3A_364] {strides = array<i32>} : memref<64x512xf32, #tpu.memory_space<vmem>>, vector<1x16xf32>,
          %get3A_366 = vector.shape_cast %get3A_365 : vector<1x16xf32> to vector<16xf32>
          %mul3A_367 = arith.mulf %get3A_366, %get3A_141 : vector<16xf32>
          %add3A_368 = arith.addf %add3A_356, %mul3A_367 : vector<16xf32>
          %mul3A_369 = arith.mulf %get3A_366, %get3A_173 : vector<16xf32>
          %add3A_370 = arith.addf %add3A_358, %mul3A_369 : vector<16xf32>
          %mul3A_371 = arith.constant 8 : i32
          %mul3A_372 = arith.muli %scan3A_111, %mul3A_371 : i32
          %add3A_373 = arith.constant 7 : i32
          %add3A_374 = arith.addi %mul3A_372, %add3A_373 : i32
          %get3A_375 = arith.index_cast %add3A_374 : i32 to index
          %get3A_376 = arith.index_cast %mul3A_290 : i32 to index
          %get3A_377 = tpu.vector_load %arg11[%get3A_375, %get3A_376] {strides = array<i32>} : memref<64x512xf32, #tpu.memory_space<vmem>>, vector<1x16xf32>,
          %get3A_378 = vector.shape_cast %get3A_377 : vector<1x16xf32> to vector<16xf32>
          %mul3A_379 = arith.mulf %get3A_378, %get3A_145 : vector<16xf32>
          %add3A_380 = arith.addf %add3A_368, %mul3A_379 : vector<16xf32>
          %mul3A_381 = arith.mulf %get3A_378, %get3A_177 : vector<16xf32>
          %add3A_382 = arith.addf %add3A_370, %mul3A_381 : vector<16xf32>
          %swap3A_383 = arith.index_cast %scan3A_111 : i32 to index
          %swap3A_384 = arith.index_cast %mul3A_290 : i32 to index
          %swap3A_385 = tpu.vector_load %arg13[%swap3A_383, %swap3A_384] {strides = array<i32>} : memref<8x512xf32, #tpu.memory_space<vmem>>, vector<1x16xf32>,
          %swap3A_386 = vector.shape_cast %swap3A_385 : vector<1x16xf32> to vector<16xf32>
          %swap3A_387 = vector.shape_cast %add3A_380 : vector<16xf32> to vector<1x16xf32>
          tpu.vector_store %arg13[%swap3A_383, %swap3A_384], %swap3A_387 {strides = array<i32>} : memref<8x512xf32, #tpu.memory_space<vmem>>, vector<1x16xf32>,
          %swap3A_388 = arith.index_cast %scan3A_111 : i32 to index
          %swap3A_389 = arith.index_cast %mul3A_290 : i32 to index
          %swap3A_390 = tpu.vector_load %arg14[%swap3A_388, %swap3A_389] {strides = array<i32>} : memref<8x512xf32, #tpu.memory_space<vmem>>, vector<1x16xf32>,
          %swap3A_391 = vector.shape_cast %swap3A_390 : vector<1x16xf32> to vector<16xf32>
          %swap3A_392 = vector.shape_cast %add3A_382 : vector<16xf32> to vector<1x16xf32>
          tpu.vector_store %arg14[%swap3A_388, %swap3A_389], %swap3A_392 {strides = array<i32>} : memref<8x512xf32, #tpu.memory_space<vmem>>, vector<1x16xf32>,
        }
        %scan3A_182 = arith.constant 32 : i32
      }
      %scan3A_63 = arith.constant 8 : i32
      %mul3A_64 = arith.constant 8 : i32
      %mul3A_65 = arith.muli %mul3A_57, %mul3A_64 : i32
      %add3A_66 = arith.addi %mul3A_4, %mul3A_65 : i32
      %dma_start3A_67 = arith.constant 0 : i32
      %dma_start3A_68 = tpu.memref_slice %arg6[%add3A_66, %dma_start3A_67] : memref<2048x512xf32, #tpu.memory_space<hbm>> -> memref<8x512xf32, #tpu.memory_space<hbm>>
      %dma_start3A_69 = arith.constant 0 : i32
      %dma_start3A_70 = tpu.memref_slice %arg6[%add3A_66, %dma_start3A_69] : memref<2048x512xf32, #tpu.memory_space<hbm>> -> memref<8x512xf32, #tpu.memory_space<hbm>>
      tpu.enqueue_dma source(%arg13 : memref<8x512xf32, #tpu.memory_space<vmem>>) target(%dma_start3A_70 : memref<8x512xf32, #tpu.memory_space<hbm>>) target_semaphore(%arg19 : memref<!tpu.dma_semaphore, #tpu.memory_space<semaphore_mem>>)
      %dma_start3A_71 = arith.constant 0 : i32
      %dma_start3A_72 = tpu.memref_slice %arg7[%add3A_66, %dma_start3A_71] : memref<2048x512xf32, #tpu.memory_space<hbm>> -> memref<8x512xf32, #tpu.memory_space<hbm>>
      %dma_start3A_73 = arith.constant 0 : i32
      %dma_start3A_74 = tpu.memref_slice %arg7[%add3A_66, %dma_start3A_73] : memref<2048x512xf32, #tpu.memory_space<hbm>> -> memref<8x512xf32, #tpu.memory_space<hbm>>
      tpu.enqueue_dma source(%arg14 : memref<8x512xf32, #tpu.memory_space<vmem>>) target(%dma_start3A_74 : memref<8x512xf32, #tpu.memory_space<hbm>>) target_semaphore(%arg19 : memref<!tpu.dma_semaphore, #tpu.memory_space<semaphore_mem>>)
      %lt3A = arith.constant 3 : i32
      %lt3A_75 = arith.cmpi slt, %scan3A_37, %lt3A : i32
      %convert_element_type3A_76 = arith.extui %lt3A_75 : i1 to i32
      %cond3A_77 = arith.constant 0 : i32
      %cond3A_78 = arith.cmpi ne, %convert_element_type3A_76, %cond3A_77 : i32
      scf.if %cond3A_78 {
        %mul3A_111 = arith.constant 2 : i32
        %mul3A_112 = arith.muli %mul3A_111, %scan3A_37 : i32
        %add3A_113 = arith.constant 2 : i32
        %add3A_114 = arith.addi %mul3A_112, %add3A_113 : i32
        %mul3A_115 = arith.constant 64 : i32
        %mul3A_116 = arith.muli %add3A_114, %mul3A_115 : i32
        %dma_start3A_117 = tpu.memref_slice %arg8[%mul3A_116] : memref<512xi32, #tpu.memory_space<vmem>> -> memref<64xi32, #tpu.memory_space<vmem>>
        %dma_start3A_118 = arith.constant 0 : i32
        %dma_start3A_119 = arith.constant 0 : i32
        %dma_start3A_120 = tpu.memref_slice %arg2[%dma_start3A_118, %dma_start3A_119] : memref<2048x512xf32, #tpu.memory_space<hbm>> -> memref<2048x512xf32, #tpu.memory_space<hbm>>
        tpu.enqueue_indirect_dma source(%dma_start3A_120 : memref<2048x512xf32, #tpu.memory_space<hbm>>) target(%arg11 : memref<64x512xf32, #tpu.memory_space<vmem>>) offsets(%dma_start3A_117 : memref<64xi32, #tpu.memory_space<vmem>>) semaphore(%arg17 : memref<!tpu.dma_semaphore, #tpu.memory_space<semaphore_mem>>)
      } else {
      }
      %gt3A_79 = arith.constant 0 : i32
      %gt3A_80 = arith.cmpi sgt, %scan3A_37, %gt3A_79 : i32
      %convert_element_type3A_81 = arith.extui %gt3A_80 : i1 to i32
      %cond3A_82 = arith.constant 0 : i32
      %cond3A_83 = arith.cmpi ne, %convert_element_type3A_81, %cond3A_82 : i32
      scf.if %cond3A_83 {
        %dma_wait3A_111 = arith.constant 0 : i32
        %dma_wait3A_112 = arith.constant 0 : i32
        %dma_wait3A_113 = tpu.memref_slice %arg6[%dma_wait3A_111, %dma_wait3A_112] : memref<2048x512xf32, #tpu.memory_space<hbm>> -> memref<8x512xf32, #tpu.memory_space<hbm>>
        %dma_wait3A_114 = arith.constant 0 : i32
        %dma_wait3A_115 = arith.constant 0 : i32
        %dma_wait3A_116 = tpu.memref_slice %arg6[%dma_wait3A_114, %dma_wait3A_115] : memref<2048x512xf32, #tpu.memory_space<hbm>> -> memref<8x512xf32, #tpu.memory_space<hbm>>
        tpu.wait_dma2 semaphore(%arg20 : memref<!tpu.dma_semaphore, #tpu.memory_space<semaphore_mem>>) src(%arg15 : memref<8x512xf32, #tpu.memory_space<vmem>>) dst(%dma_wait3A_116 : memref<8x512xf32, #tpu.memory_space<hbm>>)
        %dma_wait3A_117 = arith.constant 0 : i32
        %dma_wait3A_118 = arith.constant 0 : i32
        %dma_wait3A_119 = tpu.memref_slice %arg7[%dma_wait3A_117, %dma_wait3A_118] : memref<2048x512xf32, #tpu.memory_space<hbm>> -> memref<8x512xf32, #tpu.memory_space<hbm>>
        %dma_wait3A_120 = arith.constant 0 : i32
        %dma_wait3A_121 = arith.constant 0 : i32
        %dma_wait3A_122 = tpu.memref_slice %arg7[%dma_wait3A_120, %dma_wait3A_121] : memref<2048x512xf32, #tpu.memory_space<hbm>> -> memref<8x512xf32, #tpu.memory_space<hbm>>
        tpu.wait_dma2 semaphore(%arg20 : memref<!tpu.dma_semaphore, #tpu.memory_space<semaphore_mem>>) src(%arg16 : memref<8x512xf32, #tpu.memory_space<vmem>>) dst(%dma_wait3A_122 : memref<8x512xf32, #tpu.memory_space<hbm>>)
      } else {
      }
      %dma_wait3A_84 = arith.constant 0 : i32
      %dma_wait3A_85 = arith.constant 0 : i32
      %dma_wait3A_86 = tpu.memref_slice %arg2[%dma_wait3A_84, %dma_wait3A_85] : memref<2048x512xf32, #tpu.memory_space<hbm>> -> memref<64x512xf32, #tpu.memory_space<hbm>>
      %dma_wait3A_87 = arith.constant 0 : i32
      %dma_wait3A_88 = arith.constant 0 : i32
      %dma_wait3A_89 = tpu.memref_slice %arg2[%dma_wait3A_87, %dma_wait3A_88] : memref<2048x512xf32, #tpu.memory_space<hbm>> -> memref<64x512xf32, #tpu.memory_space<hbm>>
      tpu.wait_dma2 semaphore(%arg18 : memref<!tpu.dma_semaphore, #tpu.memory_space<semaphore_mem>>) src(%dma_wait3A_89 : memref<64x512xf32, #tpu.memory_space<hbm>>) dst(%arg12 : memref<64x512xf32, #tpu.memory_space<vmem>>)
      %mul3A_90 = arith.constant 2 : i32
      %mul3A_91 = arith.muli %mul3A_90, %scan3A_37 : i32
      %add3A_92 = arith.constant 1 : i32
      %add3A_93 = arith.addi %mul3A_91, %add3A_92 : i32
      %scan3A_94 = arith.constant 0 : i32
      %scan3A_95 = arith.constant 0 : i32
      %scan3A_96 = arith.constant 8 : i32
      %scan3A_97 = arith.addi %scan3A_95, %scan3A_96 : i32
      %scan3A_98 = arith.constant 1 : i32
      scf.for %scan3A_111 = %scan3A_95 to %scan3A_97 step %scan3A_98  : i32 {
        %mul3A_112 = arith.constant 8 : i32
        %mul3A_113 = arith.muli %add3A_93, %mul3A_112 : i32
        %add3A_114 = arith.addi %mul3A_113, %scan3A_111 : i32
        %get3A = arith.index_cast %add3A_114 : i32 to index
        %get3A_115 = arith.constant 0 : index
        %get3A_116 = tpu.vector_load %arg9[%get3A, %get3A_115] {strides = array<i32>} : memref<64x128xf32, #tpu.memory_space<vmem>>, vector<1x16xf32>,
        %get3A_117 = vector.shape_cast %get3A_116 : vector<1x16xf32> to vector<16xf32>
        %get3A_118 = arith.index_cast %add3A_114 : i32 to index
        %get3A_119 = arith.constant 16 : index
        %get3A_120 = tpu.vector_load %arg9[%get3A_118, %get3A_119] {strides = array<i32>} : memref<64x128xf32, #tpu.memory_space<vmem>>, vector<1x16xf32>,
        %get3A_121 = vector.shape_cast %get3A_120 : vector<1x16xf32> to vector<16xf32>
        %get3A_122 = arith.index_cast %add3A_114 : i32 to index
        %get3A_123 = arith.constant 32 : index
        %get3A_124 = tpu.vector_load %arg9[%get3A_122, %get3A_123] {strides = array<i32>} : memref<64x128xf32, #tpu.memory_space<vmem>>, vector<1x16xf32>,
        %get3A_125 = vector.shape_cast %get3A_124 : vector<1x16xf32> to vector<16xf32>
        %get3A_126 = arith.index_cast %add3A_114 : i32 to index
        %get3A_127 = arith.constant 48 : index
        %get3A_128 = tpu.vector_load %arg9[%get3A_126, %get3A_127] {strides = array<i32>} : memref<64x128xf32, #tpu.memory_space<vmem>>, vector<1x16xf32>,
        %get3A_129 = vector.shape_cast %get3A_128 : vector<1x16xf32> to vector<16xf32>
        %get3A_130 = arith.index_cast %add3A_114 : i32 to index
        %get3A_131 = arith.constant 64 : index
        %get3A_132 = tpu.vector_load %arg9[%get3A_130, %get3A_131] {strides = array<i32>} : memref<64x128xf32, #tpu.memory_space<vmem>>, vector<1x16xf32>,
        %get3A_133 = vector.shape_cast %get3A_132 : vector<1x16xf32> to vector<16xf32>
        %get3A_134 = arith.index_cast %add3A_114 : i32 to index
        %get3A_135 = arith.constant 80 : index
        %get3A_136 = tpu.vector_load %arg9[%get3A_134, %get3A_135] {strides = array<i32>} : memref<64x128xf32, #tpu.memory_space<vmem>>, vector<1x16xf32>,
        %get3A_137 = vector.shape_cast %get3A_136 : vector<1x16xf32> to vector<16xf32>
        %get3A_138 = arith.index_cast %add3A_114 : i32 to index
        %get3A_139 = arith.constant 96 : index
        %get3A_140 = tpu.vector_load %arg9[%get3A_138, %get3A_139] {strides = array<i32>} : memref<64x128xf32, #tpu.memory_space<vmem>>, vector<1x16xf32>,
        %get3A_141 = vector.shape_cast %get3A_140 : vector<1x16xf32> to vector<16xf32>
        %get3A_142 = arith.index_cast %add3A_114 : i32 to index
        %get3A_143 = arith.constant 112 : index
        %get3A_144 = tpu.vector_load %arg9[%get3A_142, %get3A_143] {strides = array<i32>} : memref<64x128xf32, #tpu.memory_space<vmem>>, vector<1x16xf32>,
        %get3A_145 = vector.shape_cast %get3A_144 : vector<1x16xf32> to vector<16xf32>
        %get3A_146 = arith.index_cast %add3A_114 : i32 to index
        %get3A_147 = arith.constant 0 : index
        %get3A_148 = tpu.vector_load %arg10[%get3A_146, %get3A_147] {strides = array<i32>} : memref<64x128xf32, #tpu.memory_space<vmem>>, vector<1x16xf32>,
        %get3A_149 = vector.shape_cast %get3A_148 : vector<1x16xf32> to vector<16xf32>
        %get3A_150 = arith.index_cast %add3A_114 : i32 to index
        %get3A_151 = arith.constant 16 : index
        %get3A_152 = tpu.vector_load %arg10[%get3A_150, %get3A_151] {strides = array<i32>} : memref<64x128xf32, #tpu.memory_space<vmem>>, vector<1x16xf32>,
        %get3A_153 = vector.shape_cast %get3A_152 : vector<1x16xf32> to vector<16xf32>
        %get3A_154 = arith.index_cast %add3A_114 : i32 to index
        %get3A_155 = arith.constant 32 : index
        %get3A_156 = tpu.vector_load %arg10[%get3A_154, %get3A_155] {strides = array<i32>} : memref<64x128xf32, #tpu.memory_space<vmem>>, vector<1x16xf32>,
        %get3A_157 = vector.shape_cast %get3A_156 : vector<1x16xf32> to vector<16xf32>
        %get3A_158 = arith.index_cast %add3A_114 : i32 to index
        %get3A_159 = arith.constant 48 : index
        %get3A_160 = tpu.vector_load %arg10[%get3A_158, %get3A_159] {strides = array<i32>} : memref<64x128xf32, #tpu.memory_space<vmem>>, vector<1x16xf32>,
        %get3A_161 = vector.shape_cast %get3A_160 : vector<1x16xf32> to vector<16xf32>
        %get3A_162 = arith.index_cast %add3A_114 : i32 to index
        %get3A_163 = arith.constant 64 : index
        %get3A_164 = tpu.vector_load %arg10[%get3A_162, %get3A_163] {strides = array<i32>} : memref<64x128xf32, #tpu.memory_space<vmem>>, vector<1x16xf32>,
        %get3A_165 = vector.shape_cast %get3A_164 : vector<1x16xf32> to vector<16xf32>
        %get3A_166 = arith.index_cast %add3A_114 : i32 to index
        %get3A_167 = arith.constant 80 : index
        %get3A_168 = tpu.vector_load %arg10[%get3A_166, %get3A_167] {strides = array<i32>} : memref<64x128xf32, #tpu.memory_space<vmem>>, vector<1x16xf32>,
        %get3A_169 = vector.shape_cast %get3A_168 : vector<1x16xf32> to vector<16xf32>
        %get3A_170 = arith.index_cast %add3A_114 : i32 to index
        %get3A_171 = arith.constant 96 : index
        %get3A_172 = tpu.vector_load %arg10[%get3A_170, %get3A_171] {strides = array<i32>} : memref<64x128xf32, #tpu.memory_space<vmem>>, vector<1x16xf32>,
        %get3A_173 = vector.shape_cast %get3A_172 : vector<1x16xf32> to vector<16xf32>
        %get3A_174 = arith.index_cast %add3A_114 : i32 to index
        %get3A_175 = arith.constant 112 : index
        %get3A_176 = tpu.vector_load %arg10[%get3A_174, %get3A_175] {strides = array<i32>} : memref<64x128xf32, #tpu.memory_space<vmem>>, vector<1x16xf32>,
        %get3A_177 = vector.shape_cast %get3A_176 : vector<1x16xf32> to vector<16xf32>
        %scan3A_178 = arith.constant 0 : i32
        %scan3A_179 = arith.constant 32 : i32
        %scan3A_180 = arith.addi %scan3A_178, %scan3A_179 : i32
        %scan3A_181 = arith.constant 2 : i32
        scf.for %scan3A_183 = %scan3A_178 to %scan3A_180 step %scan3A_181  : i32 {
          %mul3A_184 = arith.constant 16 : i32
          %mul3A_185 = arith.muli %scan3A_183, %mul3A_184 : i32
          %mul3A_186 = arith.constant 8 : i32
          %mul3A_187 = arith.muli %scan3A_111, %mul3A_186 : i32
          %get3A_188 = arith.index_cast %mul3A_187 : i32 to index
          %get3A_189 = arith.index_cast %mul3A_185 : i32 to index
          %get3A_190 = tpu.vector_load %arg12[%get3A_188, %get3A_189] {strides = array<i32>} : memref<64x512xf32, #tpu.memory_space<vmem>>, vector<1x16xf32>,
          %get3A_191 = vector.shape_cast %get3A_190 : vector<1x16xf32> to vector<16xf32>
          %mul3A_192 = arith.mulf %get3A_191, %get3A_117 : vector<16xf32>
          %mul3A_193 = arith.mulf %get3A_191, %get3A_149 : vector<16xf32>
          %mul3A_194 = arith.constant 8 : i32
          %mul3A_195 = arith.muli %scan3A_111, %mul3A_194 : i32
          %add3A_196 = arith.constant 1 : i32
          %add3A_197 = arith.addi %mul3A_195, %add3A_196 : i32
          %get3A_198 = arith.index_cast %add3A_197 : i32 to index
          %get3A_199 = arith.index_cast %mul3A_185 : i32 to index
          %get3A_200 = tpu.vector_load %arg12[%get3A_198, %get3A_199] {strides = array<i32>} : memref<64x512xf32, #tpu.memory_space<vmem>>, vector<1x16xf32>,
          %get3A_201 = vector.shape_cast %get3A_200 : vector<1x16xf32> to vector<16xf32>
          %mul3A_202 = arith.mulf %get3A_201, %get3A_121 : vector<16xf32>
          %add3A_203 = arith.addf %mul3A_192, %mul3A_202 : vector<16xf32>
          %mul3A_204 = arith.mulf %get3A_201, %get3A_153 : vector<16xf32>
          %add3A_205 = arith.addf %mul3A_193, %mul3A_204 : vector<16xf32>
          %mul3A_206 = arith.constant 8 : i32
          %mul3A_207 = arith.muli %scan3A_111, %mul3A_206 : i32
          %add3A_208 = arith.constant 2 : i32
          %add3A_209 = arith.addi %mul3A_207, %add3A_208 : i32
          %get3A_210 = arith.index_cast %add3A_209 : i32 to index
          %get3A_211 = arith.index_cast %mul3A_185 : i32 to index
          %get3A_212 = tpu.vector_load %arg12[%get3A_210, %get3A_211] {strides = array<i32>} : memref<64x512xf32, #tpu.memory_space<vmem>>, vector<1x16xf32>,
          %get3A_213 = vector.shape_cast %get3A_212 : vector<1x16xf32> to vector<16xf32>
          %mul3A_214 = arith.mulf %get3A_213, %get3A_125 : vector<16xf32>
          %add3A_215 = arith.addf %add3A_203, %mul3A_214 : vector<16xf32>
          %mul3A_216 = arith.mulf %get3A_213, %get3A_157 : vector<16xf32>
          %add3A_217 = arith.addf %add3A_205, %mul3A_216 : vector<16xf32>
          %mul3A_218 = arith.constant 8 : i32
          %mul3A_219 = arith.muli %scan3A_111, %mul3A_218 : i32
          %add3A_220 = arith.constant 3 : i32
          %add3A_221 = arith.addi %mul3A_219, %add3A_220 : i32
          %get3A_222 = arith.index_cast %add3A_221 : i32 to index
          %get3A_223 = arith.index_cast %mul3A_185 : i32 to index
          %get3A_224 = tpu.vector_load %arg12[%get3A_222, %get3A_223] {strides = array<i32>} : memref<64x512xf32, #tpu.memory_space<vmem>>, vector<1x16xf32>,
          %get3A_225 = vector.shape_cast %get3A_224 : vector<1x16xf32> to vector<16xf32>
          %mul3A_226 = arith.mulf %get3A_225, %get3A_129 : vector<16xf32>
          %add3A_227 = arith.addf %add3A_215, %mul3A_226 : vector<16xf32>
          %mul3A_228 = arith.mulf %get3A_225, %get3A_161 : vector<16xf32>
          %add3A_229 = arith.addf %add3A_217, %mul3A_228 : vector<16xf32>
          %mul3A_230 = arith.constant 8 : i32
          %mul3A_231 = arith.muli %scan3A_111, %mul3A_230 : i32
          %add3A_232 = arith.constant 4 : i32
          %add3A_233 = arith.addi %mul3A_231, %add3A_232 : i32
          %get3A_234 = arith.index_cast %add3A_233 : i32 to index
          %get3A_235 = arith.index_cast %mul3A_185 : i32 to index
          %get3A_236 = tpu.vector_load %arg12[%get3A_234, %get3A_235] {strides = array<i32>} : memref<64x512xf32, #tpu.memory_space<vmem>>, vector<1x16xf32>,
          %get3A_237 = vector.shape_cast %get3A_236 : vector<1x16xf32> to vector<16xf32>
          %mul3A_238 = arith.mulf %get3A_237, %get3A_133 : vector<16xf32>
          %add3A_239 = arith.addf %add3A_227, %mul3A_238 : vector<16xf32>
          %mul3A_240 = arith.mulf %get3A_237, %get3A_165 : vector<16xf32>
          %add3A_241 = arith.addf %add3A_229, %mul3A_240 : vector<16xf32>
          %mul3A_242 = arith.constant 8 : i32
          %mul3A_243 = arith.muli %scan3A_111, %mul3A_242 : i32
          %add3A_244 = arith.constant 5 : i32
          %add3A_245 = arith.addi %mul3A_243, %add3A_244 : i32
          %get3A_246 = arith.index_cast %add3A_245 : i32 to index
          %get3A_247 = arith.index_cast %mul3A_185 : i32 to index
          %get3A_248 = tpu.vector_load %arg12[%get3A_246, %get3A_247] {strides = array<i32>} : memref<64x512xf32, #tpu.memory_space<vmem>>, vector<1x16xf32>,
          %get3A_249 = vector.shape_cast %get3A_248 : vector<1x16xf32> to vector<16xf32>
          %mul3A_250 = arith.mulf %get3A_249, %get3A_137 : vector<16xf32>
          %add3A_251 = arith.addf %add3A_239, %mul3A_250 : vector<16xf32>
          %mul3A_252 = arith.mulf %get3A_249, %get3A_169 : vector<16xf32>
          %add3A_253 = arith.addf %add3A_241, %mul3A_252 : vector<16xf32>
          %mul3A_254 = arith.constant 8 : i32
          %mul3A_255 = arith.muli %scan3A_111, %mul3A_254 : i32
          %add3A_256 = arith.constant 6 : i32
          %add3A_257 = arith.addi %mul3A_255, %add3A_256 : i32
          %get3A_258 = arith.index_cast %add3A_257 : i32 to index
          %get3A_259 = arith.index_cast %mul3A_185 : i32 to index
          %get3A_260 = tpu.vector_load %arg12[%get3A_258, %get3A_259] {strides = array<i32>} : memref<64x512xf32, #tpu.memory_space<vmem>>, vector<1x16xf32>,
          %get3A_261 = vector.shape_cast %get3A_260 : vector<1x16xf32> to vector<16xf32>
          %mul3A_262 = arith.mulf %get3A_261, %get3A_141 : vector<16xf32>
          %add3A_263 = arith.addf %add3A_251, %mul3A_262 : vector<16xf32>
          %mul3A_264 = arith.mulf %get3A_261, %get3A_173 : vector<16xf32>
          %add3A_265 = arith.addf %add3A_253, %mul3A_264 : vector<16xf32>
          %mul3A_266 = arith.constant 8 : i32
          %mul3A_267 = arith.muli %scan3A_111, %mul3A_266 : i32
          %add3A_268 = arith.constant 7 : i32
          %add3A_269 = arith.addi %mul3A_267, %add3A_268 : i32
          %get3A_270 = arith.index_cast %add3A_269 : i32 to index
          %get3A_271 = arith.index_cast %mul3A_185 : i32 to index
          %get3A_272 = tpu.vector_load %arg12[%get3A_270, %get3A_271] {strides = array<i32>} : memref<64x512xf32, #tpu.memory_space<vmem>>, vector<1x16xf32>,
          %get3A_273 = vector.shape_cast %get3A_272 : vector<1x16xf32> to vector<16xf32>
          %mul3A_274 = arith.mulf %get3A_273, %get3A_145 : vector<16xf32>
          %add3A_275 = arith.addf %add3A_263, %mul3A_274 : vector<16xf32>
          %mul3A_276 = arith.mulf %get3A_273, %get3A_177 : vector<16xf32>
          %add3A_277 = arith.addf %add3A_265, %mul3A_276 : vector<16xf32>
          %swap3A = arith.index_cast %scan3A_111 : i32 to index
          %swap3A_278 = arith.index_cast %mul3A_185 : i32 to index
          %swap3A_279 = tpu.vector_load %arg15[%swap3A, %swap3A_278] {strides = array<i32>} : memref<8x512xf32, #tpu.memory_space<vmem>>, vector<1x16xf32>,
          %swap3A_280 = vector.shape_cast %swap3A_279 : vector<1x16xf32> to vector<16xf32>
          %swap3A_281 = vector.shape_cast %add3A_275 : vector<16xf32> to vector<1x16xf32>
          tpu.vector_store %arg15[%swap3A, %swap3A_278], %swap3A_281 {strides = array<i32>} : memref<8x512xf32, #tpu.memory_space<vmem>>, vector<1x16xf32>,
          %swap3A_282 = arith.index_cast %scan3A_111 : i32 to index
          %swap3A_283 = arith.index_cast %mul3A_185 : i32 to index
          %swap3A_284 = tpu.vector_load %arg16[%swap3A_282, %swap3A_283] {strides = array<i32>} : memref<8x512xf32, #tpu.memory_space<vmem>>, vector<1x16xf32>,
          %swap3A_285 = vector.shape_cast %swap3A_284 : vector<1x16xf32> to vector<16xf32>
          %swap3A_286 = vector.shape_cast %add3A_277 : vector<16xf32> to vector<1x16xf32>
          tpu.vector_store %arg16[%swap3A_282, %swap3A_283], %swap3A_286 {strides = array<i32>} : memref<8x512xf32, #tpu.memory_space<vmem>>, vector<1x16xf32>,
          %scan3A_287 = arith.constant 1 : i32
          %scan3A_288 = arith.addi %scan3A_183, %scan3A_287 : i32
          %mul3A_289 = arith.constant 16 : i32
          %mul3A_290 = arith.muli %scan3A_288, %mul3A_289 : i32
          %mul3A_291 = arith.constant 8 : i32
          %mul3A_292 = arith.muli %scan3A_111, %mul3A_291 : i32
          %get3A_293 = arith.index_cast %mul3A_292 : i32 to index
          %get3A_294 = arith.index_cast %mul3A_290 : i32 to index
          %get3A_295 = tpu.vector_load %arg12[%get3A_293, %get3A_294] {strides = array<i32>} : memref<64x512xf32, #tpu.memory_space<vmem>>, vector<1x16xf32>,
          %get3A_296 = vector.shape_cast %get3A_295 : vector<1x16xf32> to vector<16xf32>
          %mul3A_297 = arith.mulf %get3A_296, %get3A_117 : vector<16xf32>
          %mul3A_298 = arith.mulf %get3A_296, %get3A_149 : vector<16xf32>
          %mul3A_299 = arith.constant 8 : i32
          %mul3A_300 = arith.muli %scan3A_111, %mul3A_299 : i32
          %add3A_301 = arith.constant 1 : i32
          %add3A_302 = arith.addi %mul3A_300, %add3A_301 : i32
          %get3A_303 = arith.index_cast %add3A_302 : i32 to index
          %get3A_304 = arith.index_cast %mul3A_290 : i32 to index
          %get3A_305 = tpu.vector_load %arg12[%get3A_303, %get3A_304] {strides = array<i32>} : memref<64x512xf32, #tpu.memory_space<vmem>>, vector<1x16xf32>,
          %get3A_306 = vector.shape_cast %get3A_305 : vector<1x16xf32> to vector<16xf32>
          %mul3A_307 = arith.mulf %get3A_306, %get3A_121 : vector<16xf32>
          %add3A_308 = arith.addf %mul3A_297, %mul3A_307 : vector<16xf32>
          %mul3A_309 = arith.mulf %get3A_306, %get3A_153 : vector<16xf32>
          %add3A_310 = arith.addf %mul3A_298, %mul3A_309 : vector<16xf32>
          %mul3A_311 = arith.constant 8 : i32
          %mul3A_312 = arith.muli %scan3A_111, %mul3A_311 : i32
          %add3A_313 = arith.constant 2 : i32
          %add3A_314 = arith.addi %mul3A_312, %add3A_313 : i32
          %get3A_315 = arith.index_cast %add3A_314 : i32 to index
          %get3A_316 = arith.index_cast %mul3A_290 : i32 to index
          %get3A_317 = tpu.vector_load %arg12[%get3A_315, %get3A_316] {strides = array<i32>} : memref<64x512xf32, #tpu.memory_space<vmem>>, vector<1x16xf32>,
          %get3A_318 = vector.shape_cast %get3A_317 : vector<1x16xf32> to vector<16xf32>
          %mul3A_319 = arith.mulf %get3A_318, %get3A_125 : vector<16xf32>
          %add3A_320 = arith.addf %add3A_308, %mul3A_319 : vector<16xf32>
          %mul3A_321 = arith.mulf %get3A_318, %get3A_157 : vector<16xf32>
          %add3A_322 = arith.addf %add3A_310, %mul3A_321 : vector<16xf32>
          %mul3A_323 = arith.constant 8 : i32
          %mul3A_324 = arith.muli %scan3A_111, %mul3A_323 : i32
          %add3A_325 = arith.constant 3 : i32
          %add3A_326 = arith.addi %mul3A_324, %add3A_325 : i32
          %get3A_327 = arith.index_cast %add3A_326 : i32 to index
          %get3A_328 = arith.index_cast %mul3A_290 : i32 to index
          %get3A_329 = tpu.vector_load %arg12[%get3A_327, %get3A_328] {strides = array<i32>} : memref<64x512xf32, #tpu.memory_space<vmem>>, vector<1x16xf32>,
          %get3A_330 = vector.shape_cast %get3A_329 : vector<1x16xf32> to vector<16xf32>
          %mul3A_331 = arith.mulf %get3A_330, %get3A_129 : vector<16xf32>
          %add3A_332 = arith.addf %add3A_320, %mul3A_331 : vector<16xf32>
          %mul3A_333 = arith.mulf %get3A_330, %get3A_161 : vector<16xf32>
          %add3A_334 = arith.addf %add3A_322, %mul3A_333 : vector<16xf32>
          %mul3A_335 = arith.constant 8 : i32
          %mul3A_336 = arith.muli %scan3A_111, %mul3A_335 : i32
          %add3A_337 = arith.constant 4 : i32
          %add3A_338 = arith.addi %mul3A_336, %add3A_337 : i32
          %get3A_339 = arith.index_cast %add3A_338 : i32 to index
          %get3A_340 = arith.index_cast %mul3A_290 : i32 to index
          %get3A_341 = tpu.vector_load %arg12[%get3A_339, %get3A_340] {strides = array<i32>} : memref<64x512xf32, #tpu.memory_space<vmem>>, vector<1x16xf32>,
          %get3A_342 = vector.shape_cast %get3A_341 : vector<1x16xf32> to vector<16xf32>
          %mul3A_343 = arith.mulf %get3A_342, %get3A_133 : vector<16xf32>
          %add3A_344 = arith.addf %add3A_332, %mul3A_343 : vector<16xf32>
          %mul3A_345 = arith.mulf %get3A_342, %get3A_165 : vector<16xf32>
          %add3A_346 = arith.addf %add3A_334, %mul3A_345 : vector<16xf32>
          %mul3A_347 = arith.constant 8 : i32
          %mul3A_348 = arith.muli %scan3A_111, %mul3A_347 : i32
          %add3A_349 = arith.constant 5 : i32
          %add3A_350 = arith.addi %mul3A_348, %add3A_349 : i32
          %get3A_351 = arith.index_cast %add3A_350 : i32 to index
          %get3A_352 = arith.index_cast %mul3A_290 : i32 to index
          %get3A_353 = tpu.vector_load %arg12[%get3A_351, %get3A_352] {strides = array<i32>} : memref<64x512xf32, #tpu.memory_space<vmem>>, vector<1x16xf32>,
          %get3A_354 = vector.shape_cast %get3A_353 : vector<1x16xf32> to vector<16xf32>
          %mul3A_355 = arith.mulf %get3A_354, %get3A_137 : vector<16xf32>
          %add3A_356 = arith.addf %add3A_344, %mul3A_355 : vector<16xf32>
          %mul3A_357 = arith.mulf %get3A_354, %get3A_169 : vector<16xf32>
          %add3A_358 = arith.addf %add3A_346, %mul3A_357 : vector<16xf32>
          %mul3A_359 = arith.constant 8 : i32
          %mul3A_360 = arith.muli %scan3A_111, %mul3A_359 : i32
          %add3A_361 = arith.constant 6 : i32
          %add3A_362 = arith.addi %mul3A_360, %add3A_361 : i32
          %get3A_363 = arith.index_cast %add3A_362 : i32 to index
          %get3A_364 = arith.index_cast %mul3A_290 : i32 to index
          %get3A_365 = tpu.vector_load %arg12[%get3A_363, %get3A_364] {strides = array<i32>} : memref<64x512xf32, #tpu.memory_space<vmem>>, vector<1x16xf32>,
          %get3A_366 = vector.shape_cast %get3A_365 : vector<1x16xf32> to vector<16xf32>
          %mul3A_367 = arith.mulf %get3A_366, %get3A_141 : vector<16xf32>
          %add3A_368 = arith.addf %add3A_356, %mul3A_367 : vector<16xf32>
          %mul3A_369 = arith.mulf %get3A_366, %get3A_173 : vector<16xf32>
          %add3A_370 = arith.addf %add3A_358, %mul3A_369 : vector<16xf32>
          %mul3A_371 = arith.constant 8 : i32
          %mul3A_372 = arith.muli %scan3A_111, %mul3A_371 : i32
          %add3A_373 = arith.constant 7 : i32
          %add3A_374 = arith.addi %mul3A_372, %add3A_373 : i32
          %get3A_375 = arith.index_cast %add3A_374 : i32 to index
          %get3A_376 = arith.index_cast %mul3A_290 : i32 to index
          %get3A_377 = tpu.vector_load %arg12[%get3A_375, %get3A_376] {strides = array<i32>} : memref<64x512xf32, #tpu.memory_space<vmem>>, vector<1x16xf32>,
          %get3A_378 = vector.shape_cast %get3A_377 : vector<1x16xf32> to vector<16xf32>
          %mul3A_379 = arith.mulf %get3A_378, %get3A_145 : vector<16xf32>
          %add3A_380 = arith.addf %add3A_368, %mul3A_379 : vector<16xf32>
          %mul3A_381 = arith.mulf %get3A_378, %get3A_177 : vector<16xf32>
          %add3A_382 = arith.addf %add3A_370, %mul3A_381 : vector<16xf32>
          %swap3A_383 = arith.index_cast %scan3A_111 : i32 to index
          %swap3A_384 = arith.index_cast %mul3A_290 : i32 to index
          %swap3A_385 = tpu.vector_load %arg15[%swap3A_383, %swap3A_384] {strides = array<i32>} : memref<8x512xf32, #tpu.memory_space<vmem>>, vector<1x16xf32>,
          %swap3A_386 = vector.shape_cast %swap3A_385 : vector<1x16xf32> to vector<16xf32>
          %swap3A_387 = vector.shape_cast %add3A_380 : vector<16xf32> to vector<1x16xf32>
          tpu.vector_store %arg15[%swap3A_383, %swap3A_384], %swap3A_387 {strides = array<i32>} : memref<8x512xf32, #tpu.memory_space<vmem>>, vector<1x16xf32>,
          %swap3A_388 = arith.index_cast %scan3A_111 : i32 to index
          %swap3A_389 = arith.index_cast %mul3A_290 : i32 to index
          %swap3A_390 = tpu.vector_load %arg16[%swap3A_388, %swap3A_389] {strides = array<i32>} : memref<8x512xf32, #tpu.memory_space<vmem>>, vector<1x16xf32>,
          %swap3A_391 = vector.shape_cast %swap3A_390 : vector<1x16xf32> to vector<16xf32>
          %swap3A_392 = vector.shape_cast %add3A_382 : vector<16xf32> to vector<1x16xf32>
          tpu.vector_store %arg16[%swap3A_388, %swap3A_389], %swap3A_392 {strides = array<i32>} : memref<8x512xf32, #tpu.memory_space<vmem>>, vector<1x16xf32>,
        }
        %scan3A_182 = arith.constant 32 : i32
      }
      %scan3A_99 = arith.constant 8 : i32
      %mul3A_100 = arith.constant 8 : i32
      %mul3A_101 = arith.muli %add3A_93, %mul3A_100 : i32
      %add3A_102 = arith.addi %mul3A_4, %mul3A_101 : i32
      %dma_start3A_103 = arith.constant 0 : i32
      %dma_start3A_104 = tpu.memref_slice %arg6[%add3A_102, %dma_start3A_103] : memref<2048x512xf32, #tpu.memory_space<hbm>> -> memref<8x512xf32, #tpu.memory_space<hbm>>
      %dma_start3A_105 = arith.constant 0 : i32
      %dma_start3A_106 = tpu.memref_slice %arg6[%add3A_102, %dma_start3A_105] : memref<2048x512xf32, #tpu.memory_space<hbm>> -> memref<8x512xf32, #tpu.memory_space<hbm>>
      tpu.enqueue_dma source(%arg15 : memref<8x512xf32, #tpu.memory_space<vmem>>) target(%dma_start3A_106 : memref<8x512xf32, #tpu.memory_space<hbm>>) target_semaphore(%arg20 : memref<!tpu.dma_semaphore, #tpu.memory_space<semaphore_mem>>)
      %dma_start3A_107 = arith.constant 0 : i32
      %dma_start3A_108 = tpu.memref_slice %arg7[%add3A_102, %dma_start3A_107] : memref<2048x512xf32, #tpu.memory_space<hbm>> -> memref<8x512xf32, #tpu.memory_space<hbm>>
      %dma_start3A_109 = arith.constant 0 : i32
      %dma_start3A_110 = tpu.memref_slice %arg7[%add3A_102, %dma_start3A_109] : memref<2048x512xf32, #tpu.memory_space<hbm>> -> memref<8x512xf32, #tpu.memory_space<hbm>>
      tpu.enqueue_dma source(%arg16 : memref<8x512xf32, #tpu.memory_space<vmem>>) target(%dma_start3A_110 : memref<8x512xf32, #tpu.memory_space<hbm>>) target_semaphore(%arg20 : memref<!tpu.dma_semaphore, #tpu.memory_space<semaphore_mem>>)
    }
    %scan3A_13 = arith.constant 4 : i32
    %dma_wait3A = arith.constant 0 : i32
    %dma_wait3A_14 = arith.constant 0 : i32
    %dma_wait3A_15 = tpu.memref_slice %arg6[%dma_wait3A, %dma_wait3A_14] : memref<2048x512xf32, #tpu.memory_space<hbm>> -> memref<8x512xf32, #tpu.memory_space<hbm>>
    %dma_wait3A_16 = arith.constant 0 : i32
    %dma_wait3A_17 = arith.constant 0 : i32
    %dma_wait3A_18 = tpu.memref_slice %arg6[%dma_wait3A_16, %dma_wait3A_17] : memref<2048x512xf32, #tpu.memory_space<hbm>> -> memref<8x512xf32, #tpu.memory_space<hbm>>
    tpu.wait_dma2 semaphore(%arg19 : memref<!tpu.dma_semaphore, #tpu.memory_space<semaphore_mem>>) src(%arg13 : memref<8x512xf32, #tpu.memory_space<vmem>>) dst(%dma_wait3A_18 : memref<8x512xf32, #tpu.memory_space<hbm>>)
    %dma_wait3A_19 = arith.constant 0 : i32
    %dma_wait3A_20 = arith.constant 0 : i32
    %dma_wait3A_21 = tpu.memref_slice %arg7[%dma_wait3A_19, %dma_wait3A_20] : memref<2048x512xf32, #tpu.memory_space<hbm>> -> memref<8x512xf32, #tpu.memory_space<hbm>>
    %dma_wait3A_22 = arith.constant 0 : i32
    %dma_wait3A_23 = arith.constant 0 : i32
    %dma_wait3A_24 = tpu.memref_slice %arg7[%dma_wait3A_22, %dma_wait3A_23] : memref<2048x512xf32, #tpu.memory_space<hbm>> -> memref<8x512xf32, #tpu.memory_space<hbm>>
    tpu.wait_dma2 semaphore(%arg19 : memref<!tpu.dma_semaphore, #tpu.memory_space<semaphore_mem>>) src(%arg14 : memref<8x512xf32, #tpu.memory_space<vmem>>) dst(%dma_wait3A_24 : memref<8x512xf32, #tpu.memory_space<hbm>>)
    %dma_wait3A_25 = arith.constant 0 : i32
    %dma_wait3A_26 = arith.constant 0 : i32
    %dma_wait3A_27 = tpu.memref_slice %arg6[%dma_wait3A_25, %dma_wait3A_26] : memref<2048x512xf32, #tpu.memory_space<hbm>> -> memref<8x512xf32, #tpu.memory_space<hbm>>
    %dma_wait3A_28 = arith.constant 0 : i32
    %dma_wait3A_29 = arith.constant 0 : i32
    %dma_wait3A_30 = tpu.memref_slice %arg6[%dma_wait3A_28, %dma_wait3A_29] : memref<2048x512xf32, #tpu.memory_space<hbm>> -> memref<8x512xf32, #tpu.memory_space<hbm>>
    tpu.wait_dma2 semaphore(%arg20 : memref<!tpu.dma_semaphore, #tpu.memory_space<semaphore_mem>>) src(%arg15 : memref<8x512xf32, #tpu.memory_space<vmem>>) dst(%dma_wait3A_30 : memref<8x512xf32, #tpu.memory_space<hbm>>)
    %dma_wait3A_31 = arith.constant 0 : i32
    %dma_wait3A_32 = arith.constant 0 : i32
    %dma_wait3A_33 = tpu.memref_slice %arg7[%dma_wait3A_31, %dma_wait3A_32] : memref<2048x512xf32, #tpu.memory_space<hbm>> -> memref<8x512xf32, #tpu.memory_space<hbm>>
    %dma_wait3A_34 = arith.constant 0 : i32
    %dma_wait3A_35 = arith.constant 0 : i32
    %dma_wait3A_36 = tpu.memref_slice %arg7[%dma_wait3A_34, %dma_wait3A_35] : memref<2048x512xf32, #tpu.memory_space<hbm>> -> memref<8x512xf32, #tpu.memory_space<hbm>>
    tpu.wait_dma2 semaphore(%arg20 : memref<!tpu.dma_semaphore, #tpu.memory_space<semaphore_mem>>) src(%arg16 : memref<8x512xf32, #tpu.memory_space<vmem>>) dst(%dma_wait3A_36 : memref<8x512xf32, #tpu.memory_space<hbm>>)
    return
  }
}

module attributes {stable_mosaic.version = 14 : i64} {
  func.func @_stage1_body(%arg0: i32, %arg1: memref<512x512xf32, #tpu.memory_space<vmem>>, %arg2: memref<512x8x512xf32, #tpu.memory_space<vmem>>, %arg3: memref<512x8xi32, #tpu.memory_space<vmem>>, %arg4: memref<512x512xf32, #tpu.memory_space<vmem>>, %arg5: memref<512x512xf32, #tpu.memory_space<vmem>>, %arg6: memref<512x512xf32, #tpu.memory_space<vmem>>, %arg7: memref<1x512xf32, #tpu.memory_space<vmem>>, %arg8: memref<512x512xf32, #tpu.memory_space<vmem>>, %arg9: memref<1x512xf32, #tpu.memory_space<vmem>>, %arg10: memref<512x512xf32, #tpu.memory_space<vmem>>, %arg11: memref<512x512xf32, #tpu.memory_space<vmem>>, %arg12: memref<512x8xi32, #tpu.memory_space<vmem>>, %arg13: memref<512x128xf32, #tpu.memory_space<vmem>>, %arg14: memref<512x128xf32, #tpu.memory_space<vmem>>) attributes {dimension_semantics = [#tpu.dimension_semantics<arbitrary>], iteration_bounds = array<i64: 4>, scalar_prefetch = 0 : i64, scratch_operands = 0 : i64, tpu.core_type = #tpu.core_type<tc>, window_params = [{transform_indices = @transform_0, window_bounds = array<i64: 512, 512>}, {transform_indices = @transform_1, window_bounds = array<i64: 512, 8, 512>}, {transform_indices = @transform_2, window_bounds = array<i64: 512, 8>}, {pipeline_mode = #tpu.pipeline_mode<synchronous>, transform_indices = @transform_3, window_bounds = array<i64: 512, 512>}, {pipeline_mode = #tpu.pipeline_mode<synchronous>, transform_indices = @transform_4, window_bounds = array<i64: 512, 512>}, {pipeline_mode = #tpu.pipeline_mode<synchronous>, transform_indices = @transform_5, window_bounds = array<i64: 512, 512>}, {pipeline_mode = #tpu.pipeline_mode<synchronous>, transform_indices = @transform_6, window_bounds = array<i64: 1, 512>}, {pipeline_mode = #tpu.pipeline_mode<synchronous>, transform_indices = @transform_7, window_bounds = array<i64: 512, 512>}, {pipeline_mode = #tpu.pipeline_mode<synchronous>, transform_indices = @transform_8, window_bounds = array<i64: 1, 512>}, {transform_indices = @transform_9, window_bounds = array<i64: 512, 512>}, {transform_indices = @transform_10, window_bounds = array<i64: 512, 512>}, {transform_indices = @transform_11, window_bounds = array<i64: 512, 8>}, {transform_indices = @transform_12, window_bounds = array<i64: 512, 128>}, {transform_indices = @transform_13, window_bounds = array<i64: 512, 128>}]} {
    %get3A = arith.constant 0 : index
    %get3A_0 = arith.constant 0 : index
    %get3A_1 = vector.load %arg3[%get3A, %get3A_0] : memref<512x8xi32, #tpu.memory_space<vmem>>, vector<512x8xi32>
    %convert_element_type3A = arith.sitofp %get3A_1 : vector<512x8xi32> to vector<512x8xf32>
    %min3A = arith.constant 1.000000e+00 : f32
    %min3A_2 = vector.broadcast %min3A : f32 to vector<512x8xf32>
    %min3A_3 = arith.minimumf %convert_element_type3A, %min3A_2 : vector<512x8xf32>
    %reduce_sum3A = arith.constant dense<0.000000e+00> : vector<512xf32>
    %reduce_sum3A_4 = vector.multi_reduction <add>, %min3A_3, %reduce_sum3A [1] : vector<512x8xf32> to vector<512xf32>
    %broadcast_in_dim3A = vector.shape_cast %reduce_sum3A_4 : vector<512xf32> to vector<512x1xf32>
    %iota3A = tpu.iota {dimensions = array<i32: 1>} : vector<512x8xi32>
    %convert_element_type3A_5 = arith.sitofp %iota3A : vector<512x8xi32> to vector<512x8xf32>
    %mul3A = arith.mulf %convert_element_type3A_5, %min3A_3 : vector<512x8xf32>
    %eq3A = arith.constant 1.000000e+00 : f32
    %eq3A_6 = vector.broadcast %eq3A : f32 to vector<512x1xf32>
    %eq3A_7 = arith.cmpf oeq, %broadcast_in_dim3A, %eq3A_6 : vector<512x1xf32>
    %sub3A = arith.constant 1.000000e+00 : f32
    %sub3A_8 = vector.broadcast %sub3A : f32 to vector<512x1xf32>
    %sub3A_9 = arith.subf %broadcast_in_dim3A, %sub3A_8 : vector<512x1xf32>
    %jit3A = arith.constant 1.000000e+00 : f32
    %broadcast_in_dim3A_10 = vector.broadcast %jit3A : f32 to vector<512x1xf32>
    %select_n3A = arith.select %eq3A_7, %broadcast_in_dim3A_10, %sub3A_9 : vector<512x1xi1>, vector<512x1xf32>
    %eq3A_11 = arith.constant 0.000000e+00 : f32
    %eq3A_12 = vector.broadcast %eq3A_11 : f32 to vector<512x8xf32>
    %eq3A_13 = arith.cmpf oeq, %convert_element_type3A_5, %eq3A_12 : vector<512x8xf32>
    %jit3A_14 = arith.constant 5.000000e-01 : f32
    %jit3A_15 = arith.constant 0.000000e+00 : f32
    %broadcast_in_dim3A_16 = vector.broadcast %jit3A_14 : f32 to vector<512x8xf32>
    %broadcast_in_dim3A_17 = vector.broadcast %jit3A_15 : f32 to vector<512x8xf32>
    %select_n3A_18 = arith.select %eq3A_13, %broadcast_in_dim3A_16, %broadcast_in_dim3A_17 : vector<512x8xi1>, vector<512x8xf32>
    %eq3A_19 = arith.constant 1.000000e+00 : f32
    %eq3A_20 = vector.broadcast %eq3A_19 : f32 to vector<512x1xf32>
    %eq3A_21 = arith.cmpf oeq, %broadcast_in_dim3A, %eq3A_20 : vector<512x1xf32>
    %div3A = vector.broadcast %select_n3A : vector<512x1xf32> to vector<512x8xf32>
    %div3A_22 = arith.divf %mul3A, %div3A : vector<512x8xf32>
    %broadcast_in_dim3A_23 = vector.shape_cast %eq3A_21 : vector<512x1xi1> to vector<512x1xi1>
    %broadcast_in_dim3A_24 = vector.broadcast %broadcast_in_dim3A_23 : vector<512x1xi1> to vector<512x8xi1>
    %select_n3A_25 = arith.select %broadcast_in_dim3A_24, %select_n3A_18, %div3A_22 : vector<512x8xi1>, vector<512x8xf32>
    %sub3A_26 = arith.constant 1.000000e+00 : f32
    %sub3A_27 = vector.broadcast %sub3A_26 : f32 to vector<512x8xf32>
    %sub3A_28 = arith.subf %sub3A_27, %select_n3A_25 : vector<512x8xf32>
    %mul3A_29 = arith.mulf %sub3A_28, %min3A_3 : vector<512x8xf32>
    %slice3A = vector.extract_strided_slice %select_n3A_25 {offsets = [0, 0], sizes = [512, 1], strides = [1, 1]} : vector<512x8xf32> to vector<512x1xf32>
    %get3A_30 = arith.constant 0 : index
    %get3A_31 = arith.constant 0 : index
    %get3A_32 = arith.constant 0 : index
    %get3A_33 = vector.load %arg2[%get3A_30, %get3A_31, %get3A_32] : memref<512x8x512xf32, #tpu.memory_space<vmem>>, vector<512x1x512xf32>
    %get3A_34 = vector.shape_cast %get3A_33 : vector<512x1x512xf32> to vector<512x512xf32>
    %mul3A_35 = vector.broadcast %slice3A : vector<512x1xf32> to vector<512x512xf32>
    %mul3A_36 = arith.mulf %mul3A_35, %get3A_34 : vector<512x512xf32>
    %slice3A_37 = vector.extract_strided_slice %mul3A_29 {offsets = [0, 0], sizes = [512, 1], strides = [1, 1]} : vector<512x8xf32> to vector<512x1xf32>
    %get3A_38 = arith.constant 0 : index
    %get3A_39 = arith.constant 0 : index
    %get3A_40 = arith.constant 0 : index
    %get3A_41 = vector.load %arg2[%get3A_38, %get3A_39, %get3A_40] : memref<512x8x512xf32, #tpu.memory_space<vmem>>, vector<512x1x512xf32>
    %get3A_42 = vector.shape_cast %get3A_41 : vector<512x1x512xf32> to vector<512x512xf32>
    %mul3A_43 = vector.broadcast %slice3A_37 : vector<512x1xf32> to vector<512x512xf32>
    %mul3A_44 = arith.mulf %mul3A_43, %get3A_42 : vector<512x512xf32>
    %get3A_45 = arith.constant 0 : index
    %get3A_46 = arith.constant 1 : index
    %get3A_47 = arith.constant 0 : index
    %get3A_48 = vector.load %arg2[%get3A_45, %get3A_46, %get3A_47] : memref<512x8x512xf32, #tpu.memory_space<vmem>>, vector<512x1x512xf32>
    %get3A_49 = vector.shape_cast %get3A_48 : vector<512x1x512xf32> to vector<512x512xf32>
    %slice3A_50 = vector.extract_strided_slice %select_n3A_25 {offsets = [0, 1], sizes = [512, 1], strides = [1, 1]} : vector<512x8xf32> to vector<512x1xf32>
    %mul3A_51 = vector.broadcast %slice3A_50 : vector<512x1xf32> to vector<512x512xf32>
    %mul3A_52 = arith.mulf %mul3A_51, %get3A_49 : vector<512x512xf32>
    %add3A = arith.addf %mul3A_36, %mul3A_52 : vector<512x512xf32>
    %slice3A_53 = vector.extract_strided_slice %mul3A_29 {offsets = [0, 1], sizes = [512, 1], strides = [1, 1]} : vector<512x8xf32> to vector<512x1xf32>
    %mul3A_54 = vector.broadcast %slice3A_53 : vector<512x1xf32> to vector<512x512xf32>
    %mul3A_55 = arith.mulf %mul3A_54, %get3A_49 : vector<512x512xf32>
    %add3A_56 = arith.addf %mul3A_44, %mul3A_55 : vector<512x512xf32>
    %get3A_57 = arith.constant 0 : index
    %get3A_58 = arith.constant 2 : index
    %get3A_59 = arith.constant 0 : index
    %get3A_60 = vector.load %arg2[%get3A_57, %get3A_58, %get3A_59] : memref<512x8x512xf32, #tpu.memory_space<vmem>>, vector<512x1x512xf32>
    %get3A_61 = vector.shape_cast %get3A_60 : vector<512x1x512xf32> to vector<512x512xf32>
    %slice3A_62 = vector.extract_strided_slice %select_n3A_25 {offsets = [0, 2], sizes = [512, 1], strides = [1, 1]} : vector<512x8xf32> to vector<512x1xf32>
    %mul3A_63 = vector.broadcast %slice3A_62 : vector<512x1xf32> to vector<512x512xf32>
    %mul3A_64 = arith.mulf %mul3A_63, %get3A_61 : vector<512x512xf32>
    %add3A_65 = arith.addf %add3A, %mul3A_64 : vector<512x512xf32>
    %slice3A_66 = vector.extract_strided_slice %mul3A_29 {offsets = [0, 2], sizes = [512, 1], strides = [1, 1]} : vector<512x8xf32> to vector<512x1xf32>
    %mul3A_67 = vector.broadcast %slice3A_66 : vector<512x1xf32> to vector<512x512xf32>
    %mul3A_68 = arith.mulf %mul3A_67, %get3A_61 : vector<512x512xf32>
    %add3A_69 = arith.addf %add3A_56, %mul3A_68 : vector<512x512xf32>
    %get3A_70 = arith.constant 0 : index
    %get3A_71 = arith.constant 3 : index
    %get3A_72 = arith.constant 0 : index
    %get3A_73 = vector.load %arg2[%get3A_70, %get3A_71, %get3A_72] : memref<512x8x512xf32, #tpu.memory_space<vmem>>, vector<512x1x512xf32>
    %get3A_74 = vector.shape_cast %get3A_73 : vector<512x1x512xf32> to vector<512x512xf32>
    %slice3A_75 = vector.extract_strided_slice %select_n3A_25 {offsets = [0, 3], sizes = [512, 1], strides = [1, 1]} : vector<512x8xf32> to vector<512x1xf32>
    %mul3A_76 = vector.broadcast %slice3A_75 : vector<512x1xf32> to vector<512x512xf32>
    %mul3A_77 = arith.mulf %mul3A_76, %get3A_74 : vector<512x512xf32>
    %add3A_78 = arith.addf %add3A_65, %mul3A_77 : vector<512x512xf32>
    %slice3A_79 = vector.extract_strided_slice %mul3A_29 {offsets = [0, 3], sizes = [512, 1], strides = [1, 1]} : vector<512x8xf32> to vector<512x1xf32>
    %mul3A_80 = vector.broadcast %slice3A_79 : vector<512x1xf32> to vector<512x512xf32>
    %mul3A_81 = arith.mulf %mul3A_80, %get3A_74 : vector<512x512xf32>
    %add3A_82 = arith.addf %add3A_69, %mul3A_81 : vector<512x512xf32>
    %get3A_83 = arith.constant 0 : index
    %get3A_84 = arith.constant 4 : index
    %get3A_85 = arith.constant 0 : index
    %get3A_86 = vector.load %arg2[%get3A_83, %get3A_84, %get3A_85] : memref<512x8x512xf32, #tpu.memory_space<vmem>>, vector<512x1x512xf32>
    %get3A_87 = vector.shape_cast %get3A_86 : vector<512x1x512xf32> to vector<512x512xf32>
    %slice3A_88 = vector.extract_strided_slice %select_n3A_25 {offsets = [0, 4], sizes = [512, 1], strides = [1, 1]} : vector<512x8xf32> to vector<512x1xf32>
    %mul3A_89 = vector.broadcast %slice3A_88 : vector<512x1xf32> to vector<512x512xf32>
    %mul3A_90 = arith.mulf %mul3A_89, %get3A_87 : vector<512x512xf32>
    %add3A_91 = arith.addf %add3A_78, %mul3A_90 : vector<512x512xf32>
    %slice3A_92 = vector.extract_strided_slice %mul3A_29 {offsets = [0, 4], sizes = [512, 1], strides = [1, 1]} : vector<512x8xf32> to vector<512x1xf32>
    %mul3A_93 = vector.broadcast %slice3A_92 : vector<512x1xf32> to vector<512x512xf32>
    %mul3A_94 = arith.mulf %mul3A_93, %get3A_87 : vector<512x512xf32>
    %add3A_95 = arith.addf %add3A_82, %mul3A_94 : vector<512x512xf32>
    %get3A_96 = arith.constant 0 : index
    %get3A_97 = arith.constant 5 : index
    %get3A_98 = arith.constant 0 : index
    %get3A_99 = vector.load %arg2[%get3A_96, %get3A_97, %get3A_98] : memref<512x8x512xf32, #tpu.memory_space<vmem>>, vector<512x1x512xf32>
    %get3A_100 = vector.shape_cast %get3A_99 : vector<512x1x512xf32> to vector<512x512xf32>
    %slice3A_101 = vector.extract_strided_slice %select_n3A_25 {offsets = [0, 5], sizes = [512, 1], strides = [1, 1]} : vector<512x8xf32> to vector<512x1xf32>
    %mul3A_102 = vector.broadcast %slice3A_101 : vector<512x1xf32> to vector<512x512xf32>
    %mul3A_103 = arith.mulf %mul3A_102, %get3A_100 : vector<512x512xf32>
    %add3A_104 = arith.addf %add3A_91, %mul3A_103 : vector<512x512xf32>
    %slice3A_105 = vector.extract_strided_slice %mul3A_29 {offsets = [0, 5], sizes = [512, 1], strides = [1, 1]} : vector<512x8xf32> to vector<512x1xf32>
    %mul3A_106 = vector.broadcast %slice3A_105 : vector<512x1xf32> to vector<512x512xf32>
    %mul3A_107 = arith.mulf %mul3A_106, %get3A_100 : vector<512x512xf32>
    %add3A_108 = arith.addf %add3A_95, %mul3A_107 : vector<512x512xf32>
    %get3A_109 = arith.constant 0 : index
    %get3A_110 = arith.constant 6 : index
    %get3A_111 = arith.constant 0 : index
    %get3A_112 = vector.load %arg2[%get3A_109, %get3A_110, %get3A_111] : memref<512x8x512xf32, #tpu.memory_space<vmem>>, vector<512x1x512xf32>
    %get3A_113 = vector.shape_cast %get3A_112 : vector<512x1x512xf32> to vector<512x512xf32>
    %slice3A_114 = vector.extract_strided_slice %select_n3A_25 {offsets = [0, 6], sizes = [512, 1], strides = [1, 1]} : vector<512x8xf32> to vector<512x1xf32>
    %mul3A_115 = vector.broadcast %slice3A_114 : vector<512x1xf32> to vector<512x512xf32>
    %mul3A_116 = arith.mulf %mul3A_115, %get3A_113 : vector<512x512xf32>
    %add3A_117 = arith.addf %add3A_104, %mul3A_116 : vector<512x512xf32>
    %slice3A_118 = vector.extract_strided_slice %mul3A_29 {offsets = [0, 6], sizes = [512, 1], strides = [1, 1]} : vector<512x8xf32> to vector<512x1xf32>
    %mul3A_119 = vector.broadcast %slice3A_118 : vector<512x1xf32> to vector<512x512xf32>
    %mul3A_120 = arith.mulf %mul3A_119, %get3A_113 : vector<512x512xf32>
    %add3A_121 = arith.addf %add3A_108, %mul3A_120 : vector<512x512xf32>
    %get3A_122 = arith.constant 0 : index
    %get3A_123 = arith.constant 7 : index
    %get3A_124 = arith.constant 0 : index
    %get3A_125 = vector.load %arg2[%get3A_122, %get3A_123, %get3A_124] : memref<512x8x512xf32, #tpu.memory_space<vmem>>, vector<512x1x512xf32>
    %get3A_126 = vector.shape_cast %get3A_125 : vector<512x1x512xf32> to vector<512x512xf32>
    %slice3A_127 = vector.extract_strided_slice %select_n3A_25 {offsets = [0, 7], sizes = [512, 1], strides = [1, 1]} : vector<512x8xf32> to vector<512x1xf32>
    %mul3A_128 = vector.broadcast %slice3A_127 : vector<512x1xf32> to vector<512x512xf32>
    %mul3A_129 = arith.mulf %mul3A_128, %get3A_126 : vector<512x512xf32>
    %add3A_130 = arith.addf %add3A_117, %mul3A_129 : vector<512x512xf32>
    %slice3A_131 = vector.extract_strided_slice %mul3A_29 {offsets = [0, 7], sizes = [512, 1], strides = [1, 1]} : vector<512x8xf32> to vector<512x1xf32>
    %mul3A_132 = vector.broadcast %slice3A_131 : vector<512x1xf32> to vector<512x512xf32>
    %mul3A_133 = arith.mulf %mul3A_132, %get3A_126 : vector<512x512xf32>
    %add3A_134 = arith.addf %add3A_121, %mul3A_133 : vector<512x512xf32>
    %get3A_135 = arith.constant 0 : index
    %get3A_136 = arith.constant 0 : index
    %get3A_137 = vector.load %arg1[%get3A_135, %get3A_136] : memref<512x512xf32, #tpu.memory_space<vmem>>, vector<512x512xf32>
    %get3A_138 = arith.constant 0 : index
    %get3A_139 = arith.constant 0 : index
    %get3A_140 = vector.load %arg4[%get3A_138, %get3A_139] : memref<512x512xf32, #tpu.memory_space<vmem>>, vector<512x512xf32>
    %dot_general3A = arith.constant dense<0.000000e+00> : vector<512x512xf32>
    %dot_general3A_141 = tpu.matmul %get3A_137, %get3A_140, %dot_general3A {dimension_numbers = #tpu.dot_dimension_numbers<[1], [0], [0], [1], [0, 0, 1, 1], [], []>, transpose_lhs_hint = false} : vector<512x512xf32>, vector<512x512xf32>, vector<512x512xf32> -> vector<512x512xf32>
    %get3A_142 = arith.constant 0 : index
    %get3A_143 = arith.constant 0 : index
    %get3A_144 = vector.load %arg5[%get3A_142, %get3A_143] : memref<512x512xf32, #tpu.memory_space<vmem>>, vector<512x512xf32>
    %dot_general3A_145 = arith.constant dense<0.000000e+00> : vector<512x512xf32>
    %dot_general3A_146 = tpu.matmul %add3A_130, %get3A_144, %dot_general3A_145 {dimension_numbers = #tpu.dot_dimension_numbers<[1], [0], [0], [1], [0, 0, 1, 1], [], []>, transpose_lhs_hint = false} : vector<512x512xf32>, vector<512x512xf32>, vector<512x512xf32> -> vector<512x512xf32>
    %add3A_147 = arith.addf %dot_general3A_141, %dot_general3A_146 : vector<512x512xf32>
    %get3A_148 = arith.constant 0 : index
    %get3A_149 = arith.constant 0 : index
    %get3A_150 = vector.load %arg6[%get3A_148, %get3A_149] : memref<512x512xf32, #tpu.memory_space<vmem>>, vector<512x512xf32>
    %dot_general3A_151 = arith.constant dense<0.000000e+00> : vector<512x512xf32>
    %dot_general3A_152 = tpu.matmul %add3A_134, %get3A_150, %dot_general3A_151 {dimension_numbers = #tpu.dot_dimension_numbers<[1], [0], [0], [1], [0, 0, 1, 1], [], []>, transpose_lhs_hint = false} : vector<512x512xf32>, vector<512x512xf32>, vector<512x512xf32> -> vector<512x512xf32>
    %add3A_153 = arith.addf %add3A_147, %dot_general3A_152 : vector<512x512xf32>
    %get3A_154 = arith.constant 0 : index
    %get3A_155 = arith.constant 0 : index
    %get3A_156 = vector.load %arg7[%get3A_154, %get3A_155] : memref<1x512xf32, #tpu.memory_space<vmem>>, vector<1x512xf32>
    %add3A_157 = vector.broadcast %get3A_156 : vector<1x512xf32> to vector<512x512xf32>
    %add3A_158 = arith.addf %add3A_153, %add3A_157 : vector<512x512xf32>
    %tanh3A = math.tanh %add3A_158 : vector<512x512xf32>
    %swap3A = arith.constant 0 : index
    %swap3A_159 = arith.constant 0 : index
    %swap3A_160 = vector.load %arg10[%swap3A, %swap3A_159] : memref<512x512xf32, #tpu.memory_space<vmem>>, vector<512x512xf32>
    tpu.vector_store %arg10[%swap3A, %swap3A_159], %tanh3A {strides = array<i32>} : memref<512x512xf32, #tpu.memory_space<vmem>>, vector<512x512xf32>,
    %get3A_161 = arith.constant 0 : index
    %get3A_162 = arith.constant 0 : index
    %get3A_163 = vector.load %arg8[%get3A_161, %get3A_162] : memref<512x512xf32, #tpu.memory_space<vmem>>, vector<512x512xf32>
    %dot_general3A_164 = arith.constant dense<0.000000e+00> : vector<512x512xf32>
    %dot_general3A_165 = tpu.matmul %tanh3A, %get3A_163, %dot_general3A_164 {dimension_numbers = #tpu.dot_dimension_numbers<[1], [0], [0], [1], [0, 0, 1, 1], [], []>, transpose_lhs_hint = false} : vector<512x512xf32>, vector<512x512xf32>, vector<512x512xf32> -> vector<512x512xf32>
    %get3A_166 = arith.constant 0 : index
    %get3A_167 = arith.constant 0 : index
    %get3A_168 = vector.load %arg9[%get3A_166, %get3A_167] : memref<1x512xf32, #tpu.memory_space<vmem>>, vector<1x512xf32>
    %add3A_169 = vector.broadcast %get3A_168 : vector<1x512xf32> to vector<512x512xf32>
    %add3A_170 = arith.addf %dot_general3A_165, %add3A_169 : vector<512x512xf32>
    %swap3A_171 = arith.constant 0 : index
    %swap3A_172 = arith.constant 0 : index
    %swap3A_173 = vector.load %arg11[%swap3A_171, %swap3A_172] : memref<512x512xf32, #tpu.memory_space<vmem>>, vector<512x512xf32>
    tpu.vector_store %arg11[%swap3A_171, %swap3A_172], %add3A_170 {strides = array<i32>} : memref<512x512xf32, #tpu.memory_space<vmem>>, vector<512x512xf32>,
    %jit3A_174 = arith.constant 2 : i32
    %div3A_175 = arith.divsi %arg0, %jit3A_174 : i32
    %sign3A = arith.constant 0 : i32
    %sign3A_176 = arith.cmpi sgt, %arg0, %sign3A : i32
    %sign3A_177 = arith.extui %sign3A_176 : i1 to i32
    %sign3A_178 = arith.constant 0 : i32
    %sign3A_179 = arith.cmpi slt, %arg0, %sign3A_178 : i32
    %sign3A_180 = arith.extui %sign3A_179 : i1 to i32
    %sign3A_181 = arith.subi %sign3A_177, %sign3A_180 : i32
    %sign3A_182 = arith.constant 0 : i32
    %sign3A_183 = arith.cmpi sgt, %jit3A_174, %sign3A_182 : i32
    %sign3A_184 = arith.extui %sign3A_183 : i1 to i32
    %sign3A_185 = arith.constant 0 : i32
    %sign3A_186 = arith.cmpi slt, %jit3A_174, %sign3A_185 : i32
    %sign3A_187 = arith.extui %sign3A_186 : i1 to i32
    %sign3A_188 = arith.subi %sign3A_184, %sign3A_187 : i32
    %ne3A = arith.cmpi ne, %sign3A_181, %sign3A_188 : i32
    %rem3A = arith.remsi %arg0, %jit3A_174 : i32
    %ne3A_189 = arith.constant 0 : i32
    %ne3A_190 = arith.cmpi ne, %rem3A, %ne3A_189 : i32
    %and3A = arith.andi %ne3A, %ne3A_190 : i1
    %sub3A_191 = arith.constant 1 : i32
    %sub3A_192 = arith.subi %div3A_175, %sub3A_191 : i32
    %select_n3A_193 = arith.select %and3A, %sub3A_192, %div3A_175 : i32
    %mul3A_194 = arith.constant 1024 : i32
    %mul3A_195 = arith.muli %select_n3A_193, %mul3A_194 : i32
    %add3A_196 = vector.broadcast %mul3A_195 : i32 to vector<512x8xi32>
    %add3A_197 = arith.addi %get3A_1, %add3A_196 : vector<512x8xi32>
    %swap3A_198 = arith.constant 0 : index
    %swap3A_199 = arith.constant 0 : index
    %swap3A_200 = vector.load %arg12[%swap3A_198, %swap3A_199] : memref<512x8xi32, #tpu.memory_space<vmem>>, vector<512x8xi32>
    tpu.vector_store %arg12[%swap3A_198, %swap3A_199], %add3A_197 {strides = array<i32>} : memref<512x8xi32, #tpu.memory_space<vmem>>, vector<512x8xi32>,
    %mul3A_201 = arith.mulf %select_n3A_25, %min3A_3 : vector<512x8xf32>
    %broadcast_in_dim3A_202 = vector.shape_cast %mul3A_201 : vector<512x8xf32> to vector<512x8x1xf32>
    %broadcast_in_dim3A_203 = vector.shape_cast %broadcast_in_dim3A_202 : vector<512x8x1xf32> to vector<512x8x1xf32>
    %broadcast_in_dim3A_204 = vector.broadcast %broadcast_in_dim3A_203 : vector<512x8x1xf32> to vector<512x8x16xf32>
    %reshape3A = vector.shape_cast %broadcast_in_dim3A_204 : vector<512x8x16xf32> to vector<512x128xf32>
    %swap3A_205 = arith.constant 0 : index
    %swap3A_206 = arith.constant 0 : index
    %swap3A_207 = vector.load %arg13[%swap3A_205, %swap3A_206] : memref<512x128xf32, #tpu.memory_space<vmem>>, vector<512x128xf32>
    tpu.vector_store %arg13[%swap3A_205, %swap3A_206], %reshape3A {strides = array<i32>} : memref<512x128xf32, #tpu.memory_space<vmem>>, vector<512x128xf32>,
    %broadcast_in_dim3A_208 = vector.shape_cast %mul3A_29 : vector<512x8xf32> to vector<512x8x1xf32>
    %broadcast_in_dim3A_209 = vector.shape_cast %broadcast_in_dim3A_208 : vector<512x8x1xf32> to vector<512x8x1xf32>
    %broadcast_in_dim3A_210 = vector.broadcast %broadcast_in_dim3A_209 : vector<512x8x1xf32> to vector<512x8x16xf32>
    %reshape3A_211 = vector.shape_cast %broadcast_in_dim3A_210 : vector<512x8x16xf32> to vector<512x128xf32>
    %swap3A_212 = arith.constant 0 : index
    %swap3A_213 = arith.constant 0 : index
    %swap3A_214 = vector.load %arg14[%swap3A_212, %swap3A_213] : memref<512x128xf32, #tpu.memory_space<vmem>>, vector<512x128xf32>
    tpu.vector_store %arg14[%swap3A_212, %swap3A_213], %reshape3A_211 {strides = array<i32>} : memref<512x128xf32, #tpu.memory_space<vmem>>, vector<512x128xf32>,
    return
  }
  func.func @transform_0(%arg0: i32) -> (i32, i32) {
    %add3A = arith.constant 4 : i32
    %add3A_0 = arith.addi %arg0, %add3A : i32
    %c0_i32 = arith.constant 0 : i32
    %c0_i32_1 = arith.constant 0 : i32
    return %add3A_0, %c0_i32 : i32, i32
  }
  func.func @transform_1(%arg0: i32) -> (i32, i32, i32) {
    %add3A = arith.constant 4 : i32
    %add3A_0 = arith.addi %arg0, %add3A : i32
    %c0_i32 = arith.constant 0 : i32
    %c0_i32_1 = arith.constant 0 : i32
    %c0_i32_2 = arith.constant 0 : i32
    return %add3A_0, %c0_i32, %c0_i32_1 : i32, i32, i32
  }
  func.func @transform_2(%arg0: i32) -> (i32, i32) {
    %add3A = arith.constant 4 : i32
    %add3A_0 = arith.addi %arg0, %add3A : i32
    %c0_i32 = arith.constant 0 : i32
    %c0_i32_1 = arith.constant 0 : i32
    return %add3A_0, %c0_i32 : i32, i32
  }
  func.func @transform_3(%arg0: i32) -> (i32, i32) {
    %c0_i32 = arith.constant 0 : i32
    %c0_i32_0 = arith.constant 0 : i32
    %c0_i32_1 = arith.constant 0 : i32
    return %c0_i32, %c0_i32_0 : i32, i32
  }
  func.func @transform_4(%arg0: i32) -> (i32, i32) {
    %c0_i32 = arith.constant 0 : i32
    %c0_i32_0 = arith.constant 0 : i32
    %c0_i32_1 = arith.constant 0 : i32
    return %c0_i32, %c0_i32_0 : i32, i32
  }
  func.func @transform_5(%arg0: i32) -> (i32, i32) {
    %c0_i32 = arith.constant 0 : i32
    %c0_i32_0 = arith.constant 0 : i32
    %c0_i32_1 = arith.constant 0 : i32
    return %c0_i32, %c0_i32_0 : i32, i32
  }
  func.func @transform_6(%arg0: i32) -> (i32, i32) {
    %c0_i32 = arith.constant 0 : i32
    %c0_i32_0 = arith.constant 0 : i32
    %c0_i32_1 = arith.constant 0 : i32
    return %c0_i32, %c0_i32_0 : i32, i32
  }
  func.func @transform_7(%arg0: i32) -> (i32, i32) {
    %c0_i32 = arith.constant 0 : i32
    %c0_i32_0 = arith.constant 0 : i32
    %c0_i32_1 = arith.constant 0 : i32
    return %c0_i32, %c0_i32_0 : i32, i32
  }
  func.func @transform_8(%arg0: i32) -> (i32, i32) {
    %c0_i32 = arith.constant 0 : i32
    %c0_i32_0 = arith.constant 0 : i32
    %c0_i32_1 = arith.constant 0 : i32
    return %c0_i32, %c0_i32_0 : i32, i32
  }
  func.func @transform_9(%arg0: i32) -> (i32, i32) {
    %c0_i32 = arith.constant 0 : i32
    %c0_i32_0 = arith.constant 0 : i32
    return %arg0, %c0_i32 : i32, i32
  }
  func.func @transform_10(%arg0: i32) -> (i32, i32) {
    %c0_i32 = arith.constant 0 : i32
    %c0_i32_0 = arith.constant 0 : i32
    return %arg0, %c0_i32 : i32, i32
  }
  func.func @transform_11(%arg0: i32) -> (i32, i32) {
    %c0_i32 = arith.constant 0 : i32
    %c0_i32_0 = arith.constant 0 : i32
    return %arg0, %c0_i32 : i32, i32
  }
  func.func @transform_12(%arg0: i32) -> (i32, i32) {
    %c0_i32 = arith.constant 0 : i32
    %c0_i32_0 = arith.constant 0 : i32
    return %arg0, %c0_i32 : i32, i32
  }
  func.func @transform_13(%arg0: i32) -> (i32, i32) {
    %c0_i32 = arith.constant 0 : i32
    %c0_i32_0 = arith.constant 0 : i32
    return %arg0, %c0_i32 : i32, i32
  }
}

module attributes {stable_mosaic.version = 14 : i64} {
  func.func @_stage1_body(%arg0: i32, %arg1: memref<512x512xf32, #tpu.memory_space<vmem>>, %arg2: memref<512x8x512xf32, #tpu.memory_space<vmem>>, %arg3: memref<512x8xi32, #tpu.memory_space<vmem>>, %arg4: memref<512x512xf32, #tpu.memory_space<vmem>>, %arg5: memref<512x512xf32, #tpu.memory_space<vmem>>, %arg6: memref<512x512xf32, #tpu.memory_space<vmem>>, %arg7: memref<1x512xf32, #tpu.memory_space<vmem>>, %arg8: memref<512x512xf32, #tpu.memory_space<vmem>>, %arg9: memref<1x512xf32, #tpu.memory_space<vmem>>, %arg10: memref<512x512xf32, #tpu.memory_space<vmem>>, %arg11: memref<512x512xf32, #tpu.memory_space<vmem>>, %arg12: memref<512x8xi32, #tpu.memory_space<vmem>>, %arg13: memref<512x128xf32, #tpu.memory_space<vmem>>, %arg14: memref<512x128xf32, #tpu.memory_space<vmem>>) attributes {dimension_semantics = [#tpu.dimension_semantics<arbitrary>], iteration_bounds = array<i64: 4>, scalar_prefetch = 0 : i64, scratch_operands = 0 : i64, tpu.core_type = #tpu.core_type<tc>, window_params = [{transform_indices = @transform_0, window_bounds = array<i64: 512, 512>}, {transform_indices = @transform_1, window_bounds = array<i64: 512, 8, 512>}, {transform_indices = @transform_2, window_bounds = array<i64: 512, 8>}, {pipeline_mode = #tpu.pipeline_mode<synchronous>, transform_indices = @transform_3, window_bounds = array<i64: 512, 512>}, {pipeline_mode = #tpu.pipeline_mode<synchronous>, transform_indices = @transform_4, window_bounds = array<i64: 512, 512>}, {pipeline_mode = #tpu.pipeline_mode<synchronous>, transform_indices = @transform_5, window_bounds = array<i64: 512, 512>}, {pipeline_mode = #tpu.pipeline_mode<synchronous>, transform_indices = @transform_6, window_bounds = array<i64: 1, 512>}, {pipeline_mode = #tpu.pipeline_mode<synchronous>, transform_indices = @transform_7, window_bounds = array<i64: 512, 512>}, {pipeline_mode = #tpu.pipeline_mode<synchronous>, transform_indices = @transform_8, window_bounds = array<i64: 1, 512>}, {transform_indices = @transform_9, window_bounds = array<i64: 512, 512>}, {transform_indices = @transform_10, window_bounds = array<i64: 512, 512>}, {transform_indices = @transform_11, window_bounds = array<i64: 512, 8>}, {transform_indices = @transform_12, window_bounds = array<i64: 512, 128>}, {transform_indices = @transform_13, window_bounds = array<i64: 512, 128>}]} {
    %get3A = arith.constant 0 : index
    %get3A_0 = arith.constant 0 : index
    %get3A_1 = vector.load %arg3[%get3A, %get3A_0] : memref<512x8xi32, #tpu.memory_space<vmem>>, vector<512x8xi32>
    %convert_element_type3A = arith.sitofp %get3A_1 : vector<512x8xi32> to vector<512x8xf32>
    %min3A = arith.constant 1.000000e+00 : f32
    %min3A_2 = vector.broadcast %min3A : f32 to vector<512x8xf32>
    %min3A_3 = arith.minimumf %convert_element_type3A, %min3A_2 : vector<512x8xf32>
    %reduce_sum3A = arith.constant dense<0.000000e+00> : vector<512xf32>
    %reduce_sum3A_4 = vector.multi_reduction <add>, %min3A_3, %reduce_sum3A [1] : vector<512x8xf32> to vector<512xf32>
    %broadcast_in_dim3A = vector.shape_cast %reduce_sum3A_4 : vector<512xf32> to vector<512x1xf32>
    %iota3A = tpu.iota {dimensions = array<i32: 1>} : vector<512x8xi32>
    %convert_element_type3A_5 = arith.sitofp %iota3A : vector<512x8xi32> to vector<512x8xf32>
    %mul3A = arith.mulf %convert_element_type3A_5, %min3A_3 : vector<512x8xf32>
    %eq3A = arith.constant 1.000000e+00 : f32
    %eq3A_6 = vector.broadcast %eq3A : f32 to vector<512x1xf32>
    %eq3A_7 = arith.cmpf oeq, %broadcast_in_dim3A, %eq3A_6 : vector<512x1xf32>
    %sub3A = arith.constant 1.000000e+00 : f32
    %sub3A_8 = vector.broadcast %sub3A : f32 to vector<512x1xf32>
    %sub3A_9 = arith.subf %broadcast_in_dim3A, %sub3A_8 : vector<512x1xf32>
    %jit3A = arith.constant 1.000000e+00 : f32
    %broadcast_in_dim3A_10 = vector.broadcast %jit3A : f32 to vector<512x1xf32>
    %select_n3A = arith.select %eq3A_7, %broadcast_in_dim3A_10, %sub3A_9 : vector<512x1xi1>, vector<512x1xf32>
    %eq3A_11 = arith.constant 0.000000e+00 : f32
    %eq3A_12 = vector.broadcast %eq3A_11 : f32 to vector<512x8xf32>
    %eq3A_13 = arith.cmpf oeq, %convert_element_type3A_5, %eq3A_12 : vector<512x8xf32>
    %jit3A_14 = arith.constant 5.000000e-01 : f32
    %jit3A_15 = arith.constant 0.000000e+00 : f32
    %broadcast_in_dim3A_16 = vector.broadcast %jit3A_14 : f32 to vector<512x8xf32>
    %broadcast_in_dim3A_17 = vector.broadcast %jit3A_15 : f32 to vector<512x8xf32>
    %select_n3A_18 = arith.select %eq3A_13, %broadcast_in_dim3A_16, %broadcast_in_dim3A_17 : vector<512x8xi1>, vector<512x8xf32>
    %eq3A_19 = arith.constant 1.000000e+00 : f32
    %eq3A_20 = vector.broadcast %eq3A_19 : f32 to vector<512x1xf32>
    %eq3A_21 = arith.cmpf oeq, %broadcast_in_dim3A, %eq3A_20 : vector<512x1xf32>
    %div3A = vector.broadcast %select_n3A : vector<512x1xf32> to vector<512x8xf32>
    %div3A_22 = arith.divf %mul3A, %div3A : vector<512x8xf32>
    %broadcast_in_dim3A_23 = vector.shape_cast %eq3A_21 : vector<512x1xi1> to vector<512x1xi1>
    %broadcast_in_dim3A_24 = vector.broadcast %broadcast_in_dim3A_23 : vector<512x1xi1> to vector<512x8xi1>
    %select_n3A_25 = arith.select %broadcast_in_dim3A_24, %select_n3A_18, %div3A_22 : vector<512x8xi1>, vector<512x8xf32>
    %sub3A_26 = arith.constant 1.000000e+00 : f32
    %sub3A_27 = vector.broadcast %sub3A_26 : f32 to vector<512x8xf32>
    %sub3A_28 = arith.subf %sub3A_27, %select_n3A_25 : vector<512x8xf32>
    %mul3A_29 = arith.mulf %sub3A_28, %min3A_3 : vector<512x8xf32>
    %slice3A = vector.extract_strided_slice %select_n3A_25 {offsets = [0, 0], sizes = [512, 1], strides = [1, 1]} : vector<512x8xf32> to vector<512x1xf32>
    %get3A_30 = arith.constant 0 : index
    %get3A_31 = arith.constant 0 : index
    %get3A_32 = arith.constant 0 : index
    %get3A_33 = vector.load %arg2[%get3A_30, %get3A_31, %get3A_32] : memref<512x8x512xf32, #tpu.memory_space<vmem>>, vector<512x1x512xf32>
    %get3A_34 = vector.shape_cast %get3A_33 : vector<512x1x512xf32> to vector<512x512xf32>
    %mul3A_35 = vector.broadcast %slice3A : vector<512x1xf32> to vector<512x512xf32>
    %mul3A_36 = arith.mulf %mul3A_35, %get3A_34 : vector<512x512xf32>
    %slice3A_37 = vector.extract_strided_slice %mul3A_29 {offsets = [0, 0], sizes = [512, 1], strides = [1, 1]} : vector<512x8xf32> to vector<512x1xf32>
    %get3A_38 = arith.constant 0 : index
    %get3A_39 = arith.constant 0 : index
    %get3A_40 = arith.constant 0 : index
    %get3A_41 = vector.load %arg2[%get3A_38, %get3A_39, %get3A_40] : memref<512x8x512xf32, #tpu.memory_space<vmem>>, vector<512x1x512xf32>
    %get3A_42 = vector.shape_cast %get3A_41 : vector<512x1x512xf32> to vector<512x512xf32>
    %mul3A_43 = vector.broadcast %slice3A_37 : vector<512x1xf32> to vector<512x512xf32>
    %mul3A_44 = arith.mulf %mul3A_43, %get3A_42 : vector<512x512xf32>
    %get3A_45 = arith.constant 0 : index
    %get3A_46 = arith.constant 1 : index
    %get3A_47 = arith.constant 0 : index
    %get3A_48 = vector.load %arg2[%get3A_45, %get3A_46, %get3A_47] : memref<512x8x512xf32, #tpu.memory_space<vmem>>, vector<512x1x512xf32>
    %get3A_49 = vector.shape_cast %get3A_48 : vector<512x1x512xf32> to vector<512x512xf32>
    %slice3A_50 = vector.extract_strided_slice %select_n3A_25 {offsets = [0, 1], sizes = [512, 1], strides = [1, 1]} : vector<512x8xf32> to vector<512x1xf32>
    %mul3A_51 = vector.broadcast %slice3A_50 : vector<512x1xf32> to vector<512x512xf32>
    %mul3A_52 = arith.mulf %mul3A_51, %get3A_49 : vector<512x512xf32>
    %add3A = arith.addf %mul3A_36, %mul3A_52 : vector<512x512xf32>
    %slice3A_53 = vector.extract_strided_slice %mul3A_29 {offsets = [0, 1], sizes = [512, 1], strides = [1, 1]} : vector<512x8xf32> to vector<512x1xf32>
    %mul3A_54 = vector.broadcast %slice3A_53 : vector<512x1xf32> to vector<512x512xf32>
    %mul3A_55 = arith.mulf %mul3A_54, %get3A_49 : vector<512x512xf32>
    %add3A_56 = arith.addf %mul3A_44, %mul3A_55 : vector<512x512xf32>
    %get3A_57 = arith.constant 0 : index
    %get3A_58 = arith.constant 2 : index
    %get3A_59 = arith.constant 0 : index
    %get3A_60 = vector.load %arg2[%get3A_57, %get3A_58, %get3A_59] : memref<512x8x512xf32, #tpu.memory_space<vmem>>, vector<512x1x512xf32>
    %get3A_61 = vector.shape_cast %get3A_60 : vector<512x1x512xf32> to vector<512x512xf32>
    %slice3A_62 = vector.extract_strided_slice %select_n3A_25 {offsets = [0, 2], sizes = [512, 1], strides = [1, 1]} : vector<512x8xf32> to vector<512x1xf32>
    %mul3A_63 = vector.broadcast %slice3A_62 : vector<512x1xf32> to vector<512x512xf32>
    %mul3A_64 = arith.mulf %mul3A_63, %get3A_61 : vector<512x512xf32>
    %add3A_65 = arith.addf %add3A, %mul3A_64 : vector<512x512xf32>
    %slice3A_66 = vector.extract_strided_slice %mul3A_29 {offsets = [0, 2], sizes = [512, 1], strides = [1, 1]} : vector<512x8xf32> to vector<512x1xf32>
    %mul3A_67 = vector.broadcast %slice3A_66 : vector<512x1xf32> to vector<512x512xf32>
    %mul3A_68 = arith.mulf %mul3A_67, %get3A_61 : vector<512x512xf32>
    %add3A_69 = arith.addf %add3A_56, %mul3A_68 : vector<512x512xf32>
    %get3A_70 = arith.constant 0 : index
    %get3A_71 = arith.constant 3 : index
    %get3A_72 = arith.constant 0 : index
    %get3A_73 = vector.load %arg2[%get3A_70, %get3A_71, %get3A_72] : memref<512x8x512xf32, #tpu.memory_space<vmem>>, vector<512x1x512xf32>
    %get3A_74 = vector.shape_cast %get3A_73 : vector<512x1x512xf32> to vector<512x512xf32>
    %slice3A_75 = vector.extract_strided_slice %select_n3A_25 {offsets = [0, 3], sizes = [512, 1], strides = [1, 1]} : vector<512x8xf32> to vector<512x1xf32>
    %mul3A_76 = vector.broadcast %slice3A_75 : vector<512x1xf32> to vector<512x512xf32>
    %mul3A_77 = arith.mulf %mul3A_76, %get3A_74 : vector<512x512xf32>
    %add3A_78 = arith.addf %add3A_65, %mul3A_77 : vector<512x512xf32>
    %slice3A_79 = vector.extract_strided_slice %mul3A_29 {offsets = [0, 3], sizes = [512, 1], strides = [1, 1]} : vector<512x8xf32> to vector<512x1xf32>
    %mul3A_80 = vector.broadcast %slice3A_79 : vector<512x1xf32> to vector<512x512xf32>
    %mul3A_81 = arith.mulf %mul3A_80, %get3A_74 : vector<512x512xf32>
    %add3A_82 = arith.addf %add3A_69, %mul3A_81 : vector<512x512xf32>
    %get3A_83 = arith.constant 0 : index
    %get3A_84 = arith.constant 4 : index
    %get3A_85 = arith.constant 0 : index
    %get3A_86 = vector.load %arg2[%get3A_83, %get3A_84, %get3A_85] : memref<512x8x512xf32, #tpu.memory_space<vmem>>, vector<512x1x512xf32>
    %get3A_87 = vector.shape_cast %get3A_86 : vector<512x1x512xf32> to vector<512x512xf32>
    %slice3A_88 = vector.extract_strided_slice %select_n3A_25 {offsets = [0, 4], sizes = [512, 1], strides = [1, 1]} : vector<512x8xf32> to vector<512x1xf32>
    %mul3A_89 = vector.broadcast %slice3A_88 : vector<512x1xf32> to vector<512x512xf32>
    %mul3A_90 = arith.mulf %mul3A_89, %get3A_87 : vector<512x512xf32>
    %add3A_91 = arith.addf %add3A_78, %mul3A_90 : vector<512x512xf32>
    %slice3A_92 = vector.extract_strided_slice %mul3A_29 {offsets = [0, 4], sizes = [512, 1], strides = [1, 1]} : vector<512x8xf32> to vector<512x1xf32>
    %mul3A_93 = vector.broadcast %slice3A_92 : vector<512x1xf32> to vector<512x512xf32>
    %mul3A_94 = arith.mulf %mul3A_93, %get3A_87 : vector<512x512xf32>
    %add3A_95 = arith.addf %add3A_82, %mul3A_94 : vector<512x512xf32>
    %get3A_96 = arith.constant 0 : index
    %get3A_97 = arith.constant 5 : index
    %get3A_98 = arith.constant 0 : index
    %get3A_99 = vector.load %arg2[%get3A_96, %get3A_97, %get3A_98] : memref<512x8x512xf32, #tpu.memory_space<vmem>>, vector<512x1x512xf32>
    %get3A_100 = vector.shape_cast %get3A_99 : vector<512x1x512xf32> to vector<512x512xf32>
    %slice3A_101 = vector.extract_strided_slice %select_n3A_25 {offsets = [0, 5], sizes = [512, 1], strides = [1, 1]} : vector<512x8xf32> to vector<512x1xf32>
    %mul3A_102 = vector.broadcast %slice3A_101 : vector<512x1xf32> to vector<512x512xf32>
    %mul3A_103 = arith.mulf %mul3A_102, %get3A_100 : vector<512x512xf32>
    %add3A_104 = arith.addf %add3A_91, %mul3A_103 : vector<512x512xf32>
    %slice3A_105 = vector.extract_strided_slice %mul3A_29 {offsets = [0, 5], sizes = [512, 1], strides = [1, 1]} : vector<512x8xf32> to vector<512x1xf32>
    %mul3A_106 = vector.broadcast %slice3A_105 : vector<512x1xf32> to vector<512x512xf32>
    %mul3A_107 = arith.mulf %mul3A_106, %get3A_100 : vector<512x512xf32>
    %add3A_108 = arith.addf %add3A_95, %mul3A_107 : vector<512x512xf32>
    %get3A_109 = arith.constant 0 : index
    %get3A_110 = arith.constant 6 : index
    %get3A_111 = arith.constant 0 : index
    %get3A_112 = vector.load %arg2[%get3A_109, %get3A_110, %get3A_111] : memref<512x8x512xf32, #tpu.memory_space<vmem>>, vector<512x1x512xf32>
    %get3A_113 = vector.shape_cast %get3A_112 : vector<512x1x512xf32> to vector<512x512xf32>
    %slice3A_114 = vector.extract_strided_slice %select_n3A_25 {offsets = [0, 6], sizes = [512, 1], strides = [1, 1]} : vector<512x8xf32> to vector<512x1xf32>
    %mul3A_115 = vector.broadcast %slice3A_114 : vector<512x1xf32> to vector<512x512xf32>
    %mul3A_116 = arith.mulf %mul3A_115, %get3A_113 : vector<512x512xf32>
    %add3A_117 = arith.addf %add3A_104, %mul3A_116 : vector<512x512xf32>
    %slice3A_118 = vector.extract_strided_slice %mul3A_29 {offsets = [0, 6], sizes = [512, 1], strides = [1, 1]} : vector<512x8xf32> to vector<512x1xf32>
    %mul3A_119 = vector.broadcast %slice3A_118 : vector<512x1xf32> to vector<512x512xf32>
    %mul3A_120 = arith.mulf %mul3A_119, %get3A_113 : vector<512x512xf32>
    %add3A_121 = arith.addf %add3A_108, %mul3A_120 : vector<512x512xf32>
    %get3A_122 = arith.constant 0 : index
    %get3A_123 = arith.constant 7 : index
    %get3A_124 = arith.constant 0 : index
    %get3A_125 = vector.load %arg2[%get3A_122, %get3A_123, %get3A_124] : memref<512x8x512xf32, #tpu.memory_space<vmem>>, vector<512x1x512xf32>
    %get3A_126 = vector.shape_cast %get3A_125 : vector<512x1x512xf32> to vector<512x512xf32>
    %slice3A_127 = vector.extract_strided_slice %select_n3A_25 {offsets = [0, 7], sizes = [512, 1], strides = [1, 1]} : vector<512x8xf32> to vector<512x1xf32>
    %mul3A_128 = vector.broadcast %slice3A_127 : vector<512x1xf32> to vector<512x512xf32>
    %mul3A_129 = arith.mulf %mul3A_128, %get3A_126 : vector<512x512xf32>
    %add3A_130 = arith.addf %add3A_117, %mul3A_129 : vector<512x512xf32>
    %slice3A_131 = vector.extract_strided_slice %mul3A_29 {offsets = [0, 7], sizes = [512, 1], strides = [1, 1]} : vector<512x8xf32> to vector<512x1xf32>
    %mul3A_132 = vector.broadcast %slice3A_131 : vector<512x1xf32> to vector<512x512xf32>
    %mul3A_133 = arith.mulf %mul3A_132, %get3A_126 : vector<512x512xf32>
    %add3A_134 = arith.addf %add3A_121, %mul3A_133 : vector<512x512xf32>
    %get3A_135 = arith.constant 0 : index
    %get3A_136 = arith.constant 0 : index
    %get3A_137 = vector.load %arg1[%get3A_135, %get3A_136] : memref<512x512xf32, #tpu.memory_space<vmem>>, vector<512x512xf32>
    %get3A_138 = arith.constant 0 : index
    %get3A_139 = arith.constant 0 : index
    %get3A_140 = vector.load %arg4[%get3A_138, %get3A_139] : memref<512x512xf32, #tpu.memory_space<vmem>>, vector<512x512xf32>
    %dot_general3A = arith.constant dense<0.000000e+00> : vector<512x512xf32>
    %dot_general3A_141 = tpu.matmul %get3A_137, %get3A_140, %dot_general3A {dimension_numbers = #tpu.dot_dimension_numbers<[1], [0], [0], [1], [0, 0, 1, 1], [], []>, transpose_lhs_hint = false} : vector<512x512xf32>, vector<512x512xf32>, vector<512x512xf32> -> vector<512x512xf32>
    %get3A_142 = arith.constant 0 : index
    %get3A_143 = arith.constant 0 : index
    %get3A_144 = vector.load %arg5[%get3A_142, %get3A_143] : memref<512x512xf32, #tpu.memory_space<vmem>>, vector<512x512xf32>
    %dot_general3A_145 = arith.constant dense<0.000000e+00> : vector<512x512xf32>
    %dot_general3A_146 = tpu.matmul %add3A_130, %get3A_144, %dot_general3A_145 {dimension_numbers = #tpu.dot_dimension_numbers<[1], [0], [0], [1], [0, 0, 1, 1], [], []>, transpose_lhs_hint = false} : vector<512x512xf32>, vector<512x512xf32>, vector<512x512xf32> -> vector<512x512xf32>
    %add3A_147 = arith.addf %dot_general3A_141, %dot_general3A_146 : vector<512x512xf32>
    %get3A_148 = arith.constant 0 : index
    %get3A_149 = arith.constant 0 : index
    %get3A_150 = vector.load %arg6[%get3A_148, %get3A_149] : memref<512x512xf32, #tpu.memory_space<vmem>>, vector<512x512xf32>
    %dot_general3A_151 = arith.constant dense<0.000000e+00> : vector<512x512xf32>
    %dot_general3A_152 = tpu.matmul %add3A_134, %get3A_150, %dot_general3A_151 {dimension_numbers = #tpu.dot_dimension_numbers<[1], [0], [0], [1], [0, 0, 1, 1], [], []>, transpose_lhs_hint = false} : vector<512x512xf32>, vector<512x512xf32>, vector<512x512xf32> -> vector<512x512xf32>
    %add3A_153 = arith.addf %add3A_147, %dot_general3A_152 : vector<512x512xf32>
    %get3A_154 = arith.constant 0 : index
    %get3A_155 = arith.constant 0 : index
    %get3A_156 = vector.load %arg7[%get3A_154, %get3A_155] : memref<1x512xf32, #tpu.memory_space<vmem>>, vector<1x512xf32>
    %add3A_157 = vector.broadcast %get3A_156 : vector<1x512xf32> to vector<512x512xf32>
    %add3A_158 = arith.addf %add3A_153, %add3A_157 : vector<512x512xf32>
    %tanh3A = math.tanh %add3A_158 : vector<512x512xf32>
    %swap3A = arith.constant 0 : index
    %swap3A_159 = arith.constant 0 : index
    %swap3A_160 = vector.load %arg10[%swap3A, %swap3A_159] : memref<512x512xf32, #tpu.memory_space<vmem>>, vector<512x512xf32>
    tpu.vector_store %arg10[%swap3A, %swap3A_159], %tanh3A {strides = array<i32>} : memref<512x512xf32, #tpu.memory_space<vmem>>, vector<512x512xf32>,
    %get3A_161 = arith.constant 0 : index
    %get3A_162 = arith.constant 0 : index
    %get3A_163 = vector.load %arg8[%get3A_161, %get3A_162] : memref<512x512xf32, #tpu.memory_space<vmem>>, vector<512x512xf32>
    %dot_general3A_164 = arith.constant dense<0.000000e+00> : vector<512x512xf32>
    %dot_general3A_165 = tpu.matmul %tanh3A, %get3A_163, %dot_general3A_164 {dimension_numbers = #tpu.dot_dimension_numbers<[1], [0], [0], [1], [0, 0, 1, 1], [], []>, transpose_lhs_hint = false} : vector<512x512xf32>, vector<512x512xf32>, vector<512x512xf32> -> vector<512x512xf32>
    %get3A_166 = arith.constant 0 : index
    %get3A_167 = arith.constant 0 : index
    %get3A_168 = vector.load %arg9[%get3A_166, %get3A_167] : memref<1x512xf32, #tpu.memory_space<vmem>>, vector<1x512xf32>
    %add3A_169 = vector.broadcast %get3A_168 : vector<1x512xf32> to vector<512x512xf32>
    %add3A_170 = arith.addf %dot_general3A_165, %add3A_169 : vector<512x512xf32>
    %swap3A_171 = arith.constant 0 : index
    %swap3A_172 = arith.constant 0 : index
    %swap3A_173 = vector.load %arg11[%swap3A_171, %swap3A_172] : memref<512x512xf32, #tpu.memory_space<vmem>>, vector<512x512xf32>
    tpu.vector_store %arg11[%swap3A_171, %swap3A_172], %add3A_170 {strides = array<i32>} : memref<512x512xf32, #tpu.memory_space<vmem>>, vector<512x512xf32>,
    %jit3A_174 = arith.constant 2 : i32
    %div3A_175 = arith.divsi %arg0, %jit3A_174 : i32
    %sign3A = arith.constant 0 : i32
    %sign3A_176 = arith.cmpi sgt, %arg0, %sign3A : i32
    %sign3A_177 = arith.extui %sign3A_176 : i1 to i32
    %sign3A_178 = arith.constant 0 : i32
    %sign3A_179 = arith.cmpi slt, %arg0, %sign3A_178 : i32
    %sign3A_180 = arith.extui %sign3A_179 : i1 to i32
    %sign3A_181 = arith.subi %sign3A_177, %sign3A_180 : i32
    %sign3A_182 = arith.constant 0 : i32
    %sign3A_183 = arith.cmpi sgt, %jit3A_174, %sign3A_182 : i32
    %sign3A_184 = arith.extui %sign3A_183 : i1 to i32
    %sign3A_185 = arith.constant 0 : i32
    %sign3A_186 = arith.cmpi slt, %jit3A_174, %sign3A_185 : i32
    %sign3A_187 = arith.extui %sign3A_186 : i1 to i32
    %sign3A_188 = arith.subi %sign3A_184, %sign3A_187 : i32
    %ne3A = arith.cmpi ne, %sign3A_181, %sign3A_188 : i32
    %rem3A = arith.remsi %arg0, %jit3A_174 : i32
    %ne3A_189 = arith.constant 0 : i32
    %ne3A_190 = arith.cmpi ne, %rem3A, %ne3A_189 : i32
    %and3A = arith.andi %ne3A, %ne3A_190 : i1
    %sub3A_191 = arith.constant 1 : i32
    %sub3A_192 = arith.subi %div3A_175, %sub3A_191 : i32
    %select_n3A_193 = arith.select %and3A, %sub3A_192, %div3A_175 : i32
    %mul3A_194 = arith.constant 1024 : i32
    %mul3A_195 = arith.muli %select_n3A_193, %mul3A_194 : i32
    %add3A_196 = vector.broadcast %mul3A_195 : i32 to vector<512x8xi32>
    %add3A_197 = arith.addi %get3A_1, %add3A_196 : vector<512x8xi32>
    %swap3A_198 = arith.constant 0 : index
    %swap3A_199 = arith.constant 0 : index
    %swap3A_200 = vector.load %arg12[%swap3A_198, %swap3A_199] : memref<512x8xi32, #tpu.memory_space<vmem>>, vector<512x8xi32>
    tpu.vector_store %arg12[%swap3A_198, %swap3A_199], %add3A_197 {strides = array<i32>} : memref<512x8xi32, #tpu.memory_space<vmem>>, vector<512x8xi32>,
    %mul3A_201 = arith.mulf %select_n3A_25, %min3A_3 : vector<512x8xf32>
    %broadcast_in_dim3A_202 = vector.shape_cast %mul3A_201 : vector<512x8xf32> to vector<512x8x1xf32>
    %broadcast_in_dim3A_203 = vector.shape_cast %broadcast_in_dim3A_202 : vector<512x8x1xf32> to vector<512x8x1xf32>
    %broadcast_in_dim3A_204 = vector.broadcast %broadcast_in_dim3A_203 : vector<512x8x1xf32> to vector<512x8x16xf32>
    %reshape3A = vector.shape_cast %broadcast_in_dim3A_204 : vector<512x8x16xf32> to vector<512x128xf32>
    %swap3A_205 = arith.constant 0 : index
    %swap3A_206 = arith.constant 0 : index
    %swap3A_207 = vector.load %arg13[%swap3A_205, %swap3A_206] : memref<512x128xf32, #tpu.memory_space<vmem>>, vector<512x128xf32>
    tpu.vector_store %arg13[%swap3A_205, %swap3A_206], %reshape3A {strides = array<i32>} : memref<512x128xf32, #tpu.memory_space<vmem>>, vector<512x128xf32>,
    %broadcast_in_dim3A_208 = vector.shape_cast %mul3A_29 : vector<512x8xf32> to vector<512x8x1xf32>
    %broadcast_in_dim3A_209 = vector.shape_cast %broadcast_in_dim3A_208 : vector<512x8x1xf32> to vector<512x8x1xf32>
    %broadcast_in_dim3A_210 = vector.broadcast %broadcast_in_dim3A_209 : vector<512x8x1xf32> to vector<512x8x16xf32>
    %reshape3A_211 = vector.shape_cast %broadcast_in_dim3A_210 : vector<512x8x16xf32> to vector<512x128xf32>
    %swap3A_212 = arith.constant 0 : index
    %swap3A_213 = arith.constant 0 : index
    %swap3A_214 = vector.load %arg14[%swap3A_212, %swap3A_213] : memref<512x128xf32, #tpu.memory_space<vmem>>, vector<512x128xf32>
    tpu.vector_store %arg14[%swap3A_212, %swap3A_213], %reshape3A_211 {strides = array<i32>} : memref<512x128xf32, #tpu.memory_space<vmem>>, vector<512x128xf32>,
    return
  }
  func.func @transform_0(%arg0: i32) -> (i32, i32) {
    %add3A = arith.constant 0 : i32
    %add3A_0 = arith.addi %arg0, %add3A : i32
    %c0_i32 = arith.constant 0 : i32
    %c0_i32_1 = arith.constant 0 : i32
    return %add3A_0, %c0_i32 : i32, i32
  }
  func.func @transform_1(%arg0: i32) -> (i32, i32, i32) {
    %add3A = arith.constant 0 : i32
    %add3A_0 = arith.addi %arg0, %add3A : i32
    %c0_i32 = arith.constant 0 : i32
    %c0_i32_1 = arith.constant 0 : i32
    %c0_i32_2 = arith.constant 0 : i32
    return %add3A_0, %c0_i32, %c0_i32_1 : i32, i32, i32
  }
  func.func @transform_2(%arg0: i32) -> (i32, i32) {
    %add3A = arith.constant 0 : i32
    %add3A_0 = arith.addi %arg0, %add3A : i32
    %c0_i32 = arith.constant 0 : i32
    %c0_i32_1 = arith.constant 0 : i32
    return %add3A_0, %c0_i32 : i32, i32
  }
  func.func @transform_3(%arg0: i32) -> (i32, i32) {
    %c0_i32 = arith.constant 0 : i32
    %c0_i32_0 = arith.constant 0 : i32
    %c0_i32_1 = arith.constant 0 : i32
    return %c0_i32, %c0_i32_0 : i32, i32
  }
  func.func @transform_4(%arg0: i32) -> (i32, i32) {
    %c0_i32 = arith.constant 0 : i32
    %c0_i32_0 = arith.constant 0 : i32
    %c0_i32_1 = arith.constant 0 : i32
    return %c0_i32, %c0_i32_0 : i32, i32
  }
  func.func @transform_5(%arg0: i32) -> (i32, i32) {
    %c0_i32 = arith.constant 0 : i32
    %c0_i32_0 = arith.constant 0 : i32
    %c0_i32_1 = arith.constant 0 : i32
    return %c0_i32, %c0_i32_0 : i32, i32
  }
  func.func @transform_6(%arg0: i32) -> (i32, i32) {
    %c0_i32 = arith.constant 0 : i32
    %c0_i32_0 = arith.constant 0 : i32
    %c0_i32_1 = arith.constant 0 : i32
    return %c0_i32, %c0_i32_0 : i32, i32
  }
  func.func @transform_7(%arg0: i32) -> (i32, i32) {
    %c0_i32 = arith.constant 0 : i32
    %c0_i32_0 = arith.constant 0 : i32
    %c0_i32_1 = arith.constant 0 : i32
    return %c0_i32, %c0_i32_0 : i32, i32
  }
  func.func @transform_8(%arg0: i32) -> (i32, i32) {
    %c0_i32 = arith.constant 0 : i32
    %c0_i32_0 = arith.constant 0 : i32
    %c0_i32_1 = arith.constant 0 : i32
    return %c0_i32, %c0_i32_0 : i32, i32
  }
  func.func @transform_9(%arg0: i32) -> (i32, i32) {
    %c0_i32 = arith.constant 0 : i32
    %c0_i32_0 = arith.constant 0 : i32
    return %arg0, %c0_i32 : i32, i32
  }
  func.func @transform_10(%arg0: i32) -> (i32, i32) {
    %c0_i32 = arith.constant 0 : i32
    %c0_i32_0 = arith.constant 0 : i32
    return %arg0, %c0_i32 : i32, i32
  }
  func.func @transform_11(%arg0: i32) -> (i32, i32) {
    %c0_i32 = arith.constant 0 : i32
    %c0_i32_0 = arith.constant 0 : i32
    return %arg0, %c0_i32 : i32, i32
  }
  func.func @transform_12(%arg0: i32) -> (i32, i32) {
    %c0_i32 = arith.constant 0 : i32
    %c0_i32_0 = arith.constant 0 : i32
    return %arg0, %c0_i32 : i32, i32
  }
  func.func @transform_13(%arg0: i32) -> (i32, i32) {
    %c0_i32 = arith.constant 0 : i32
    %c0_i32_0 = arith.constant 0 : i32
    return %arg0, %c0_i32 : i32, i32
  }
}

module attributes {stable_mosaic.version = 14 : i64} {
  func.func @_stage3_body(%arg0: i32, %arg1: memref<512x512xf32, #tpu.memory_space<vmem>>, %arg2: memref<512x512xf32, #tpu.memory_space<vmem>>, %arg3: memref<512x512xf32, #tpu.memory_space<vmem>>, %arg4: memref<512x512xf32, #tpu.memory_space<vmem>>, %arg5: memref<512x512xf32, #tpu.memory_space<vmem>>, %arg6: memref<512x512xf32, #tpu.memory_space<vmem>>) attributes {dimension_semantics = [#tpu.dimension_semantics<arbitrary>], iteration_bounds = array<i64: 4>, scalar_prefetch = 0 : i64, scratch_operands = 0 : i64, tpu.core_type = #tpu.core_type<tc>, window_params = [{transform_indices = @transform_0, window_bounds = array<i64: 512, 512>}, {transform_indices = @transform_1, window_bounds = array<i64: 512, 512>}, {transform_indices = @transform_2, window_bounds = array<i64: 512, 512>}, {pipeline_mode = #tpu.pipeline_mode<synchronous>, transform_indices = @transform_3, window_bounds = array<i64: 512, 512>}, {pipeline_mode = #tpu.pipeline_mode<synchronous>, transform_indices = @transform_4, window_bounds = array<i64: 512, 512>}, {transform_indices = @transform_5, window_bounds = array<i64: 512, 512>}]} {
    %get3A = arith.constant 0 : index
    %get3A_0 = arith.constant 0 : index
    %get3A_1 = vector.load %arg1[%get3A, %get3A_0] : memref<512x512xf32, #tpu.memory_space<vmem>>, vector<512x512xf32>
    %get3A_2 = arith.constant 0 : index
    %get3A_3 = arith.constant 0 : index
    %get3A_4 = vector.load %arg2[%get3A_2, %get3A_3] : memref<512x512xf32, #tpu.memory_space<vmem>>, vector<512x512xf32>
    %get3A_5 = arith.constant 0 : index
    %get3A_6 = arith.constant 0 : index
    %get3A_7 = vector.load %arg4[%get3A_5, %get3A_6] : memref<512x512xf32, #tpu.memory_space<vmem>>, vector<512x512xf32>
    %dot_general3A = arith.constant dense<0.000000e+00> : vector<512x512xf32>
    %dot_general3A_8 = tpu.matmul %get3A_4, %get3A_7, %dot_general3A {dimension_numbers = #tpu.dot_dimension_numbers<[1], [0], [0], [1], [0, 0, 1, 1], [], []>, transpose_lhs_hint = false} : vector<512x512xf32>, vector<512x512xf32>, vector<512x512xf32> -> vector<512x512xf32>
    %add3A = arith.addf %get3A_1, %dot_general3A_8 : vector<512x512xf32>
    %get3A_9 = arith.constant 0 : index
    %get3A_10 = arith.constant 0 : index
    %get3A_11 = vector.load %arg3[%get3A_9, %get3A_10] : memref<512x512xf32, #tpu.memory_space<vmem>>, vector<512x512xf32>
    %get3A_12 = arith.constant 0 : index
    %get3A_13 = arith.constant 0 : index
    %get3A_14 = vector.load %arg5[%get3A_12, %get3A_13] : memref<512x512xf32, #tpu.memory_space<vmem>>, vector<512x512xf32>
    %dot_general3A_15 = arith.constant dense<0.000000e+00> : vector<512x512xf32>
    %dot_general3A_16 = tpu.matmul %get3A_11, %get3A_14, %dot_general3A_15 {dimension_numbers = #tpu.dot_dimension_numbers<[1], [0], [0], [1], [0, 0, 1, 1], [], []>, transpose_lhs_hint = false} : vector<512x512xf32>, vector<512x512xf32>, vector<512x512xf32> -> vector<512x512xf32>
    %add3A_17 = arith.addf %add3A, %dot_general3A_16 : vector<512x512xf32>
    %tanh3A = math.tanh %add3A_17 : vector<512x512xf32>
    %swap3A = arith.constant 0 : index
    %swap3A_18 = arith.constant 0 : index
    %swap3A_19 = vector.load %arg6[%swap3A, %swap3A_18] : memref<512x512xf32, #tpu.memory_space<vmem>>, vector<512x512xf32>
    tpu.vector_store %arg6[%swap3A, %swap3A_18], %tanh3A {strides = array<i32>} : memref<512x512xf32, #tpu.memory_space<vmem>>, vector<512x512xf32>,
    return
  }
  func.func @transform_0(%arg0: i32) -> (i32, i32) {
    %c0_i32 = arith.constant 0 : i32
    %c0_i32_0 = arith.constant 0 : i32
    return %arg0, %c0_i32 : i32, i32
  }
  func.func @transform_1(%arg0: i32) -> (i32, i32) {
    %c0_i32 = arith.constant 0 : i32
    %c0_i32_0 = arith.constant 0 : i32
    return %arg0, %c0_i32 : i32, i32
  }
  func.func @transform_2(%arg0: i32) -> (i32, i32) {
    %c0_i32 = arith.constant 0 : i32
    %c0_i32_0 = arith.constant 0 : i32
    return %arg0, %c0_i32 : i32, i32
  }
  func.func @transform_3(%arg0: i32) -> (i32, i32) {
    %c0_i32 = arith.constant 0 : i32
    %c0_i32_0 = arith.constant 0 : i32
    %c0_i32_1 = arith.constant 0 : i32
    return %c0_i32, %c0_i32_0 : i32, i32
  }
  func.func @transform_4(%arg0: i32) -> (i32, i32) {
    %c0_i32 = arith.constant 0 : i32
    %c0_i32_0 = arith.constant 0 : i32
    %c0_i32_1 = arith.constant 0 : i32
    return %c0_i32, %c0_i32_0 : i32, i32
  }
  func.func @transform_5(%arg0: i32) -> (i32, i32) {
    %add3A = arith.constant 0 : i32
    %add3A_0 = arith.addi %arg0, %add3A : i32
    %c0_i32 = arith.constant 0 : i32
    %c0_i32_1 = arith.constant 0 : i32
    return %add3A_0, %c0_i32 : i32, i32
  }
}

module attributes {stable_mosaic.version = 14 : i64} {
  func.func @_lambda_(%arg0: i32, %arg1: memref<4096x512xf32, #tpu.memory_space<any>>, %arg2: memref<512x512xf32, #tpu.memory_space<vmem>>, %arg3: memref<512x512xf32, #tpu.memory_space<vmem>>, %arg4: memref<512x512xf32, #tpu.memory_space<vmem>>, %arg5: memref<512x512xf32, #tpu.memory_space<vmem>>, %arg6: memref<512x512xf32, #tpu.memory_space<vmem>>, %arg7: memref<512x512xf32, #tpu.memory_space<vmem>>) attributes {dimension_semantics = [#tpu.dimension_semantics<arbitrary>], iteration_bounds = array<i64: 4>, scalar_prefetch = 0 : i64, scratch_operands = 0 : i64, tpu.core_type = #tpu.core_type<tc>, window_params = [{}, {transform_indices = @transform_1, window_bounds = array<i64: 512, 512>}, {transform_indices = @transform_2, window_bounds = array<i64: 512, 512>}, {transform_indices = @transform_3, window_bounds = array<i64: 512, 512>}, {pipeline_mode = #tpu.pipeline_mode<synchronous>, transform_indices = @transform_4, window_bounds = array<i64: 512, 512>}, {pipeline_mode = #tpu.pipeline_mode<synchronous>, transform_indices = @transform_5, window_bounds = array<i64: 512, 512>}, {transform_indices = @transform_6, window_bounds = array<i64: 512, 512>}]} {
    %get3A = arith.constant 0 : index
    %get3A_0 = arith.constant 0 : index
    %get3A_1 = vector.load %arg2[%get3A, %get3A_0] : memref<512x512xf32, #tpu.memory_space<vmem>>, vector<512x512xf32>
    %get3A_2 = arith.constant 0 : index
    %get3A_3 = arith.constant 0 : index
    %get3A_4 = vector.load %arg3[%get3A_2, %get3A_3] : memref<512x512xf32, #tpu.memory_space<vmem>>, vector<512x512xf32>
    %get3A_5 = arith.constant 0 : index
    %get3A_6 = arith.constant 0 : index
    %get3A_7 = vector.load %arg5[%get3A_5, %get3A_6] : memref<512x512xf32, #tpu.memory_space<vmem>>, vector<512x512xf32>
    %dot_general3A = arith.constant dense<0.000000e+00> : vector<512x512xf32>
    %dot_general3A_8 = tpu.matmul %get3A_4, %get3A_7, %dot_general3A {dimension_numbers = #tpu.dot_dimension_numbers<[1], [0], [0], [1], [0, 0, 1, 1], [], []>, transpose_lhs_hint = false} : vector<512x512xf32>, vector<512x512xf32>, vector<512x512xf32> -> vector<512x512xf32>
    %add3A = arith.addf %get3A_1, %dot_general3A_8 : vector<512x512xf32>
    %get3A_9 = arith.constant 0 : index
    %get3A_10 = arith.constant 0 : index
    %get3A_11 = vector.load %arg4[%get3A_9, %get3A_10] : memref<512x512xf32, #tpu.memory_space<vmem>>, vector<512x512xf32>
    %get3A_12 = arith.constant 0 : index
    %get3A_13 = arith.constant 0 : index
    %get3A_14 = vector.load %arg6[%get3A_12, %get3A_13] : memref<512x512xf32, #tpu.memory_space<vmem>>, vector<512x512xf32>
    %dot_general3A_15 = arith.constant dense<0.000000e+00> : vector<512x512xf32>
    %dot_general3A_16 = tpu.matmul %get3A_11, %get3A_14, %dot_general3A_15 {dimension_numbers = #tpu.dot_dimension_numbers<[1], [0], [0], [1], [0, 0, 1, 1], [], []>, transpose_lhs_hint = false} : vector<512x512xf32>, vector<512x512xf32>, vector<512x512xf32> -> vector<512x512xf32>
    %add3A_17 = arith.addf %add3A, %dot_general3A_16 : vector<512x512xf32>
    %tanh3A = math.tanh %add3A_17 : vector<512x512xf32>
    %swap3A = arith.constant 0 : index
    %swap3A_18 = arith.constant 0 : index
    %swap3A_19 = vector.load %arg7[%swap3A, %swap3A_18] : memref<512x512xf32, #tpu.memory_space<vmem>>, vector<512x512xf32>
    tpu.vector_store %arg7[%swap3A, %swap3A_18], %tanh3A {strides = array<i32>} : memref<512x512xf32, #tpu.memory_space<vmem>>, vector<512x512xf32>,
    return
  }
  func.func @transform_1(%arg0: i32) -> (i32, i32) {
    %c0_i32 = arith.constant 0 : i32
    %c0_i32_0 = arith.constant 0 : i32
    return %arg0, %c0_i32 : i32, i32
  }
  func.func @transform_2(%arg0: i32) -> (i32, i32) {
    %c0_i32 = arith.constant 0 : i32
    %c0_i32_0 = arith.constant 0 : i32
    return %arg0, %c0_i32 : i32, i32
  }
  func.func @transform_3(%arg0: i32) -> (i32, i32) {
    %c0_i32 = arith.constant 0 : i32
    %c0_i32_0 = arith.constant 0 : i32
    return %arg0, %c0_i32 : i32, i32
  }
  func.func @transform_4(%arg0: i32) -> (i32, i32) {
    %c0_i32 = arith.constant 0 : i32
    %c0_i32_0 = arith.constant 0 : i32
    %c0_i32_1 = arith.constant 0 : i32
    return %c0_i32, %c0_i32_0 : i32, i32
  }
  func.func @transform_5(%arg0: i32) -> (i32, i32) {
    %c0_i32 = arith.constant 0 : i32
    %c0_i32_0 = arith.constant 0 : i32
    %c0_i32_1 = arith.constant 0 : i32
    return %c0_i32, %c0_i32_0 : i32, i32
  }
  func.func @transform_6(%arg0: i32) -> (i32, i32) {
    %add3A = arith.constant 4 : i32
    %add3A_0 = arith.addi %arg0, %add3A : i32
    %c0_i32 = arith.constant 0 : i32
    %c0_i32_1 = arith.constant 0 : i32
    return %add3A_0, %c0_i32 : i32, i32
  }
}

</mosaic_0001>

<sc_bundles>
// kernel: kernel.11.cloned.1.call-start
scs
__scs_entry_jumppad:
0x0: {  	(pc) =	sbr.rel $0x88, $3  }
0x1: {  	(tag) =	ssettag $0x0;
	lr =	simm.s32 $0x1  }
0x2: {  	[smem:$0x3F96] =	sst lr;
	_ =	strace $0xD0000000  }
0x3: {  	_ = 	snop  }
0x4: {  	_ = 	snop  }
0x5: {  	_ = 	snop  }
0x6: {  	_ = 	snop  }
0x7: {  	_ = 	snop  }
__scs_overlays_trampoline_lowered:
0x8: {  	[smem:$0x3FA5] =	sst s0  }
0x9: {  	[smem:$0x3FA6] =	sst s1  }
0xa: {  	[smem:$0x3FA7] =	sst s2  }
0xb: {  	[smem:$0x3FA8] =	sst s3  }
0xc: {  	[smem:$0x3FA9] =	sst s4  }
0xd: {  	[smem:$0x3FAA] =	sst s5  }
0xe: {  	[smem:$0x3FAB] =	sst s6  }
0xf: {  	[smem:$0x3FAC] =	sst s7  }
0x10: {  	[smem:$0x3FAD] =	sst s8  }
0x11: {  	[smem:$0x3FAE] =	sst s9;
	s0 =	simm.s32 @!p0 $0x0  }
0x12: {  	s1 =	sld [smem:$0x3F94];
	s0 =	simm.s32 @p0 $0x1  }
0x13: {  	[smem:$0x3FAF] =	sst s0;
	s0 =	simm.s32 @!p1 $0x0  }
0x14: {  	s2 =	sld [smem:$0x3F93];
	s0 =	simm.s32 @p1 $0x1  }
0x15: {  	[smem:$0x3FB0] =	sst s0;
	s0 =	simm.s32 @!p2 $0x0  }
0x16: {  	s3 =	sld [smem:$0x3FDB];
	s0 =	simm.s32 @p2 $0x1  }
0x17: {  	s4 =	simm.s32 $0x1BF5;
	[smem:$0x3FB2] =	sst s0  }
0x18: {  	s0 =	sld [smem:$0x3F95];
	_ =	swait.ge [sflag:s4], $0x0  }
0x19: {  	s7 =	sld [smem:$0x3F96]  }
0x1a: {  	s8 =	sadd.s32 $0xFFFFE003, lr  }
0x1b: {  	s9 =	sadd.s32 $0xFFFFFEF7, lr;
	s5 =	simm.s32 $0xFFFFFFFF;
	p2 =	slt.u32 s8, $0xFFFFF086  }
0x1c: {  	p1 =	slt.u32 s9, $0xF7A;
	s5 =	simm.s32 @!p2 $0x0  }
0x1d: {  	s5 =	simm.s32 @p1 $0x1;
	p0 =	seq.s32 s7, s2  }
0x1e: {  	s7 =	smul.u32 @!p0 $0xF7A, s2;
	p2 =	seq.s32 @!p0 s5, $0x0  }
0x1f: {  	s9 =	smul.u32 $0xF7A, s1;
	s8 =	simm.s32 @!p0 $0x1BF5;
	p2 =	por !p2, p0  }
0x20: {  	[sflag:s8] =	ssyncset.s32 @!p0 $0xFFFFF086;
	s6 =	sadd.s32 @!p0 s3, s7;
	s7 =	simm.s32 @!p0 $0x108  }
0x21: {  	s3 =	sadd.s32 s3, s9;
	s6 =	sadd.s32 @!p0 $0x88, s6;
	s7 =	simm.s32 @p2 $0x1082  }
0x22: {  	[simem:s7], [sflag:s8] =	dma.local @!p0 [hbm:s6], $0xF7A  }
0x23: {  	s9 =	sor.u32 $0xD0000000, s2;
	s6 =	simm.s32 $0x108;
	_ =	swait.ge @!p0 [sflag:s8], $0x0  }
0x24: {  	s3 =	sadd.s32 $0x88, s3;
	s6 =	simm.s32 @!p1 $0x1082;
	[sflag:s4] =	ssyncset.s32 $0xFFFFF086  }
0x25: {  	[simem:s6], [sflag:s4] =	dma.local [hbm:s3], $0xF7A  }
0x26: {  	[smem:$0x3F96] =	sst s1;
	(tag) =	ssettag s2;
	_ =	strace s9  }
0x27: {  	s1 =	sld [smem:$0x3FA6]  }
0x28: {  	s2 =	sld [smem:$0x3FA7]  }
0x29: {  	s4 =	sld [smem:$0x3FA9]  }
0x2a: {  	p0 =	seq.s32 s5, $0x0;
	s5 =	sld [smem:$0x3FAA]  }
0x2b: {  	s6 =	sld [smem:$0x3FAB]  }
0x2c: {  	s7 =	sld [smem:$0x3FAC]  }
0x2d: {  	s3 =	simm.s32 $0x108;
	s8 =	sld [smem:$0x3FAD]  }
0x2e: {  	s3 =	simm.s32 @!p0 $0x1082;
	s9 =	sld [smem:$0x3FAE]  }
0x2f: {  	lr =	sadd.s32 s0, s3;
	s0 =	sld [smem:$0x3FA5]  }
0x30: {  	s3 =	sld [smem:$0x3FA8]  }
0x31: {  	[smem:$0x3FB1] =	sst s10  }
0x32: {  	s10 =	sld [smem:$0x3FAF];
	_ =	sdelay $0x3  }
0x33: {  	p0 =	seq.s32 s10, $0x1;
	s10 =	sld [smem:$0x3FB1];
	_ =	sdelay $0x3  }
0x34: {  	[smem:$0x3FB1] =	sst s10  }
0x35: {  	s10 =	sld [smem:$0x3FB0];
	_ =	sdelay $0x3  }
0x36: {  	p1 =	seq.s32 s10, $0x1;
	s10 =	sld [smem:$0x3FB1];
	_ =	sdelay $0x3  }
0x37: {  	[smem:$0x3FB1] =	sst s10  }
0x38: {  	s10 =	sld [smem:$0x3FB2]  }
0x39: {  	_ = 	snop;
	(pc) =	sbr.ind lr, $3  }
0x3a: {  	_ = 	snop  }
0x3b: {  	_ = 	snop  }
0x3c: {  	p2 =	seq.s32 s10, $0x1;
	s10 =	sld [smem:$0x3FB1]  }
0x3d: {  	_ =	shalt  }
0x3e: {  	_ =	shalt  }
0x3f: {  	_ =	shalt  }
0x40: {  	_ =	shalt  }
0x41: {  	_ =	shalt  }
0x42: {  	_ =	shalt  }
0x43: {  	_ =	shalt  }
0x44: {  	_ =	shalt  }
0x45: {  	_ =	shalt  }
0x46: {  	_ =	shalt  }
0x47: {  	_ =	shalt  }
0x48: {  	_ =	shalt  }
0x49: {  	_ =	shalt  }
0x4a: {  	_ =	shalt  }
0x4b: {  	_ =	shalt  }
0x4c: {  	_ =	shalt  }
0x4d: {  	_ =	shalt  }
0x4e: {  	_ =	shalt  }
0x4f: {  	_ =	shalt  }
0x50: {  	_ =	shalt  }
0x51: {  	_ =	shalt  }
0x52: {  	_ =	shalt  }
0x53: {  	_ =	shalt  }
0x54: {  	_ =	shalt  }
0x55: {  	_ =	shalt  }
0x56: {  	_ =	shalt  }
0x57: {  	_ =	shalt  }
0x58: {  	_ =	shalt  }
0x59: {  	_ =	shalt  }
0x5a: {  	_ =	shalt  }
0x5b: {  	_ =	shalt  }
0x5c: {  	_ =	shalt  }
0x5d: {  	_ =	shalt  }
0x5e: {  	_ =	shalt  }
0x5f: {  	_ =	shalt  }
0x60: {  	_ =	shalt  }
0x61: {  	_ =	shalt  }
0x62: {  	_ =	shalt  }
0x63: {  	_ =	shalt  }
0x64: {  	_ =	shalt  }
0x65: {  	_ =	shalt  }
0x66: {  	_ =	shalt  }
0x67: {  	_ =	shalt  }
0x68: {  	_ =	shalt  }
0x69: {  	_ =	shalt  }
0x6a: {  	_ =	shalt  }
0x6b: {  	_ =	shalt  }
0x6c: {  	_ =	shalt  }
0x6d: {  	_ =	shalt  }
0x6e: {  	_ =	shalt  }
0x6f: {  	_ =	shalt  }
0x70: {  	_ =	shalt  }
0x71: {  	_ =	shalt  }
0x72: {  	_ =	shalt  }
0x73: {  	_ =	shalt  }
0x74: {  	_ =	shalt  }
0x75: {  	_ =	shalt  }
0x76: {  	_ =	shalt  }
0x77: {  	_ =	shalt  }
0x78: {  	_ =	shalt  }
0x79: {  	_ =	shalt  }
0x7a: {  	_ =	shalt  }
0x7b: {  	_ =	shalt  }
0x7c: {  	_ =	shalt  }
0x7d: {  	_ =	shalt  }
0x7e: {  	_ =	shalt  }
0x7f: {  	_ =	shalt  }
0x80: {  	_ =	shalt  }
0x81: {  	_ =	shalt  }
0x82: {  	_ =	shalt  }
0x83: {  	_ =	shalt  }
0x84: {  	_ =	shalt  }
0x85: {  	_ =	shalt  }
0x86: {  	_ =	shalt  }
0x87: {  	_ =	shalt  }
.Lfunc_end0:
.L_simem_size_0:
called_computation.1_lowered:
.L_overlay_start_0:
0x88: {  	s2 =	sld [smem:$0x3FD9]  }
0x89: {  	s3 =	sld [smem:$0x3FFE];
	_ =	sdelay $0x1  }
0x8a: {  	s1 =	srdreg.scid  }
0x8b: {  	s0 =	sand.u32 $0x1, s1  }
0x8c: {  	s17 =	sshll.u32 s0, $0xA;
	s2 =	sadd.s32 s3, s2  }
0x8d: {  	s2 =	sadd.s32 s2, s17  }
0x8e: {  	[smem:$0x3FBD] =	sst s2  }
0x8f: {  	_ = 	snop  }
0x90: {  	(tm) =	ssettm $0x1  }
0x91: {  	s18 =	sld [smem:$0x3FFB];
	_ =	sdelay $0x3  }
0x92: {  	_ =	strace s18  }
0x93: {  	s2 =	sld [smem:$0x3FFC];
	_ =	sdelay $0x3  }
0x94: {  	_ =	strace s2  }
0x95: {  	s2 =	sld [smem:$0x3FFD];
	_ =	sdelay $0x3  }
0x96: {  	_ =	strace s2  }
0x97: {  	_ =	strace $0x8FFFFFFF  }
0x98: {  	s19 =	sld [smem:$0x3FDB];
	_ =	sdelay $0x1  }
0x99: {  	s20 =	simm.s32 $_scs_section_size  }
0x9a: {  	s4 =	simm.s32 $_size__tile_overlayer_lowered;
	s5 =	simm.s32 $_tile_overlayer_lowered  }
0x9b: {  	s6 =	simm.s32 $0x1BFF;
	s21 =	sshll.u32 s5, $0x1;
	s3 =	sadd.s32 s20, s19  }
0x9c: {  	s22 =	simm.s32 $0x0;
	s4 =	sshll.u32 s4, $0x1;
	s5 =	sadd.s32 s21, s3  }
0x9d: {  	[timem:s22], [sflag:s6] =	dma.local [hbm:s5], s4  }
0x9e: {  	_ =	swait.ge [sflag:s6], s4  }
0x9f: {  	s4 =	ssub.s32 $0x0, s4;
	[sflag:s6] =	ssyncset.done $0x0  }
0xa0: {  	[sflag:s6] =	ssyncadd.s32 s4;
	_ =	sdelay $0x1  }
0xa1: {  	s23 =	simm.s32 $0x1B8B  }
0xa2: {  	_ =	swait.ge [sflag:s23], $0x1  }
0xa3: {  	[sflag:s23] =	ssyncset.done $0x0  }
0xa4: {  	[sflag:s23] =	ssyncadd.s32 $0xFFFFFFFF  }
0xa5: {  	s4 =	sld [smem:$0x0]  }
0xa6: {  	s5 =	sand.u32 $0xFFFFFFFE, s1  }
0xa7: {  	p0 =	sne.s32 s1, s5  }
0xa8: {  	s5 =	sshll.u32 @p0 s5, $0xE  }
0xa9: {  	s5 =	sadd.s32 @p0 $0x11B8D, s5;
	s6 =	sshll.u32 @p0 s4, $0x11  }
0xaa: {  	s5 =	sor.u32 @p0 s6, s5  }
0xab: {  	[sflag:s5] =	ssyncadd.remote.s32 @p0 $0x1;
	_ =	sdelay $0x1  }
0xac: {  	s5 =	simm.s32 @p0 $0x1B8D  }
0xad: {  	_ =	swait.eq @p0 [sflag:s5], $0x1  }
0xae: {  	[sflag:s5] =	ssyncadd.s32 @p0 $0xFFFFFFFF  }
0xaf: {  	s6 =	sshll.u32 @!p0 s1, $0xE  }
0xb0: {  	s6 =	sor.u32 @!p0 $0x4000, s6;
	s5 =	simm.s32 @!p0 $0x1B8D  }
0xb1: {  	s4 =	sshll.u32 @!p0 s4, $0x11;
	s6 =	sadd.s32 @!p0 $0x11B8D, s6;
	_ =	swait.eq @!p0 [sflag:s5], $0x1  }
0xb2: {  	s4 =	sor.u32 @!p0 s4, s6;
	[sflag:s5] =	ssyncadd.s32 @!p0 $0xFFFFFFFF  }
0xb3: {  	s25 =	simm.s32 $0x1B8E;
	s24 =	sld [smem:$0x3FFE];
	[sflag:s4] =	ssyncadd.remote.s32 @!p0 $0x1  }
0xb4: {  	s26 =	simm.s32 $execute0_lowered;
	[smem:$0x3FD2] =	sst s25  }
0xb5: {  	s5 =	sshll.u32 s26, $0x1;
	_ =	strace $0x80000049;
	[dreg:$0x1] =	wrdreg $0xFFFFFFFF  }
0xb6: {  	s28 =	simm.s32 $_size_execute0_lowered;
	s3 =	sadd.s32 s3, s5;
	[dreg:$0x0] =	wrdreg $0x0  }
0xb7: {  	s5 =	sshll.u32 s28, $0x1;
	[dreg:$0x2] =	wrdreg s3  }
0xb8: {  	[dreg:$0x3] =	wrdreg s5  }
0xb9: {  	[dreg:$0x4] =	wrdreg $0xC0  }
0xba: {  	_ =	task [dreg:s22], $0x5FFFF  }
0xbb: {  	[dreg:$0x1] =	wrdreg $0xFFFFFFFF  }
0xbc: {  	[dreg:$0x0] =	wrdreg $0x60  }
0xbd: {  	[dreg:$0x2] =	wrdreg s24  }
0xbe: {  	[dreg:$0x3] =	wrdreg $0xA  }
0xbf: {  	_ =	task.clear_ibuf [dreg:s22], $0x4FFFF;
	_ =	strace $0x90000049  }
0xc0: {  	s29 =	simm.s32 $0xA;
	_ =	strace $0x8000004B  }
0xc1: {  	_ =	swait.ge [sflag:s29], $0x1  }
0xc2: {  	[sflag:s29] =	ssyncadd.s32 $0xFFFFFFFF  }
0xc3: {  	_ =	strace $0x9000004B  }
0xc4: {  	_ =	sfence  }
0xc5: {  	s30 =	sld [smem:$0x0];
	_ =	sdelay $0x2  }
0xc6: {  	s31 =	sshll.u32 s1, $0xD;
	s1 =	sshrl.u32 s1, $0x2  }
0xc7: {  	s4 =	sand.u32 $0x4000, s31;
	s1 =	sadd.s32 s1, s30  }
0xc8: {  	s0 =	sor.u32 s4, s0;
	s1 =	sshll.u32 s1, $0x11  }
0xc9: {  	s0 =	sor.u32 s1, s0  }
0xca: {  	s0 =	sadd.s32 $0x8F2B, s0  }
0xcb: {  	[sflag:s0] =	ssyncadd.remote.s32 $0x1  }
0xcc: {  	_ =	sfence.sel $0xFFFF  }
0xcd: {  	[dreg:$0x0] =	wrdreg $0xFFFFFFFF;
	(pc) =	sbr.abs _section_cstart, $3  }
0xce: {  	[dreg:$0x1] =	wrdreg $0xFFFFFFFF  }
0xcf: {  	_ =	task.clear_ibuf [dreg:s22], $0x2FFFF;
	_ =	strace $0x9FFFFFFF  }
0xd0: {  	(tm) =	ssettm $0x7FFFFFFF  }
0xd1: {  	_ =	shalt  }
tec
execute0_lowered:
.L_overlay_start_1:
0x0: {  	(tag) =	ssettag $0x1  }
0x1: {  	s0 =	rddreg [dreg:$0x0];
	s2 =	simm.s32 $0x0  }
0x2: {  	s1 =	srdreg.scid;
	s3 =	stileid.u32;
	s28 =	simm.s32 $0x1  }
0x3: {  	s29 =	simm.s32 $0x14200;
	s30 =	simm.s32 $0x15200;
	s31 =	simm.s32 $0x2  }
0x4: {  	[smem:$0x7FF] =	sst s2;
	s1 =	sand.u32 $0x1, s1;
	s3 =	sshll.u32 s3, $0x1  }
0x5: {  	s11 =	simm.s32 $0x4;
	_ =	strace $0x8000004A;
	s6 =	sor.u32 s1, s3  }
0x6: {  	s3 =	sadd.s32 $0x54000, s0;
	s1 =	ssub.s32 $0x2, s1;
	s4 =	sshll.u32 s6, $0x6  }
0x7: {  	s5 =	sshll.u32 s6, $0xA;
	s9 =	sshrl.u32 s1, $0x1;
	s10 =	sshll.u32 s6, $0xC  }
0x8: {  	s6 =	simm.s32 $0x16200;
	s7 =	sadd.s32 s4, s0;
	s8 =	sadd.s32 s5, s0  }
0x9: {  	s4 =	sadd.s32 $0x84800, s0;
	s5 =	sadd.s32 $0xA4800, s0;
	s7 =	sadd.s32 $0x84000, s7  }
0xa: {  	s1 =	ssub.s32 s1, s9;
	s24 =	sadd.s32 $0x7C000, s8;
	[dreg:$0x2] =	wrdreg s7  }
0xb: {  	v2 =	vlaneseq.u32;
	s9 =	sadd.s32 $0x54100, s0;
	s25 =	sadd.s32 $0x74000, s8;
	[dreg:$0x3] =	wrdreg s24  }
0xc: {  	vm0 =	vmmov $0xffff;
	v1 =	vshrl.u32 v2, $0x3;
	s26 =	smax.u32 s1, $0x1;
	s1 =	simm.s32 $0x0;
	[dreg:$0x4] =	wrdreg s25  }
0xd: {  	v0 =	vand.u32 $0x7, v2;
	v2 =	vor.u32 $0x8, v2;
	v1 =	vmul.u32 $0x8, v1;
	[dreg:$0x5] =	wrdreg s26;
	s26 =	simm.s32 $0x13A00;
	s7 =	simm.s32 $0x17200  }
.LBB2_1:
0xe: {  	[dreg:$0x6] =	wrdreg s1  }
0xf: {  	s0 =	rddreg [dreg:$0x2];
	s22 =	simm.s32 $0x5  }
0x10: {  	[tilespmem:s2], [sflag:$0x5] =	stream.linear.gather [hbm4b:s0+s2], $0x200, $0x38;
	[tilespmem:$0x18200] =	vst v63  }
0x11: {  	_ =	swait.ge [sflag:s22], $0x200  }
0x12: {  	[sflag:s22] =	ssyncset.done $0x0  }
0x13: {  	s8 =	simm.s32 $0x200;
	s23 =	rddreg [dreg:$0x3];
	[sflag:s22] =	ssyncadd.s32 $0xFFFFFE00  }
0x14: {  	[tilespmem:s8], [sflag:$0x5] =	stream.linear.gather [hbm4b:s23+s2], $0x2000, $0x38;
	[tilespmem:$0x18200] =	vst v63  }
0x15: {  	_ =	swait.ge [sflag:s22], $0x2000  }
0x16: {  	[sflag:s22] =	ssyncset.done $0x0  }
0x17: {  	s25 =	simm.s32 $0x2200;
	s24 =	rddreg [dreg:$0x4];
	[sflag:s22] =	ssyncadd.s32 $0xFFFFE000  }
0x18: {  	[tilespmem:s25], [sflag:$0x5] =	stream.linear.gather [hbm4b:s24+s2], $0x2000, $0x38;
	[tilespmem:$0x18200] =	vst v63  }
0x19: {  	_ =	swait.ge [sflag:s22], $0x2000  }
0x1a: {  	[sflag:s22] =	ssyncset.done $0x0  }
0x1b: {  	[sflag:s22] =	ssyncadd.s32 $0xFFFFE000  }
0x1c: {  	v3 =	vld [tilespmem:$0x0];
	_ =	sdelay $0x4  }
0x1d: {  	v4 =	vshll.u32 v3, $0x2  }
0x1e: {  	v3 =	vand.u32 $0x7, v3;
	v4 =	vand.u32 $0xFFFFFFE0, v4  }
0x1f: {  	v3 =	vor.u32 v3, v4  }
0x20: {  	v4 =	vperm.xlane v3, v0;
	_ =	sdelay $0x1  }
0x21: {  	v4 =	vadd.s32 v1, v4;
	_ =	sdelay $0x1  }
0x22: {  	v3 =	vperm.xlane v3, v2;
	_ =	sdelay $0x1  }
0x23: {  	s1 =	simm.s32 $0x4200;
	v3 =	vadd.s32 v1, v3  }
0x24: {  	[tilespmem:s1], [sflag:$0x1] =	stream.indirect_vreg.gather [hbm4b:s3+s2], $0x80, v4, vm0, $0xb8;
	[tilespmem:$0x18200] =	vst v63  }
0x25: {  	s8 =	simm.s32 $0x4A00  }
0x26: {  	[tilespmem:s8], [sflag:$0x1] =	stream.indirect_vreg.gather [hbm4b:s9+s2], $0x80, v4, vm0, $0xb8;
	[tilespmem:$0x18200] =	vst v63  }
0x27: {  	s12 =	simm.s32 $0x5200  }
0x28: {  	[tilespmem:s12], [sflag:$0x1] =	stream.indirect_vreg.gather [hbm4b:s3+s2], $0x80, v3, vm0, $0xb8;
	[tilespmem:$0x18200] =	vst v63  }
0x29: {  	s13 =	simm.s32 $0x5A00  }
0x2a: {  	[tilespmem:s13], [sflag:$0x1] =	stream.indirect_vreg.gather [hbm4b:s9+s2], $0x80, v3, vm0, $0xb8;
	[tilespmem:$0x18200] =	vst v63  }
0x2b: {  	v3 =	vld [tilespmem:$0x10];
	_ =	sdelay $0x4  }
0x2c: {  	v61 =	vshll.u32 v3, $0x2  }
0x2d: {  	v3 =	vand.u32 $0x7, v3;
	v4 =	vand.u32 $0xFFFFFFE0, v61  }
0x2e: {  	v3 =	vor.u32 v3, v4  }
0x2f: {  	v4 =	vperm.xlane v3, v0;
	_ =	sdelay $0x1  }
0x30: {  	v4 =	vadd.s32 v1, v4;
	_ =	sdelay $0x1  }
0x31: {  	v3 =	vperm.xlane v3, v2;
	_ =	sdelay $0x1  }
0x32: {  	s14 =	simm.s32 $0x6200;
	v3 =	vadd.s32 v1, v3  }
0x33: {  	[tilespmem:s14], [sflag:$0x1] =	stream.indirect_vreg.gather [hbm4b:s3+s2], $0x80, v4, vm0, $0xb8;
	[tilespmem:$0x18200] =	vst v63  }
0x34: {  	s15 =	simm.s32 $0x6A00  }
0x35: {  	[tilespmem:s15], [sflag:$0x1] =	stream.indirect_vreg.gather [hbm4b:s9+s2], $0x80, v4, vm0, $0xb8;
	[tilespmem:$0x18200] =	vst v63  }
0x36: {  	s16 =	simm.s32 $0x7200  }
0x37: {  	[tilespmem:s16], [sflag:$0x1] =	stream.indirect_vreg.gather [hbm4b:s3+s2], $0x80, v3, vm0, $0xb8;
	[tilespmem:$0x18200] =	vst v63  }
0x38: {  	s17 =	simm.s32 $0x7A00  }
0x39: {  	[tilespmem:s17], [sflag:$0x1] =	stream.indirect_vreg.gather [hbm4b:s9+s2], $0x80, v3, vm0, $0xb8;
	[tilespmem:$0x18200] =	vst v63  }
0x3a: {  	v3 =	vld [tilespmem:$0x20];
	_ =	sdelay $0x4  }
0x3b: {  	v62 =	vshll.u32 v3, $0x2  }
0x3c: {  	v3 =	vand.u32 $0x7, v3;
	v4 =	vand.u32 $0xFFFFFFE0, v62  }
0x3d: {  	v3 =	vor.u32 v3, v4  }
0x3e: {  	v4 =	vperm.xlane v3, v0;
	_ =	sdelay $0x1  }
0x3f: {  	v4 =	vadd.s32 v1, v4;
	_ =	sdelay $0x1  }
0x40: {  	v3 =	vperm.xlane v3, v2;
	_ =	sdelay $0x1  }
0x41: {  	s18 =	simm.s32 $0x8200;
	v3 =	vadd.s32 v1, v3  }
0x42: {  	[tilespmem:s18], [sflag:$0x1] =	stream.indirect_vreg.gather [hbm4b:s3+s2], $0x80, v4, vm0, $0xb8;
	[tilespmem:$0x18200] =	vst v63  }
0x43: {  	s19 =	simm.s32 $0x8A00  }
0x44: {  	[tilespmem:s19], [sflag:$0x1] =	stream.indirect_vreg.gather [hbm4b:s9+s2], $0x80, v4, vm0, $0xb8;
	[tilespmem:$0x18200] =	vst v63  }
0x45: {  	s20 =	simm.s32 $0x9200  }
0x46: {  	[tilespmem:s20], [sflag:$0x1] =	stream.indirect_vreg.gather [hbm4b:s3+s2], $0x80, v3, vm0, $0xb8;
	[tilespmem:$0x18200] =	vst v63  }
0x47: {  	s21 =	simm.s32 $0x9A00  }
0x48: {  	[tilespmem:s21], [sflag:$0x1] =	stream.indirect_vreg.gather [hbm4b:s9+s2], $0x80, v3, vm0, $0xb8;
	[tilespmem:$0x18200] =	vst v63  }
0x49: {  	v3 =	vld [tilespmem:$0x30];
	_ =	sdelay $0x4  }
0x4a: {  	v63 =	vshll.u32 v3, $0x2  }
0x4b: {  	v3 =	vand.u32 $0x7, v3;
	v4 =	vand.u32 $0xFFFFFFE0, v63  }
0x4c: {  	v3 =	vor.u32 v3, v4  }
0x4d: {  	v4 =	vperm.xlane v3, v0;
	_ =	sdelay $0x1  }
0x4e: {  	v4 =	vadd.s32 v1, v4;
	_ =	sdelay $0x1  }
0x4f: {  	v3 =	vperm.xlane v3, v2;
	_ =	sdelay $0x1  }
0x50: {  	s22 =	simm.s32 $0xA200;
	v3 =	vadd.s32 v1, v3  }
0x51: {  	[tilespmem:s22], [sflag:$0x1] =	stream.indirect_vreg.gather [hbm4b:s3+s2], $0x80, v4, vm0, $0xb8;
	[tilespmem:$0x18200] =	vst v63  }
0x52: {  	s23 =	simm.s32 $0xAA00  }
0x53: {  	[tilespmem:s23], [sflag:$0x1] =	stream.indirect_vreg.gather [hbm4b:s9+s2], $0x80, v4, vm0, $0xb8;
	[tilespmem:$0x18200] =	vst v63  }
0x54: {  	s24 =	simm.s32 $0xB200  }
0x55: {  	[tilespmem:s24], [sflag:$0x1] =	stream.indirect_vreg.gather [hbm4b:s3+s2], $0x80, v3, vm0, $0xb8;
	[tilespmem:$0x18200] =	vst v63  }
0x56: {  	s25 =	simm.s32 $0xBA00;
	s12 =	simm.s32 $0x0  }
0x57: {  	[tilespmem:s25], [sflag:$0x1] =	stream.indirect_vreg.gather [hbm4b:s9+s2], $0x80, v3, vm0, $0xb8;
	[tilespmem:$0x18200] =	vst v63  }
.LBB2_2:
0x58: {  	s8 =	sshllo.u32 s12, $0x1  }
0x59: {  	s0 =	sshll.u32 s8, $0x6  }
0x5a: {  	s0 =	sand.u32 $0x3FFFFFC0, s0  }
0x5b: {  	v3 =	vld [tilespmem:s0+$0x0];
	_ =	sdelay $0x4  }
0x5c: {  	v4 =	vshll.u32 v3, $0x2  }
0x5d: {  	v3 =	vand.u32 $0x7, v3;
	v4 =	vand.u32 $0xFFFFFFE0, v4  }
0x5e: {  	v3 =	vor.u32 v3, v4  }
0x5f: {  	v4 =	vperm.xlane v3, v0;
	_ =	sdelay $0x1  }
0x60: {  	v4 =	vadd.s32 v1, v4;
	_ =	sdelay $0x1  }
0x61: {  	v3 =	vperm.xlane v3, v2;
	_ =	sdelay $0x1  }
0x62: {  	s1 =	simm.s32 $0xC200;
	v3 =	vadd.s32 v1, v3  }
0x63: {  	[tilespmem:s1], [sflag:$0x2] =	stream.indirect_vreg.gather [hbm4b:s3+s2], $0x80, v4, vm0, $0xb8;
	[tilespmem:$0x18200] =	vst v63  }
0x64: {  	s24 =	simm.s32 $0xCA00  }
0x65: {  	[tilespmem:s24], [sflag:$0x2] =	stream.indirect_vreg.gather [hbm4b:s9+s2], $0x80, v4, vm0, $0xb8;
	[tilespmem:$0x18200] =	vst v63  }
0x66: {  	s25 =	simm.s32 $0xD200  }
0x67: {  	[tilespmem:s25], [sflag:$0x2] =	stream.indirect_vreg.gather [hbm4b:s3+s2], $0x80, v3, vm0, $0xb8;
	[tilespmem:$0x18200] =	vst v63  }
0x68: {  	s13 =	simm.s32 $0xDA00  }
0x69: {  	[tilespmem:s13], [sflag:$0x2] =	stream.indirect_vreg.gather [hbm4b:s9+s2], $0x80, v3, vm0, $0xb8;
	[tilespmem:$0x18200] =	vst v63  }
0x6a: {  	v3 =	vld [tilespmem:s0+$0x10];
	_ =	sdelay $0x4  }
0x6b: {  	v4 =	vshll.u32 v3, $0x2  }
0x6c: {  	v3 =	vand.u32 $0x7, v3;
	v4 =	vand.u32 $0xFFFFFFE0, v4  }
0x6d: {  	v3 =	vor.u32 v3, v4  }
0x6e: {  	v4 =	vperm.xlane v3, v0;
	_ =	sdelay $0x1  }
0x6f: {  	v4 =	vadd.s32 v1, v4;
	_ =	sdelay $0x1  }
0x70: {  	v3 =	vperm.xlane v3, v2;
	_ =	sdelay $0x1  }
0x71: {  	s14 =	simm.s32 $0xE200;
	v3 =	vadd.s32 v1, v3  }
0x72: {  	[tilespmem:s14], [sflag:$0x2] =	stream.indirect_vreg.gather [hbm4b:s3+s2], $0x80, v4, vm0, $0xb8;
	[tilespmem:$0x18200] =	vst v63  }
0x73: {  	s15 =	simm.s32 $0xEA00  }
0x74: {  	[tilespmem:s15], [sflag:$0x2] =	stream.indirect_vreg.gather [hbm4b:s9+s2], $0x80, v4, vm0, $0xb8;
	[tilespmem:$0x18200] =	vst v63  }
0x75: {  	s16 =	simm.s32 $0xF200  }
0x76: {  	[tilespmem:s16], [sflag:$0x2] =	stream.indirect_vreg.gather [hbm4b:s3+s2], $0x80, v3, vm0, $0xb8;
	[tilespmem:$0x18200] =	vst v63  }
0x77: {  	s17 =	simm.s32 $0xFA00  }
0x78: {  	[tilespmem:s17], [sflag:$0x2] =	stream.indirect_vreg.gather [hbm4b:s9+s2], $0x80, v3, vm0, $0xb8;
	[tilespmem:$0x18200] =	vst v63  }
0x79: {  	v3 =	vld [tilespmem:s0+$0x20];
	_ =	sdelay $0x4  }
0x7a: {  	v4 =	vshll.u32 v3, $0x2  }
0x7b: {  	v3 =	vand.u32 $0x7, v3;
	v4 =	vand.u32 $0xFFFFFFE0, v4  }
0x7c: {  	v3 =	vor.u32 v3, v4  }
0x7d: {  	v4 =	vperm.xlane v3, v0;
	_ =	sdelay $0x1  }
0x7e: {  	v4 =	vadd.s32 v1, v4;
	_ =	sdelay $0x1  }
0x7f: {  	v3 =	vperm.xlane v3, v2;
	_ =	sdelay $0x1  }
0x80: {  	s18 =	simm.s32 $0x10200;
	v3 =	vadd.s32 v1, v3  }
0x81: {  	[tilespmem:s18], [sflag:$0x2] =	stream.indirect_vreg.gather [hbm4b:s3+s2], $0x80, v4, vm0, $0xb8;
	[tilespmem:$0x18200] =	vst v63  }
0x82: {  	s19 =	simm.s32 $0x10A00  }
0x83: {  	[tilespmem:s19], [sflag:$0x2] =	stream.indirect_vreg.gather [hbm4b:s9+s2], $0x80, v4, vm0, $0xb8;
	[tilespmem:$0x18200] =	vst v63  }
0x84: {  	s20 =	simm.s32 $0x11200  }
0x85: {  	[tilespmem:s20], [sflag:$0x2] =	stream.indirect_vreg.gather [hbm4b:s3+s2], $0x80, v3, vm0, $0xb8;
	[tilespmem:$0x18200] =	vst v63  }
0x86: {  	s21 =	simm.s32 $0x11A00  }
0x87: {  	[tilespmem:s21], [sflag:$0x2] =	stream.indirect_vreg.gather [hbm4b:s9+s2], $0x80, v3, vm0, $0xb8;
	[tilespmem:$0x18200] =	vst v63  }
0x88: {  	v3 =	vld [tilespmem:s0+$0x30];
	_ =	sdelay $0x4  }
0x89: {  	v4 =	vshll.u32 v3, $0x2  }
0x8a: {  	v3 =	vand.u32 $0x7, v3;
	v4 =	vand.u32 $0xFFFFFFE0, v4  }
0x8b: {  	v3 =	vor.u32 v3, v4  }
0x8c: {  	v4 =	vperm.xlane v3, v0;
	_ =	sdelay $0x1  }
0x8d: {  	v4 =	vadd.s32 v1, v4;
	_ =	sdelay $0x1  }
0x8e: {  	v3 =	vperm.xlane v3, v2;
	_ =	sdelay $0x1  }
0x8f: {  	s22 =	simm.s32 $0x12200;
	v3 =	vadd.s32 v1, v3  }
0x90: {  	[tilespmem:s22], [sflag:$0x2] =	stream.indirect_vreg.gather [hbm4b:s3+s2], $0x80, v4, vm0, $0xb8;
	[tilespmem:$0x18200] =	vst v63  }
0x91: {  	s23 =	simm.s32 $0x12A00  }
0x92: {  	[tilespmem:s23], [sflag:$0x2] =	stream.indirect_vreg.gather [hbm4b:s9+s2], $0x80, v4, vm0, $0xb8;
	[tilespmem:$0x18200] =	vst v63  }
0x93: {  	p0 =	seq.s32 s12, $0x0;
	s24 =	simm.s32 $0x13200  }
0x94: {  	[tilespmem:s24], [sflag:$0x2] =	stream.indirect_vreg.gather [hbm4b:s3+s2], $0x80, v3, vm0, $0xb8;
	[tilespmem:$0x18200] =	vst v63  }
0x95: {  	s0 =	simm.s32 @!p0 $0x3  }
0x96: {  	[tilespmem:s26], [sflag:$0x2] =	stream.indirect_vreg.gather [hbm4b:s9+s2], $0x80, v3, vm0, $0xb8;
	[tilespmem:$0x18200] =	vst v63  }
0x97: {  	_ =	swait.ge @!p0 [sflag:s0], $0x1000  }
0x98: {  	[sflag:s0] =	ssyncset.done @!p0 $0x0  }
0x99: {  	[sflag:s0] =	ssyncadd.s32 @!p0 $0xFFFFF000  }
0x9a: {  	_ =	swait.ge @!p0 [sflag:s0], $0x1000  }
0x9b: {  	[sflag:s0] =	ssyncset.done @!p0 $0x0  }
0x9c: {  	[sflag:s0] =	ssyncadd.s32 @!p0 $0xFFFFF000  }
0x9d: {  	_ =	swait.ge [sflag:s28], $0x8000  }
0x9e: {  	s25 =	sshll.u32 s12, $0xB;
	[sflag:s28] =	ssyncset.done $0x0  }
0x9f: {  	s1 =	simm.s32 $0x0;
	v3 =	vmov s25;
	s0 =	simm.s32 $0x0;
	[sflag:s28] =	ssyncadd.s32 $0xFFFF8000  }
.LBB2_3:
0xa0: {  	_ =	sdelay $0x2  }
0xa1: {  	s13 =	sshll.u32 s1, $0x7  }
0xa2: {  	v5 =	vld.idx.msk [tilespmem:v3+s13+$0x200 ss:$0x1], $0xffff  }
0xa3: {  	v7 =	vld.idx.msk [tilespmem:v3+s13+$0x210 ss:$0x1], $0xffff  }
0xa4: {  	v8 =	vld.idx.msk [tilespmem:v3+s13+$0x220 ss:$0x1], $0xffff  }
0xa5: {  	v10 =	vld.idx.msk [tilespmem:v3+s13+$0x230 ss:$0x1], $0xffff  }
0xa6: {  	s14 =	sshll.u32 s1, $0xC;
	v11 =	vld.idx.msk [tilespmem:v3+s13+$0x240 ss:$0x1], $0xffff  }
0xa7: {  	v9 =	vld.idx.msk [tilespmem:v3+s13+$0x250 ss:$0x1], $0xffff;
	s14 =	sand.u32 $0x3FFFF000, s14  }
0xa8: {  	s15 =	sand.u32 $0xC00, s0;
	v6 =	vld.idx.msk [tilespmem:v3+s13+$0x260 ss:$0x1], $0xffff;
	s14 =	sadd.s32 $0x4200, s14  }
0xa9: {  	s16 =	sand.u32 $0x60, s0;
	v4 =	vld.idx.msk [tilespmem:v3+s13+$0x270 ss:$0x1], $0xffff;
	s17 =	sadd.s32 s15, s14  }
0xaa: {  	v12 =	vld.idx.msk [tilespmem:v3+s13+$0x2200 ss:$0x1], $0xffff;
	s18 =	sadd.s32 s16, s17  }
0xab: {  	v16 =	vld [tilespmem:s18+$0x0]  }
0xac: {  	v17 =	vld [tilespmem:s18+$0x80]  }
0xad: {  	v13 =	vld.idx.msk [tilespmem:v3+s13+$0x2210 ss:$0x1], $0xffff  }
0xae: {  	v18 =	vld [tilespmem:s18+$0x100]  }
0xaf: {  	v14 =	vld.idx.msk [tilespmem:v3+s13+$0x2220 ss:$0x1], $0xffff  }
0xb0: {  	v19 =	vld [tilespmem:s18+$0x180]  }
0xb1: {  	v15 =	vld.idx.msk [tilespmem:v3+s13+$0x2230 ss:$0x1], $0xffff;
	v20 =	vmul.f32 v16, v5;
	v21 =	vmul.f32 v17, v7  }
0xb2: {  	v23 =	vld [tilespmem:s18+$0x200];
	v22 =	vmul.f32 v16, v12;
	v17 =	vmul.f32 v17, v13  }
0xb3: {  	v16 =	vld.idx.msk [tilespmem:v3+s13+$0x2240 ss:$0x1], $0xffff;
	v20 =	vadd.f32 v21, v20;
	v21 =	vmul.f32 v18, v8  }
0xb4: {  	v24 =	vld [tilespmem:s18+$0x280];
	v22 =	vadd.f32 v17, v22;
	v18 =	vmul.f32 v18, v14  }
0xb5: {  	v17 =	vld.idx.msk [tilespmem:v3+s13+$0x2250 ss:$0x1], $0xffff;
	v20 =	vadd.f32 v21, v20;
	v21 =	vmul.f32 v19, v10  }
0xb6: {  	v25 =	vld [tilespmem:s18+$0x300];
	v22 =	vadd.f32 v18, v22;
	v19 =	vmul.f32 v19, v15  }
0xb7: {  	v26 =	vmul.f32 v23, v11;
	v18 =	vld.idx.msk [tilespmem:v3+s13+$0x2260 ss:$0x1], $0xffff;
	v20 =	vadd.f32 v21, v20  }
0xb8: {  	v21 =	vmul.f32 v23, v16;
	v22 =	vadd.f32 v19, v22;
	v23 =	vld [tilespmem:s18+$0x380]  }
0xb9: {  	v19 =	vld.idx.msk [tilespmem:v3+s13+$0x2270 ss:$0x1], $0xffff;
	v20 =	vadd.f32 v26, v20;
	v26 =	vmul.f32 v24, v9  }
0xba: {  	v21 =	vadd.f32 v21, v22;
	v22 =	vmul.f32 v24, v17  }
0xbb: {  	v24 =	vmul.f32 v25, v6;
	v20 =	vadd.f32 v26, v20  }
0xbc: {  	v21 =	vadd.f32 v22, v21;
	v22 =	vmul.f32 v25, v18  }
0xbd: {  	v20 =	vadd.f32 v24, v20;
	v24 =	vmul.f32 v23, v4  }
0xbe: {  	v21 =	vadd.f32 v22, v21;
	v22 =	vmul.f32 v23, v19  }
0xbf: {  	s15 =	sor.u32 s13, s15;
	v20 =	vadd.f32 v24, v20  }
0xc0: {  	s24 =	sor.u32 s16, s15;
	v21 =	vadd.f32 v22, v21  }
0xc1: {  	s16 =	sor.u32 $0x10, s16;
	[tilespmem:s24+$0x14200] =	vst v20  }
0xc2: {  	s25 =	sadd.s32 s16, s17;
	[tilespmem:s24+$0x15200] =	vst v21  }
0xc3: {  	v20 =	vld [tilespmem:s25+$0x0]  }
0xc4: {  	v21 =	vld [tilespmem:s25+$0x80];
	_ =	sdelay $0x1  }
0xc5: {  	v22 =	vld [tilespmem:s25+$0x100];
	_ =	sdelay $0x1  }
0xc6: {  	v24 =	vld [tilespmem:s25+$0x180]  }
0xc7: {  	v23 =	vmul.f32 v20, v5;
	v25 =	vmul.f32 v21, v7  }
0xc8: {  	v28 =	vld [tilespmem:s25+$0x200];
	v20 =	vmul.f32 v20, v12;
	v21 =	vmul.f32 v21, v13  }
0xc9: {  	v23 =	vadd.f32 v25, v23;
	v25 =	vmul.f32 v22, v8  }
0xca: {  	v26 =	vmul.f32 v22, v14;
	v21 =	vadd.f32 v21, v20;
	v22 =	vld [tilespmem:s25+$0x280]  }
0xcb: {  	v29 =	vmul.f32 v24, v10;
	v27 =	vadd.f32 v25, v23  }
0xcc: {  	v23 =	vadd.f32 v26, v21;
	v25 =	vmul.f32 v24, v15;
	v21 =	vld [tilespmem:s25+$0x300]  }
0xcd: {  	s19 =	simm.s32 $0x0;
	s17 =	simm.s32 $0x0;
	s18 =	simm.s32 $0x0;
	v20 =	vld [tilespmem:s25+$0x380];
	v24 =	vmul.f32 v28, v16;
	v26 =	vadd.f32 v29, v27;
	v27 =	vmul.f32 v28, v11  }
.LBB2_4:
0xce: {  	s17 =	sadd.s32 $0x2, s17;
	v23 =	vadd.f32 v25, v23;
	s18 =	sadd.s32 $0x100, s18;
	s19 =	sadd.s32 $0x20, s19  }
0xcf: {  	p0 =	slt.u32 s17, $0x1E;
	v25 =	vadd.f32 v27, v26;
	v26 =	vmul.f32 v22, v9  }
0xd0: {  	s22 =	sand.u32 $0xC00, s18;
	v22 =	vmul.f32 v22, v17;
	v23 =	vadd.f32 v24, v23  }
0xd1: {  	s21 =	sand.u32 $0x60, s19;
	s20 =	sadd.s32 s22, s14;
	s22 =	sor.u32 s13, s22;
	v24 =	vadd.f32 v26, v25;
	v25 =	vmul.f32 v21, v6  }
0xd2: {  	s24 =	sor.u32 $0x10, s21;
	s23 =	sadd.s32 s21, s20;
	v21 =	vmul.f32 v21, v18;
	v22 =	vadd.f32 v22, v23  }
0xd3: {  	v23 =	vadd.f32 v25, v24;
	v24 =	vmul.f32 v20, v4  }
0xd4: {  	v20 =	vmul.f32 v20, v19;
	v21 =	vadd.f32 v21, v22  }
0xd5: {  	v22 =	vadd.f32 v24, v23  }
0xd6: {  	s25 =	sor.u32 s16, s15;
	s15 =	smov.u32 s22;
	s16 =	smov.u32 s24;
	v20 =	vadd.f32 v20, v21  }
0xd7: {  	[tilespmem:s25+$0x14200] =	vst v22  }
0xd8: {  	[tilespmem:s25+$0x15200] =	vst v20  }
0xd9: {  	v20 =	vld [tilespmem:s23+$0x0]  }
0xda: {  	v21 =	vld [tilespmem:s23+$0x80];
	_ =	sdelay $0x1  }
0xdb: {  	v22 =	vld [tilespmem:s23+$0x100]  }
0xdc: {  	v23 =	vld [tilespmem:s23+$0x180]  }
0xdd: {  	v24 =	vmul.f32 v20, v5;
	v20 =	vmul.f32 v20, v12;
	v25 =	vld [tilespmem:s23+$0x200]  }
0xde: {  	v26 =	vmul.f32 v21, v7;
	v21 =	vmul.f32 v21, v13;
	_ =	sdelay $0x1  }
0xdf: {  	v24 =	vadd.f32 v26, v24;
	v20 =	vadd.f32 v21, v20;
	v21 =	vmul.f32 v22, v8  }
0xe0: {  	v22 =	vmul.f32 v22, v14;
	v26 =	vld [tilespmem:s23+$0x280]  }
0xe1: {  	v21 =	vadd.f32 v21, v24;
	v24 =	vmul.f32 v23, v10  }
0xe2: {  	v20 =	vadd.f32 v22, v20;
	v22 =	vmul.f32 v23, v15;
	v23 =	vmul.f32 v25, v11;
	v27 =	vld [tilespmem:s23+$0x300]  }
0xe3: {  	v21 =	vadd.f32 v24, v21;
	v24 =	vmul.f32 v25, v16  }
0xe4: {  	v20 =	vadd.f32 v22, v20;
	v22 =	vld [tilespmem:s23+$0x380]  }
0xe5: {  	v21 =	vadd.f32 v23, v21;
	v23 =	vmul.f32 v26, v9  }
0xe6: {  	v20 =	vadd.f32 v24, v20;
	v24 =	vmul.f32 v26, v17  }
0xe7: {  	v21 =	vadd.f32 v23, v21;
	v23 =	vmul.f32 v27, v6  }
0xe8: {  	v20 =	vadd.f32 v24, v20;
	v24 =	vmul.f32 v27, v18  }
0xe9: {  	v21 =	vadd.f32 v23, v21;
	v23 =	vmul.f32 v22, v4  }
0xea: {  	v20 =	vadd.f32 v24, v20;
	v22 =	vmul.f32 v22, v19  }
0xeb: {  	v21 =	vadd.f32 v23, v21  }
0xec: {  	s21 =	sor.u32 s21, s15;
	v20 =	vadd.f32 v22, v20  }
0xed: {  	[tilespmem:s21+$0x14200] =	vst v21  }
0xee: {  	s20 =	sadd.s32 s16, s20;
	[tilespmem:s21+$0x15200] =	vst v20  }
0xef: {  	v21 =	vld [tilespmem:s20+$0x0]  }
0xf0: {  	v22 =	vld [tilespmem:s20+$0x80]  }
0xf1: {  	v20 =	vld [tilespmem:s20+$0x380]  }
0xf2: {  	v23 =	vld [tilespmem:s20+$0x100];
	_ =	sdelay $0x1  }
0xf3: {  	v24 =	vmul.f32 v21, v5;
	v21 =	vmul.f32 v21, v12;
	v25 =	vld [tilespmem:s20+$0x180]  }
0xf4: {  	v26 =	vmul.f32 v22, v7;
	v22 =	vmul.f32 v22, v13  }
0xf5: {  	v28 =	vld [tilespmem:s20+$0x200]  }
.Ltmp0:
0xf6: {  	v24 =	vadd.f32 v26, v24;
	v21 =	vadd.f32 v22, v21;
	v26 =	vmul.f32 v23, v8;
	(pc) =	sbr.rel @p0 .LBB2_4-.Ltmp0, $4  }
0xf7: {  	v23 =	vmul.f32 v23, v14;
	v22 =	vld [tilespmem:s20+$0x280]  }
0xf8: {  	v24 =	vadd.f32 v26, v24;
	v26 =	vmul.f32 v25, v10  }
0xf9: {  	v23 =	vadd.f32 v23, v21;
	v25 =	vmul.f32 v25, v15;
	v21 =	vld [tilespmem:s20+$0x300]  }
0xfa: {  	v26 =	vadd.f32 v26, v24;
	v27 =	vmul.f32 v28, v11;
	v24 =	vmul.f32 v28, v16  }
0xfb: {  	v5 =	vadd.f32 v25, v23  }
0xfc: {  	v7 =	vadd.f32 v27, v26;
	v8 =	vmul.f32 v22, v9  }
0xfd: {  	v61 =	vmul.f32 v22, v17;
	v5 =	vadd.f32 v24, v5  }
0xfe: {  	v7 =	vadd.f32 v8, v7;
	v6 =	vmul.f32 v21, v6  }
0xff: {  	s1 =	sadd.s32 $0x1, s1;
	v62 =	vmul.f32 v21, v18;
	v5 =	vadd.f32 v61, v5  }
0x100: {  	v4 =	vmul.f32 v20, v4;
	p0 =	sne.s32 s1, $0x8;
	v6 =	vadd.f32 v6, v7  }
.Ltmp1:
0x101: {  	v63 =	vmul.f32 v20, v19;
	v5 =	vadd.f32 v62, v5;
	(pc) =	sbr.rel @p0 .LBB2_3-.Ltmp1, $4  }
0x102: {  	v4 =	vadd.f32 v4, v6  }
0x103: {  	s13 =	sor.u32 s16, s15;
	v5 =	vadd.f32 v63, v5  }
0x104: {  	[tilespmem:s13+$0x14200] =	vst v4  }
0x105: {  	[tilespmem:s13+$0x15200] =	vst v5  }
0x106: {  	s0 =	sshll.u32 s12, $0xA  }
0x107: {  	s0 =	sadd.s32 s10, s0  }
0x108: {  	s1 =	sadd.s32 s4, s0  }
0x109: {  	[hbm4b:s1+s2] =	stream.linear.scatter [tilespmem:s29], [sflag:$0x3], $0x1000, $0x38;
	[tilespmem:$0x18200] =	vst v63  }
0x10a: {  	p0 =	seq.s32 s12, $0x3;
	s0 =	sadd.s32 s5, s0  }
0x10b: {  	[hbm4b:s0+s2] =	stream.linear.scatter [tilespmem:s30], [sflag:$0x3], $0x1000, $0x38;
	[tilespmem:$0x18200] =	vst v63  }
0x10c: {  	s0 =	sshll.u32 @!p0 s12, $0x7  }
0x10d: {  	s0 =	sand.u32 @!p0 $0x3FFFFF80, s0  }
0x10e: {  	v3 =	vld @!p0 [tilespmem:s0+$0x80];
	_ =	sdelay $0x4  }
0x10f: {  	v4 =	vshll.u32 @!p0 v3, $0x2  }
0x110: {  	v5 =	vlaneseq.u32 @!p0;
	v3 =	vand.u32 @!p0 $0x7, v3;
	v4 =	vand.u32 @!p0 $0xFFFFFFE0, v4  }
0x111: {  	v6 =	vshrl.u32 @!p0 v5, $0x3;
	v3 =	vor.u32 @!p0 v3, v4;
	v4 =	vand.u32 @!p0 $0x7, v5  }
0x112: {  	v6 =	vmul.u32 @!p0 $0x8, v6;
	v7 =	vperm.xlane @!p0 v3, v4;
	_ =	sdelay $0x1  }
0x113: {  	v7 =	vadd.s32 @!p0 v6, v7  }
0x114: {  	v5 =	vor.u32 @!p0 $0x8, v5  }
0x115: {  	v3 =	vperm.xlane @!p0 v3, v5;
	_ =	sdelay $0x1  }
0x116: {  	vm1 =	vmmov @!p0 $0xffff;
	s13 =	simm.s32 @!p0 $0x4200;
	s1 =	simm.s32 @!p0 $0x0;
	v3 =	vadd.s32 @!p0 v6, v3  }
0x117: {  	[tilespmem:s13], [sflag:$0x1] =	stream.indirect_vreg.gather @!p0 [hbm4b:s3+s1], $0x80, v7, vm1, $0xb8;
	[tilespmem:$0x18200] =	vst v63  }
0x118: {  	s13 =	simm.s32 @!p0 $0x4A00  }
0x119: {  	[tilespmem:s13], [sflag:$0x1] =	stream.indirect_vreg.gather @!p0 [hbm4b:s9+s1], $0x80, v7, vm1, $0xb8;
	[tilespmem:$0x18200] =	vst v63  }
0x11a: {  	s13 =	simm.s32 @!p0 $0x5200  }
0x11b: {  	[tilespmem:s13], [sflag:$0x1] =	stream.indirect_vreg.gather @!p0 [hbm4b:s3+s1], $0x80, v3, vm1, $0xb8;
	[tilespmem:$0x18200] =	vst v63  }
0x11c: {  	s13 =	simm.s32 @!p0 $0x5A00  }
0x11d: {  	[tilespmem:s13], [sflag:$0x1] =	stream.indirect_vreg.gather @!p0 [hbm4b:s9+s1], $0x80, v3, vm1, $0xb8;
	[tilespmem:$0x18200] =	vst v63  }
0x11e: {  	v3 =	vld @!p0 [tilespmem:s0+$0x90];
	_ =	sdelay $0x4  }
0x11f: {  	v7 =	vshll.u32 @!p0 v3, $0x2  }
0x120: {  	v3 =	vand.u32 @!p0 $0x7, v3;
	v7 =	vand.u32 @!p0 $0xFFFFFFE0, v7  }
0x121: {  	v3 =	vor.u32 @!p0 v3, v7  }
0x122: {  	v7 =	vperm.xlane @!p0 v3, v4;
	_ =	sdelay $0x1  }
0x123: {  	v7 =	vadd.s32 @!p0 v6, v7;
	_ =	sdelay $0x1  }
0x124: {  	v3 =	vperm.xlane @!p0 v3, v5;
	_ =	sdelay $0x1  }
0x125: {  	s13 =	simm.s32 @!p0 $0x6200;
	v3 =	vadd.s32 @!p0 v6, v3  }
0x126: {  	[tilespmem:s13], [sflag:$0x1] =	stream.indirect_vreg.gather @!p0 [hbm4b:s3+s1], $0x80, v7, vm1, $0xb8;
	[tilespmem:$0x18200] =	vst v63  }
0x127: {  	s13 =	simm.s32 @!p0 $0x6A00  }
0x128: {  	[tilespmem:s13], [sflag:$0x1] =	stream.indirect_vreg.gather @!p0 [hbm4b:s9+s1], $0x80, v7, vm1, $0xb8;
	[tilespmem:$0x18200] =	vst v63  }
0x129: {  	s13 =	simm.s32 @!p0 $0x7200  }
0x12a: {  	[tilespmem:s13], [sflag:$0x1] =	stream.indirect_vreg.gather @!p0 [hbm4b:s3+s1], $0x80, v3, vm1, $0xb8;
	[tilespmem:$0x18200] =	vst v63  }
0x12b: {  	s13 =	simm.s32 @!p0 $0x7A00  }
0x12c: {  	[tilespmem:s13], [sflag:$0x1] =	stream.indirect_vreg.gather @!p0 [hbm4b:s9+s1], $0x80, v3, vm1, $0xb8;
	[tilespmem:$0x18200] =	vst v63  }
0x12d: {  	v3 =	vld @!p0 [tilespmem:s0+$0xA0];
	_ =	sdelay $0x4  }
0x12e: {  	v7 =	vshll.u32 @!p0 v3, $0x2  }
0x12f: {  	v3 =	vand.u32 @!p0 $0x7, v3;
	v7 =	vand.u32 @!p0 $0xFFFFFFE0, v7  }
0x130: {  	v3 =	vor.u32 @!p0 v3, v7  }
0x131: {  	v7 =	vperm.xlane @!p0 v3, v4;
	_ =	sdelay $0x1  }
0x132: {  	v7 =	vadd.s32 @!p0 v6, v7;
	_ =	sdelay $0x1  }
0x133: {  	v3 =	vperm.xlane @!p0 v3, v5;
	_ =	sdelay $0x1  }
0x134: {  	s13 =	simm.s32 @!p0 $0x8200;
	v3 =	vadd.s32 @!p0 v6, v3  }
0x135: {  	[tilespmem:s13], [sflag:$0x1] =	stream.indirect_vreg.gather @!p0 [hbm4b:s3+s1], $0x80, v7, vm1, $0xb8;
	[tilespmem:$0x18200] =	vst v63  }
0x136: {  	s13 =	simm.s32 @!p0 $0x8A00  }
0x137: {  	[tilespmem:s13], [sflag:$0x1] =	stream.indirect_vreg.gather @!p0 [hbm4b:s9+s1], $0x80, v7, vm1, $0xb8;
	[tilespmem:$0x18200] =	vst v63  }
0x138: {  	s13 =	simm.s32 @!p0 $0x9200  }
0x139: {  	[tilespmem:s13], [sflag:$0x1] =	stream.indirect_vreg.gather @!p0 [hbm4b:s3+s1], $0x80, v3, vm1, $0xb8;
	[tilespmem:$0x18200] =	vst v63  }
0x13a: {  	s13 =	simm.s32 @!p0 $0x9A00  }
0x13b: {  	[tilespmem:s13], [sflag:$0x1] =	stream.indirect_vreg.gather @!p0 [hbm4b:s9+s1], $0x80, v3, vm1, $0xb8;
	[tilespmem:$0x18200] =	vst v63  }
0x13c: {  	v3 =	vld @!p0 [tilespmem:s0+$0xB0];
	_ =	sdelay $0x4  }
0x13d: {  	v7 =	vshll.u32 @!p0 v3, $0x2  }
0x13e: {  	v3 =	vand.u32 @!p0 $0x7, v3;
	v7 =	vand.u32 @!p0 $0xFFFFFFE0, v7  }
0x13f: {  	v3 =	vor.u32 @!p0 v3, v7  }
0x140: {  	v4 =	vperm.xlane @!p0 v3, v4;
	_ =	sdelay $0x1  }
0x141: {  	v4 =	vadd.s32 @!p0 v6, v4;
	_ =	sdelay $0x1  }
0x142: {  	v3 =	vperm.xlane @!p0 v3, v5;
	_ =	sdelay $0x1  }
0x143: {  	s0 =	simm.s32 @!p0 $0xA200;
	v3 =	vadd.s32 @!p0 v6, v3  }
0x144: {  	[tilespmem:s0], [sflag:$0x1] =	stream.indirect_vreg.gather @!p0 [hbm4b:s3+s1], $0x80, v4, vm1, $0xb8;
	[tilespmem:$0x18200] =	vst v63  }
0x145: {  	s0 =	simm.s32 @!p0 $0xAA00  }
0x146: {  	[tilespmem:s0], [sflag:$0x1] =	stream.indirect_vreg.gather @!p0 [hbm4b:s9+s1], $0x80, v4, vm1, $0xb8;
	[tilespmem:$0x18200] =	vst v63  }
0x147: {  	s0 =	simm.s32 @!p0 $0xB200  }
0x148: {  	[tilespmem:s0], [sflag:$0x1] =	stream.indirect_vreg.gather @!p0 [hbm4b:s3+s1], $0x80, v3, vm1, $0xb8;
	[tilespmem:$0x18200] =	vst v63  }
0x149: {  	p1 =	seq.s32 @!p0 s12, $0x0;
	s0 =	simm.s32 @!p0 $0xBA00  }
0x14a: {  	[tilespmem:s0], [sflag:$0x1] =	stream.indirect_vreg.gather @!p0 [hbm4b:s9+s1], $0x80, v3, vm1, $0xb8;
	[tilespmem:$0x18200] =	vst v63  }
0x14b: {  	p0 =	por p0, !p1  }
0x14c: {  	_ =	swait.ge @p0 [sflag:s11], $0x1000  }
0x14d: {  	[sflag:s11] =	ssyncset.done @p0 $0x0  }
0x14e: {  	[sflag:s11] =	ssyncadd.s32 @p0 $0xFFFFF000  }
0x14f: {  	_ =	swait.ge @p0 [sflag:s11], $0x1000  }
0x150: {  	[sflag:s11] =	ssyncset.done @p0 $0x0  }
0x151: {  	[sflag:s11] =	ssyncadd.s32 @p0 $0xFFFFF000  }
0x152: {  	_ =	swait.ge [sflag:s31], $0x8000  }
0x153: {  	s25 =	sshll.u32 s8, $0xA;
	[sflag:s31] =	ssyncset.done $0x0  }
0x154: {  	s0 =	simm.s32 $0x0;
	v3 =	vmov s25;
	s1 =	simm.s32 $0x0;
	[sflag:s31] =	ssyncadd.s32 $0xFFFF8000  }
.LBB2_7:
0x155: {  	_ =	sdelay $0x2  }
0x156: {  	s13 =	sshll.u32 s1, $0x7  }
0x157: {  	v5 =	vld.idx.msk [tilespmem:v3+s13+$0x200 ss:$0x1], $0xffff  }
0x158: {  	v7 =	vld.idx.msk [tilespmem:v3+s13+$0x210 ss:$0x1], $0xffff  }
0x159: {  	v8 =	vld.idx.msk [tilespmem:v3+s13+$0x220 ss:$0x1], $0xffff  }
0x15a: {  	v10 =	vld.idx.msk [tilespmem:v3+s13+$0x230 ss:$0x1], $0xffff  }
0x15b: {  	s14 =	sshll.u32 s1, $0xC;
	v11 =	vld.idx.msk [tilespmem:v3+s13+$0x240 ss:$0x1], $0xffff  }
0x15c: {  	v9 =	vld.idx.msk [tilespmem:v3+s13+$0x250 ss:$0x1], $0xffff;
	s14 =	sand.u32 $0x3FFFF000, s14  }
0x15d: {  	s15 =	sand.u32 $0xC00, s0;
	v6 =	vld.idx.msk [tilespmem:v3+s13+$0x260 ss:$0x1], $0xffff;
	s14 =	sadd.s32 $0xC200, s14  }
0x15e: {  	s16 =	sand.u32 $0x60, s0;
	v4 =	vld.idx.msk [tilespmem:v3+s13+$0x270 ss:$0x1], $0xffff;
	s17 =	sadd.s32 s15, s14  }
0x15f: {  	v12 =	vld.idx.msk [tilespmem:v3+s13+$0x2200 ss:$0x1], $0xffff;
	s18 =	sadd.s32 s16, s17  }
0x160: {  	v16 =	vld [tilespmem:s18+$0x0]  }
0x161: {  	v17 =	vld [tilespmem:s18+$0x80]  }
0x162: {  	v13 =	vld.idx.msk [tilespmem:v3+s13+$0x2210 ss:$0x1], $0xffff  }
0x163: {  	v18 =	vld [tilespmem:s18+$0x100]  }
0x164: {  	v14 =	vld.idx.msk [tilespmem:v3+s13+$0x2220 ss:$0x1], $0xffff  }
0x165: {  	v19 =	vld [tilespmem:s18+$0x180]  }
0x166: {  	v15 =	vld.idx.msk [tilespmem:v3+s13+$0x2230 ss:$0x1], $0xffff;
	v20 =	vmul.f32 v16, v5;
	v21 =	vmul.f32 v17, v7  }
0x167: {  	v23 =	vld [tilespmem:s18+$0x200];
	v22 =	vmul.f32 v16, v12;
	v17 =	vmul.f32 v17, v13  }
0x168: {  	v16 =	vld.idx.msk [tilespmem:v3+s13+$0x2240 ss:$0x1], $0xffff;
	v20 =	vadd.f32 v21, v20;
	v21 =	vmul.f32 v18, v8  }
0x169: {  	v24 =	vld [tilespmem:s18+$0x280];
	v22 =	vadd.f32 v17, v22;
	v18 =	vmul.f32 v18, v14  }
0x16a: {  	v17 =	vld.idx.msk [tilespmem:v3+s13+$0x2250 ss:$0x1], $0xffff;
	v20 =	vadd.f32 v21, v20;
	v21 =	vmul.f32 v19, v10  }
0x16b: {  	v25 =	vld [tilespmem:s18+$0x300];
	v22 =	vadd.f32 v18, v22;
	v19 =	vmul.f32 v19, v15  }
0x16c: {  	v26 =	vmul.f32 v23, v11;
	v18 =	vld.idx.msk [tilespmem:v3+s13+$0x2260 ss:$0x1], $0xffff;
	v20 =	vadd.f32 v21, v20  }
0x16d: {  	v21 =	vmul.f32 v23, v16;
	v22 =	vadd.f32 v19, v22;
	v23 =	vld [tilespmem:s18+$0x380]  }
0x16e: {  	v19 =	vld.idx.msk [tilespmem:v3+s13+$0x2270 ss:$0x1], $0xffff;
	v20 =	vadd.f32 v26, v20;
	v26 =	vmul.f32 v24, v9  }
0x16f: {  	v21 =	vadd.f32 v21, v22;
	v22 =	vmul.f32 v24, v17  }
0x170: {  	v24 =	vmul.f32 v25, v6;
	v20 =	vadd.f32 v26, v20  }
0x171: {  	v21 =	vadd.f32 v22, v21;
	v22 =	vmul.f32 v25, v18  }
0x172: {  	v20 =	vadd.f32 v24, v20;
	v24 =	vmul.f32 v23, v4  }
0x173: {  	v21 =	vadd.f32 v22, v21;
	v22 =	vmul.f32 v23, v19  }
0x174: {  	s15 =	sor.u32 s13, s15;
	v20 =	vadd.f32 v24, v20  }
0x175: {  	s24 =	sor.u32 s16, s15;
	v21 =	vadd.f32 v22, v21  }
0x176: {  	s16 =	sor.u32 $0x10, s16;
	[tilespmem:s24+$0x16200] =	vst v20  }
0x177: {  	s25 =	sadd.s32 s16, s17;
	[tilespmem:s24+$0x17200] =	vst v21  }
0x178: {  	v20 =	vld [tilespmem:s25+$0x0]  }
0x179: {  	v21 =	vld [tilespmem:s25+$0x80];
	_ =	sdelay $0x1  }
0x17a: {  	v22 =	vld [tilespmem:s25+$0x100];
	_ =	sdelay $0x1  }
0x17b: {  	v24 =	vld [tilespmem:s25+$0x180]  }
0x17c: {  	v23 =	vmul.f32 v20, v5;
	v25 =	vmul.f32 v21, v7  }
0x17d: {  	v28 =	vld [tilespmem:s25+$0x200];
	v20 =	vmul.f32 v20, v12;
	v21 =	vmul.f32 v21, v13  }
0x17e: {  	v23 =	vadd.f32 v25, v23;
	v25 =	vmul.f32 v22, v8  }
0x17f: {  	v26 =	vmul.f32 v22, v14;
	v21 =	vadd.f32 v21, v20;
	v22 =	vld [tilespmem:s25+$0x280]  }
0x180: {  	v29 =	vmul.f32 v24, v10;
	v27 =	vadd.f32 v25, v23  }
0x181: {  	v23 =	vadd.f32 v26, v21;
	v25 =	vmul.f32 v24, v15;
	v21 =	vld [tilespmem:s25+$0x300]  }
0x182: {  	s19 =	simm.s32 $0x0;
	s17 =	simm.s32 $0x0;
	s18 =	simm.s32 $0x0;
	v20 =	vld [tilespmem:s25+$0x380];
	v24 =	vmul.f32 v28, v16;
	v26 =	vadd.f32 v29, v27;
	v27 =	vmul.f32 v28, v11  }
.LBB2_8:
0x183: {  	s17 =	sadd.s32 $0x2, s17;
	v23 =	vadd.f32 v25, v23;
	s18 =	sadd.s32 $0x100, s18;
	s19 =	sadd.s32 $0x20, s19  }
0x184: {  	p0 =	slt.u32 s17, $0x1E;
	v25 =	vadd.f32 v27, v26;
	v26 =	vmul.f32 v22, v9  }
0x185: {  	s22 =	sand.u32 $0xC00, s18;
	v22 =	vmul.f32 v22, v17;
	v23 =	vadd.f32 v24, v23  }
0x186: {  	s21 =	sand.u32 $0x60, s19;
	s20 =	sadd.s32 s22, s14;
	s22 =	sor.u32 s13, s22;
	v24 =	vadd.f32 v26, v25;
	v25 =	vmul.f32 v21, v6  }
0x187: {  	s24 =	sor.u32 $0x10, s21;
	s23 =	sadd.s32 s21, s20;
	v21 =	vmul.f32 v21, v18;
	v22 =	vadd.f32 v22, v23  }
0x188: {  	v23 =	vadd.f32 v25, v24;
	v24 =	vmul.f32 v20, v4  }
0x189: {  	v20 =	vmul.f32 v20, v19;
	v21 =	vadd.f32 v21, v22  }
0x18a: {  	v22 =	vadd.f32 v24, v23  }
0x18b: {  	s25 =	sor.u32 s16, s15;
	s15 =	smov.u32 s22;
	s16 =	smov.u32 s24;
	v20 =	vadd.f32 v20, v21  }
0x18c: {  	[tilespmem:s25+$0x16200] =	vst v22  }
0x18d: {  	[tilespmem:s25+$0x17200] =	vst v20  }
0x18e: {  	v20 =	vld [tilespmem:s23+$0x0]  }
0x18f: {  	v21 =	vld [tilespmem:s23+$0x80];
	_ =	sdelay $0x1  }
0x190: {  	v22 =	vld [tilespmem:s23+$0x100]  }
0x191: {  	v23 =	vld [tilespmem:s23+$0x180]  }
0x192: {  	v24 =	vmul.f32 v20, v5;
	v20 =	vmul.f32 v20, v12;
	v25 =	vld [tilespmem:s23+$0x200]  }
0x193: {  	v26 =	vmul.f32 v21, v7;
	v21 =	vmul.f32 v21, v13;
	_ =	sdelay $0x1  }
0x194: {  	v24 =	vadd.f32 v26, v24;
	v20 =	vadd.f32 v21, v20;
	v21 =	vmul.f32 v22, v8  }
0x195: {  	v22 =	vmul.f32 v22, v14;
	v26 =	vld [tilespmem:s23+$0x280]  }
0x196: {  	v21 =	vadd.f32 v21, v24;
	v24 =	vmul.f32 v23, v10  }
0x197: {  	v20 =	vadd.f32 v22, v20;
	v22 =	vmul.f32 v23, v15;
	v23 =	vmul.f32 v25, v11;
	v27 =	vld [tilespmem:s23+$0x300]  }
0x198: {  	v21 =	vadd.f32 v24, v21;
	v24 =	vmul.f32 v25, v16  }
0x199: {  	v20 =	vadd.f32 v22, v20;
	v22 =	vld [tilespmem:s23+$0x380]  }
0x19a: {  	v21 =	vadd.f32 v23, v21;
	v23 =	vmul.f32 v26, v9  }
0x19b: {  	v20 =	vadd.f32 v24, v20;
	v24 =	vmul.f32 v26, v17  }
0x19c: {  	v21 =	vadd.f32 v23, v21;
	v23 =	vmul.f32 v27, v6  }
0x19d: {  	v20 =	vadd.f32 v24, v20;
	v24 =	vmul.f32 v27, v18  }
0x19e: {  	v21 =	vadd.f32 v23, v21;
	v23 =	vmul.f32 v22, v4  }
0x19f: {  	v20 =	vadd.f32 v24, v20;
	v22 =	vmul.f32 v22, v19  }
0x1a0: {  	v21 =	vadd.f32 v23, v21  }
0x1a1: {  	s21 =	sor.u32 s21, s15;
	v20 =	vadd.f32 v22, v20  }
0x1a2: {  	[tilespmem:s21+$0x16200] =	vst v21  }
0x1a3: {  	s20 =	sadd.s32 s16, s20;
	[tilespmem:s21+$0x17200] =	vst v20  }
0x1a4: {  	v21 =	vld [tilespmem:s20+$0x0]  }
0x1a5: {  	v22 =	vld [tilespmem:s20+$0x80]  }
0x1a6: {  	v20 =	vld [tilespmem:s20+$0x380]  }
0x1a7: {  	v23 =	vld [tilespmem:s20+$0x100];
	_ =	sdelay $0x1  }
0x1a8: {  	v24 =	vmul.f32 v21, v5;
	v21 =	vmul.f32 v21, v12;
	v25 =	vld [tilespmem:s20+$0x180]  }
0x1a9: {  	v26 =	vmul.f32 v22, v7;
	v22 =	vmul.f32 v22, v13  }
0x1aa: {  	v28 =	vld [tilespmem:s20+$0x200]  }
.Ltmp2:
0x1ab: {  	v24 =	vadd.f32 v26, v24;
	v21 =	vadd.f32 v22, v21;
	v26 =	vmul.f32 v23, v8;
	(pc) =	sbr.rel @p0 .LBB2_8-.Ltmp2, $4  }
0x1ac: {  	v23 =	vmul.f32 v23, v14;
	v22 =	vld [tilespmem:s20+$0x280]  }
0x1ad: {  	v24 =	vadd.f32 v26, v24;
	v26 =	vmul.f32 v25, v10  }
0x1ae: {  	v23 =	vadd.f32 v23, v21;
	v25 =	vmul.f32 v25, v15;
	v21 =	vld [tilespmem:s20+$0x300]  }
0x1af: {  	v26 =	vadd.f32 v26, v24;
	v27 =	vmul.f32 v28, v11;
	v24 =	vmul.f32 v28, v16  }
0x1b0: {  	v5 =	vadd.f32 v25, v23  }
0x1b1: {  	v7 =	vadd.f32 v27, v26;
	v8 =	vmul.f32 v22, v9  }
0x1b2: {  	v61 =	vmul.f32 v22, v17;
	v5 =	vadd.f32 v24, v5  }
0x1b3: {  	v7 =	vadd.f32 v8, v7;
	v6 =	vmul.f32 v21, v6  }
0x1b4: {  	s1 =	sadd.s32 $0x1, s1;
	v62 =	vmul.f32 v21, v18;
	v5 =	vadd.f32 v61, v5  }
0x1b5: {  	v4 =	vmul.f32 v20, v4;
	p0 =	sne.s32 s1, $0x8;
	v6 =	vadd.f32 v6, v7  }
.Ltmp3:
0x1b6: {  	v63 =	vmul.f32 v20, v19;
	v5 =	vadd.f32 v62, v5;
	(pc) =	sbr.rel @p0 .LBB2_7-.Ltmp3, $4  }
0x1b7: {  	v4 =	vadd.f32 v4, v6  }
0x1b8: {  	s13 =	sor.u32 s16, s15;
	v5 =	vadd.f32 v63, v5  }
0x1b9: {  	[tilespmem:s13+$0x16200] =	vst v4  }
0x1ba: {  	[tilespmem:s13+$0x17200] =	vst v5  }
0x1bb: {  	s12 =	sadd.s32 $0x1, s12  }
0x1bc: {  	s0 =	sshll.u32 s8, $0x9;
	p0 =	sne.s32 s12, $0x4  }
.Ltmp4:
0x1bd: {  	s0 =	sadd.s32 s10, s0;
	(pc) =	sbr.rel @p0 .LBB2_2-.Ltmp4, $4  }
0x1be: {  	s1 =	sadd.s32 s4, s0  }
0x1bf: {  	[hbm4b:s1+s2] =	stream.linear.scatter [tilespmem:s6], [sflag:$0x4], $0x1000, $0x38;
	[tilespmem:$0x18200] =	vst v63  }
0x1c0: {  	s0 =	sadd.s32 s5, s0  }
0x1c1: {  	[hbm4b:s0+s2] =	stream.linear.scatter [tilespmem:s7], [sflag:$0x4], $0x1000, $0x38;
	[tilespmem:$0x18200] =	vst v63  }
0x1c2: {  	s0 =	simm.s32 $0x3  }
0x1c3: {  	_ =	swait.ge [sflag:s0], $0x1000  }
0x1c4: {  	[sflag:s0] =	ssyncset.done $0x0  }
0x1c5: {  	[sflag:s0] =	ssyncadd.s32 $0xFFFFF000  }
0x1c6: {  	_ =	swait.ge [sflag:s0], $0x1000  }
0x1c7: {  	[sflag:s0] =	ssyncset.done $0x0  }
0x1c8: {  	[sflag:s0] =	ssyncadd.s32 $0xFFFFF000  }
0x1c9: {  	_ =	swait.ge [sflag:s11], $0x1000  }
0x1ca: {  	[sflag:s11] =	ssyncset.done $0x0  }
0x1cb: {  	[sflag:s11] =	ssyncadd.s32 $0xFFFFF000  }
0x1cc: {  	_ =	swait.ge [sflag:s11], $0x1000  }
0x1cd: {  	s1 =	rddreg [dreg:$0x6]  }
0x1ce: {  	s25 =	rddreg [dreg:$0x5];
	s1 =	sadd.s32 $0x1, s1  }
0x1cf: {  	p0 =	sne.s32 s1, s25  }
.Ltmp5:
0x1d0: {  	_ = 	snop;
	(pc) =	sbr.rel @p0 .LBB2_1-.Ltmp5, $3  }
0x1d1: {  	_ =	sdelay $0x1  }
0x1d2: {  	[sflag:s11] =	ssyncset.done $0x0  }
0x1d3: {  	[sflag:s11] =	ssyncadd.s32 $0xFFFFF000  }
0x1d4: {  	_ =	sfence.sel $0x180000  }
0x1d5: {  	[bflag:$0x0] =	sbarrier.arrive $0xFFFF  }
0x1d6: {  	_ =	strace $0x9000004A  }
0x1d7: {  	s0 =	stileid.u32;
	[bflag:$0x2] =	sbarrier.arrive $0xFFFF  }
0x1d8: {  	p0 =	sne.s32 s0, $0x0;
	s0 =	rddreg [dreg:$0x1]  }
0x1d9: {  	s0 =	sadd.s32 @!p0 $0x100000, s0  }
0x1da: {  	[sflag:s0] =	ssyncadd.tile.s32 @!p0 $0x1;
	_ =	shalt  }
.Lfunc_end2:
_tile_overlayer_lowered:
.L_overlay_start_2:
0x1db: {  	(tag) =	ssettag $0x2  }
0x1dc: {  	s0 =	rddreg [dreg:$0x0];
	s2 =	stileid.u32  }
0x1dd: {  	s1 =	rddreg [dreg:$0x1];
	p0 =	sne.s32 s2, $0x0  }
0x1de: {  	s3 =	rddreg [dreg:$0x2];
	[bflag:$0x3] =	sbarrier.arrive $0xFFFF;
	s2 =	simm.s32 @!p0 $0x1C05  }
0x1df: {  	[timem:s3], [sflag:s2] =	dma.local @!p0 [hbm:s0], s1  }
0x1e0: {  	s0 =	simm.s32 @!p0 $0x5  }
0x1e1: {  	_ =	swait.ge @!p0 [sflag:s0], s1  }
0x1e2: {  	s1 =	ssub.s32 @!p0 $0x0, s1;
	[sflag:s0] =	ssyncset.done @!p0 $0x0  }
0x1e3: {  	[sflag:s0] =	ssyncadd.s32 @!p0 s1  }
0x1e4: {  	[bflag:$0x3] =	sbarrier.arrive $0xFFFF  }
0x1e5: {  	_ =	shalt  }

// kernel: kernel.8.cloned.1.call-start
scs
__scs_entry_jumppad:
0x0: {  	(pc) =	sbr.rel $0x88, $3  }
0x1: {  	(tag) =	ssettag $0x0;
	lr =	simm.s32 $0x1  }
0x2: {  	[smem:$0x3F96] =	sst lr;
	_ =	strace $0xD0000000  }
0x3: {  	_ = 	snop  }
0x4: {  	_ = 	snop  }
0x5: {  	_ = 	snop  }
0x6: {  	_ = 	snop  }
0x7: {  	_ = 	snop  }
__scs_overlays_trampoline_lowered:
0x8: {  	[smem:$0x3FA5] =	sst s0  }
0x9: {  	[smem:$0x3FA6] =	sst s1  }
0xa: {  	[smem:$0x3FA7] =	sst s2  }
0xb: {  	[smem:$0x3FA8] =	sst s3  }
0xc: {  	[smem:$0x3FA9] =	sst s4  }
0xd: {  	[smem:$0x3FAA] =	sst s5  }
0xe: {  	[smem:$0x3FAB] =	sst s6  }
0xf: {  	[smem:$0x3FAC] =	sst s7  }
0x10: {  	[smem:$0x3FAD] =	sst s8  }
0x11: {  	[smem:$0x3FAE] =	sst s9;
	s0 =	simm.s32 @!p0 $0x0  }
0x12: {  	s1 =	sld [smem:$0x3F94];
	s0 =	simm.s32 @p0 $0x1  }
0x13: {  	[smem:$0x3FAF] =	sst s0;
	s0 =	simm.s32 @!p1 $0x0  }
0x14: {  	s2 =	sld [smem:$0x3F93];
	s0 =	simm.s32 @p1 $0x1  }
0x15: {  	[smem:$0x3FB0] =	sst s0;
	s0 =	simm.s32 @!p2 $0x0  }
0x16: {  	s3 =	sld [smem:$0x3FDB];
	s0 =	simm.s32 @p2 $0x1  }
0x17: {  	s4 =	simm.s32 $0x1BF5;
	[smem:$0x3FB2] =	sst s0  }
0x18: {  	s0 =	sld [smem:$0x3F95];
	_ =	swait.ge [sflag:s4], $0x0  }
0x19: {  	s7 =	sld [smem:$0x3F96]  }
0x1a: {  	s8 =	sadd.s32 $0xFFFFE003, lr  }
0x1b: {  	s9 =	sadd.s32 $0xFFFFFEF7, lr;
	s5 =	simm.s32 $0xFFFFFFFF;
	p2 =	slt.u32 s8, $0xFFFFF086  }
0x1c: {  	p1 =	slt.u32 s9, $0xF7A;
	s5 =	simm.s32 @!p2 $0x0  }
0x1d: {  	s5 =	simm.s32 @p1 $0x1;
	p0 =	seq.s32 s7, s2  }
0x1e: {  	s7 =	smul.u32 @!p0 $0xF7A, s2;
	p2 =	seq.s32 @!p0 s5, $0x0  }
0x1f: {  	s9 =	smul.u32 $0xF7A, s1;
	s8 =	simm.s32 @!p0 $0x1BF5;
	p2 =	por !p2, p0  }
0x20: {  	[sflag:s8] =	ssyncset.s32 @!p0 $0xFFFFF086;
	s6 =	sadd.s32 @!p0 s3, s7;
	s7 =	simm.s32 @!p0 $0x108  }
0x21: {  	s3 =	sadd.s32 s3, s9;
	s6 =	sadd.s32 @!p0 $0x88, s6;
	s7 =	simm.s32 @p2 $0x1082  }
0x22: {  	[simem:s7], [sflag:s8] =	dma.local @!p0 [hbm:s6], $0xF7A  }
0x23: {  	s9 =	sor.u32 $0xD0000000, s2;
	s6 =	simm.s32 $0x108;
	_ =	swait.ge @!p0 [sflag:s8], $0x0  }
0x24: {  	s3 =	sadd.s32 $0x88, s3;
	s6 =	simm.s32 @!p1 $0x1082;
	[sflag:s4] =	ssyncset.s32 $0xFFFFF086  }
0x25: {  	[simem:s6], [sflag:s4] =	dma.local [hbm:s3], $0xF7A  }
0x26: {  	[smem:$0x3F96] =	sst s1;
	(tag) =	ssettag s2;
	_ =	strace s9  }
0x27: {  	s1 =	sld [smem:$0x3FA6]  }
0x28: {  	s2 =	sld [smem:$0x3FA7]  }
0x29: {  	s4 =	sld [smem:$0x3FA9]  }
0x2a: {  	p0 =	seq.s32 s5, $0x0;
	s5 =	sld [smem:$0x3FAA]  }
0x2b: {  	s6 =	sld [smem:$0x3FAB]  }
0x2c: {  	s7 =	sld [smem:$0x3FAC]  }
0x2d: {  	s3 =	simm.s32 $0x108;
	s8 =	sld [smem:$0x3FAD]  }
0x2e: {  	s3 =	simm.s32 @!p0 $0x1082;
	s9 =	sld [smem:$0x3FAE]  }
0x2f: {  	lr =	sadd.s32 s0, s3;
	s0 =	sld [smem:$0x3FA5]  }
0x30: {  	s3 =	sld [smem:$0x3FA8]  }
0x31: {  	[smem:$0x3FB1] =	sst s10  }
0x32: {  	s10 =	sld [smem:$0x3FAF];
	_ =	sdelay $0x3  }
0x33: {  	p0 =	seq.s32 s10, $0x1;
	s10 =	sld [smem:$0x3FB1];
	_ =	sdelay $0x3  }
0x34: {  	[smem:$0x3FB1] =	sst s10  }
0x35: {  	s10 =	sld [smem:$0x3FB0];
	_ =	sdelay $0x3  }
0x36: {  	p1 =	seq.s32 s10, $0x1;
	s10 =	sld [smem:$0x3FB1];
	_ =	sdelay $0x3  }
0x37: {  	[smem:$0x3FB1] =	sst s10  }
0x38: {  	s10 =	sld [smem:$0x3FB2]  }
0x39: {  	_ = 	snop;
	(pc) =	sbr.ind lr, $3  }
0x3a: {  	_ = 	snop  }
0x3b: {  	_ = 	snop  }
0x3c: {  	p2 =	seq.s32 s10, $0x1;
	s10 =	sld [smem:$0x3FB1]  }
0x3d: {  	_ =	shalt  }
0x3e: {  	_ =	shalt  }
0x3f: {  	_ =	shalt  }
0x40: {  	_ =	shalt  }
0x41: {  	_ =	shalt  }
0x42: {  	_ =	shalt  }
0x43: {  	_ =	shalt  }
0x44: {  	_ =	shalt  }
0x45: {  	_ =	shalt  }
0x46: {  	_ =	shalt  }
0x47: {  	_ =	shalt  }
0x48: {  	_ =	shalt  }
0x49: {  	_ =	shalt  }
0x4a: {  	_ =	shalt  }
0x4b: {  	_ =	shalt  }
0x4c: {  	_ =	shalt  }
0x4d: {  	_ =	shalt  }
0x4e: {  	_ =	shalt  }
0x4f: {  	_ =	shalt  }
0x50: {  	_ =	shalt  }
0x51: {  	_ =	shalt  }
0x52: {  	_ =	shalt  }
0x53: {  	_ =	shalt  }
0x54: {  	_ =	shalt  }
0x55: {  	_ =	shalt  }
0x56: {  	_ =	shalt  }
0x57: {  	_ =	shalt  }
0x58: {  	_ =	shalt  }
0x59: {  	_ =	shalt  }
0x5a: {  	_ =	shalt  }
0x5b: {  	_ =	shalt  }
0x5c: {  	_ =	shalt  }
0x5d: {  	_ =	shalt  }
0x5e: {  	_ =	shalt  }
0x5f: {  	_ =	shalt  }
0x60: {  	_ =	shalt  }
0x61: {  	_ =	shalt  }
0x62: {  	_ =	shalt  }
0x63: {  	_ =	shalt  }
0x64: {  	_ =	shalt  }
0x65: {  	_ =	shalt  }
0x66: {  	_ =	shalt  }
0x67: {  	_ =	shalt  }
0x68: {  	_ =	shalt  }
0x69: {  	_ =	shalt  }
0x6a: {  	_ =	shalt  }
0x6b: {  	_ =	shalt  }
0x6c: {  	_ =	shalt  }
0x6d: {  	_ =	shalt  }
0x6e: {  	_ =	shalt  }
0x6f: {  	_ =	shalt  }
0x70: {  	_ =	shalt  }
0x71: {  	_ =	shalt  }
0x72: {  	_ =	shalt  }
0x73: {  	_ =	shalt  }
0x74: {  	_ =	shalt  }
0x75: {  	_ =	shalt  }
0x76: {  	_ =	shalt  }
0x77: {  	_ =	shalt  }
0x78: {  	_ =	shalt  }
0x79: {  	_ =	shalt  }
0x7a: {  	_ =	shalt  }
0x7b: {  	_ =	shalt  }
0x7c: {  	_ =	shalt  }
0x7d: {  	_ =	shalt  }
0x7e: {  	_ =	shalt  }
0x7f: {  	_ =	shalt  }
0x80: {  	_ =	shalt  }
0x81: {  	_ =	shalt  }
0x82: {  	_ =	shalt  }
0x83: {  	_ =	shalt  }
0x84: {  	_ =	shalt  }
0x85: {  	_ =	shalt  }
0x86: {  	_ =	shalt  }
0x87: {  	_ =	shalt  }
.Lfunc_end0:
.L_simem_size_0:
called_computation_lowered:
.L_overlay_start_0:
0x88: {  	s2 =	sld [smem:$0x3FD9]  }
0x89: {  	s3 =	sld [smem:$0x3FFE];
	_ =	sdelay $0x1  }
0x8a: {  	s1 =	srdreg.scid  }
0x8b: {  	s0 =	sand.u32 $0x1, s1  }
0x8c: {  	s17 =	sshll.u32 s0, $0xA;
	s2 =	sadd.s32 s3, s2  }
0x8d: {  	s2 =	sadd.s32 s2, s17  }
0x8e: {  	[smem:$0x3FBD] =	sst s2  }
0x8f: {  	_ = 	snop  }
0x90: {  	s2 =	sld [smem:$0x3FD0];
	(tm) =	ssettm $0x1  }
0x91: {  	s18 =	sld [smem:$0x3FFB];
	_ =	sdelay $0x3  }
0x92: {  	_ =	strace s18  }
0x93: {  	s3 =	sld [smem:$0x3FFC];
	_ =	sdelay $0x3  }
0x94: {  	_ =	strace s3  }
0x95: {  	s3 =	sld [smem:$0x3FFD];
	_ =	sdelay $0x3  }
0x96: {  	_ =	strace s3  }
0x97: {  	_ =	strace $0x8FFFFFFF  }
0x98: {  	s19 =	sld [smem:$0x3FDB];
	_ =	sdelay $0x1  }
0x99: {  	s4 =	simm.s32 $_scs_section_size  }
0x9a: {  	s5 =	simm.s32 $_size__tile_overlayer_lowered;
	s6 =	simm.s32 $_tile_overlayer_lowered  }
0x9b: {  	s22 =	simm.s32 $0x1BFF;
	s21 =	sshll.u32 s6, $0x1;
	s3 =	sadd.s32 s4, s19  }
0x9c: {  	s7 =	simm.s32 $0x0;
	s20 =	sshll.u32 s5, $0x1;
	s5 =	sadd.s32 s21, s3  }
0x9d: {  	[timem:s7], [sflag:s22] =	dma.local [hbm:s5], s20  }
0x9e: {  	_ =	swait.ge [sflag:s22], s20  }
0x9f: {  	s4 =	ssub.s32 $0x0, s20;
	[sflag:s22] =	ssyncset.done $0x0  }
0xa0: {  	[sflag:s22] =	ssyncadd.s32 s4;
	_ =	sdelay $0x1  }
0xa1: {  	s23 =	simm.s32 $0x1B8B  }
0xa2: {  	_ =	swait.ge [sflag:s23], $0x1  }
0xa3: {  	[sflag:s23] =	ssyncset.done $0x0  }
0xa4: {  	s25 =	simm.s32 $0x1B8E;
	s24 =	sld [smem:$0x3FFE];
	[sflag:s23] =	ssyncadd.s32 $0xFFFFFFFF  }
0xa5: {  	s26 =	simm.s32 $execute0_lowered;
	[smem:$0x3FD2] =	sst s25  }
0xa6: {  	s5 =	sshll.u32 s26, $0x1;
	_ =	strace $0x80000046;
	[dreg:$0x1] =	wrdreg $0xFFFFFFFF  }
0xa7: {  	s28 =	simm.s32 $_size_execute0_lowered;
	s3 =	sadd.s32 s3, s5;
	[dreg:$0x0] =	wrdreg $0x0  }
0xa8: {  	s5 =	sshll.u32 s28, $0x1;
	[dreg:$0x2] =	wrdreg s3  }
0xa9: {  	[dreg:$0x3] =	wrdreg s5  }
0xaa: {  	[dreg:$0x4] =	wrdreg $0xC0  }
0xab: {  	_ =	task [dreg:s7], $0x5FFFF  }
0xac: {  	[dreg:$0x1] =	wrdreg $0xFFFFFFFF  }
0xad: {  	[dreg:$0x0] =	wrdreg $0x60  }
0xae: {  	[dreg:$0x2] =	wrdreg s2  }
0xaf: {  	[dreg:$0x3] =	wrdreg s24  }
0xb0: {  	[dreg:$0x4] =	wrdreg $0x9  }
0xb1: {  	_ =	task.clear_ibuf [dreg:s7], $0x5FFFF;
	_ =	strace $0x90000046  }
0xb2: {  	s29 =	simm.s32 $0x9;
	_ =	strace $0x80000048  }
0xb3: {  	_ =	swait.ge [sflag:s29], $0x1  }
0xb4: {  	[sflag:s29] =	ssyncadd.s32 $0xFFFFFFFF  }
0xb5: {  	_ =	strace $0x90000048  }
0xb6: {  	_ =	sfence  }
0xb7: {  	s30 =	sld [smem:$0x0];
	_ =	sdelay $0x2  }
0xb8: {  	s31 =	sshll.u32 s1, $0xD;
	s1 =	sshrl.u32 s1, $0x2  }
0xb9: {  	s3 =	sand.u32 $0x4000, s31;
	s1 =	sadd.s32 s1, s30  }
0xba: {  	s0 =	sor.u32 s3, s0;
	s1 =	sshll.u32 s1, $0x11  }
0xbb: {  	s0 =	sor.u32 s1, s0  }
0xbc: {  	s0 =	sadd.s32 $0x8F2B, s0  }
0xbd: {  	[sflag:s0] =	ssyncadd.remote.s32 $0x1  }
0xbe: {  	_ =	sfence.sel $0xFFFF  }
0xbf: {  	[dreg:$0x0] =	wrdreg $0xFFFFFFFF;
	(pc) =	sbr.abs _section_cstart, $3  }
0xc0: {  	[dreg:$0x1] =	wrdreg $0xFFFFFFFF  }
0xc1: {  	_ =	task.clear_ibuf [dreg:s7], $0x2FFFF;
	_ =	strace $0x9FFFFFFF  }
0xc2: {  	(tm) =	ssettm $0x7FFFFFFF  }
0xc3: {  	_ =	shalt  }
tec
execute0_lowered:
.L_overlay_start_1:
0x0: {  	(tag) =	ssettag $0x1  }
0x1: {  	s2 =	rddreg [dreg:$0x0]  }
0x2: {  	s0 =	rddreg [dreg:$0x1]  }
0x3: {  	s1 =	srdreg.scid;
	s4 =	stileid.u32;
	s3 =	simm.s32 $0x0  }
0x4: {  	s28 =	simm.s32 $0x1;
	s29 =	simm.s32 $0x14200;
	s30 =	simm.s32 $0x15200  }
0x5: {  	s31 =	simm.s32 $0x2;
	s11 =	simm.s32 $0x4;
	s1 =	sand.u32 $0x1, s1  }
0x6: {  	s4 =	sshll.u32 s4, $0x1;
	[smem:$0x7FF] =	sst s3;
	s9 =	sadd.s32 $0x100, s2  }
0x7: {  	s6 =	sor.u32 s1, s4;
	_ =	strace $0x80000047;
	s1 =	ssub.s32 $0x2, s1  }
0x8: {  	s4 =	sshll.u32 s6, $0x6;
	s5 =	sshll.u32 s6, $0xA;
	s23 =	sshrl.u32 s1, $0x1  }
0x9: {  	s10 =	sshll.u32 s6, $0xC;
	s6 =	simm.s32 $0x16200;
	s7 =	sadd.s32 s4, s0  }
0xa: {  	s8 =	sadd.s32 s5, s0;
	s4 =	sadd.s32 $0x14000, s0;
	s24 =	sadd.s32 $0x13800, s7  }
0xb: {  	s5 =	sadd.s32 $0x34000, s0;
	s25 =	sadd.s32 $0xB800, s8;
	[dreg:$0x3] =	wrdreg s24  }
0xc: {  	v2 =	vlaneseq.u32;
	s0 =	ssub.s32 s1, s23;
	s26 =	sadd.s32 $0x3800, s8;
	[dreg:$0x4] =	wrdreg s25  }
0xd: {  	vm0 =	vmmov $0xffff;
	v1 =	vshrl.u32 v2, $0x3;
	s1 =	simm.s32 $0x0;
	s0 =	smax.u32 s0, $0x1;
	[dreg:$0x5] =	wrdreg s26  }
0xe: {  	v0 =	vand.u32 $0x7, v2;
	v2 =	vor.u32 $0x8, v2;
	v1 =	vmul.u32 $0x8, v1;
	s7 =	simm.s32 $0x17200;
	[dreg:$0x6] =	wrdreg s0;
	s26 =	simm.s32 $0x13A00  }
.LBB2_1:
0xf: {  	[dreg:$0x7] =	wrdreg s1  }
0x10: {  	s0 =	rddreg [dreg:$0x3];
	s22 =	simm.s32 $0x5  }
0x11: {  	[tilespmem:s3], [sflag:$0x5] =	stream.linear.gather [hbm4b:s0+s3], $0x200, $0x38;
	[tilespmem:$0x18200] =	vst v63  }
0x12: {  	_ =	swait.ge [sflag:s22], $0x200  }
0x13: {  	[sflag:s22] =	ssyncset.done $0x0  }
0x14: {  	s8 =	simm.s32 $0x200;
	s23 =	rddreg [dreg:$0x4];
	[sflag:s22] =	ssyncadd.s32 $0xFFFFFE00  }
0x15: {  	[tilespmem:s8], [sflag:$0x5] =	stream.linear.gather [hbm4b:s23+s3], $0x2000, $0x38;
	[tilespmem:$0x18200] =	vst v63  }
0x16: {  	_ =	swait.ge [sflag:s22], $0x2000  }
0x17: {  	[sflag:s22] =	ssyncset.done $0x0  }
0x18: {  	s25 =	simm.s32 $0x2200;
	s24 =	rddreg [dreg:$0x5];
	[sflag:s22] =	ssyncadd.s32 $0xFFFFE000  }
0x19: {  	[tilespmem:s25], [sflag:$0x5] =	stream.linear.gather [hbm4b:s24+s3], $0x2000, $0x38;
	[tilespmem:$0x18200] =	vst v63  }
0x1a: {  	_ =	swait.ge [sflag:s22], $0x2000  }
0x1b: {  	[sflag:s22] =	ssyncset.done $0x0  }
0x1c: {  	[sflag:s22] =	ssyncadd.s32 $0xFFFFE000  }
0x1d: {  	v3 =	vld [tilespmem:$0x0];
	_ =	sdelay $0x4  }
0x1e: {  	v4 =	vshll.u32 v3, $0x2  }
0x1f: {  	v3 =	vand.u32 $0x7, v3;
	v4 =	vand.u32 $0xFFFFFFE0, v4  }
0x20: {  	v3 =	vor.u32 v3, v4  }
0x21: {  	v4 =	vperm.xlane v3, v0;
	_ =	sdelay $0x1  }
0x22: {  	v4 =	vadd.s32 v1, v4;
	_ =	sdelay $0x1  }
0x23: {  	v3 =	vperm.xlane v3, v2;
	_ =	sdelay $0x1  }
0x24: {  	s1 =	simm.s32 $0x4200;
	v3 =	vadd.s32 v1, v3  }
0x25: {  	[tilespmem:s1], [sflag:$0x1] =	stream.indirect_vreg.gather [hbm4b:s2+s3], $0x80, v4, vm0, $0xb8;
	[tilespmem:$0x18200] =	vst v63  }
0x26: {  	s8 =	simm.s32 $0x4A00  }
0x27: {  	[tilespmem:s8], [sflag:$0x1] =	stream.indirect_vreg.gather [hbm4b:s9+s3], $0x80, v4, vm0, $0xb8;
	[tilespmem:$0x18200] =	vst v63  }
0x28: {  	s12 =	simm.s32 $0x5200  }
0x29: {  	[tilespmem:s12], [sflag:$0x1] =	stream.indirect_vreg.gather [hbm4b:s2+s3], $0x80, v3, vm0, $0xb8;
	[tilespmem:$0x18200] =	vst v63  }
0x2a: {  	s13 =	simm.s32 $0x5A00  }
0x2b: {  	[tilespmem:s13], [sflag:$0x1] =	stream.indirect_vreg.gather [hbm4b:s9+s3], $0x80, v3, vm0, $0xb8;
	[tilespmem:$0x18200] =	vst v63  }
0x2c: {  	v3 =	vld [tilespmem:$0x10];
	_ =	sdelay $0x4  }
0x2d: {  	v61 =	vshll.u32 v3, $0x2  }
0x2e: {  	v3 =	vand.u32 $0x7, v3;
	v4 =	vand.u32 $0xFFFFFFE0, v61  }
0x2f: {  	v3 =	vor.u32 v3, v4  }
0x30: {  	v4 =	vperm.xlane v3, v0;
	_ =	sdelay $0x1  }
0x31: {  	v4 =	vadd.s32 v1, v4;
	_ =	sdelay $0x1  }
0x32: {  	v3 =	vperm.xlane v3, v2;
	_ =	sdelay $0x1  }
0x33: {  	s14 =	simm.s32 $0x6200;
	v3 =	vadd.s32 v1, v3  }
0x34: {  	[tilespmem:s14], [sflag:$0x1] =	stream.indirect_vreg.gather [hbm4b:s2+s3], $0x80, v4, vm0, $0xb8;
	[tilespmem:$0x18200] =	vst v63  }
0x35: {  	s15 =	simm.s32 $0x6A00  }
0x36: {  	[tilespmem:s15], [sflag:$0x1] =	stream.indirect_vreg.gather [hbm4b:s9+s3], $0x80, v4, vm0, $0xb8;
	[tilespmem:$0x18200] =	vst v63  }
0x37: {  	s16 =	simm.s32 $0x7200  }
0x38: {  	[tilespmem:s16], [sflag:$0x1] =	stream.indirect_vreg.gather [hbm4b:s2+s3], $0x80, v3, vm0, $0xb8;
	[tilespmem:$0x18200] =	vst v63  }
0x39: {  	s17 =	simm.s32 $0x7A00  }
0x3a: {  	[tilespmem:s17], [sflag:$0x1] =	stream.indirect_vreg.gather [hbm4b:s9+s3], $0x80, v3, vm0, $0xb8;
	[tilespmem:$0x18200] =	vst v63  }
0x3b: {  	v3 =	vld [tilespmem:$0x20];
	_ =	sdelay $0x4  }
0x3c: {  	v62 =	vshll.u32 v3, $0x2  }
0x3d: {  	v3 =	vand.u32 $0x7, v3;
	v4 =	vand.u32 $0xFFFFFFE0, v62  }
0x3e: {  	v3 =	vor.u32 v3, v4  }
0x3f: {  	v4 =	vperm.xlane v3, v0;
	_ =	sdelay $0x1  }
0x40: {  	v4 =	vadd.s32 v1, v4;
	_ =	sdelay $0x1  }
0x41: {  	v3 =	vperm.xlane v3, v2;
	_ =	sdelay $0x1  }
0x42: {  	s18 =	simm.s32 $0x8200;
	v3 =	vadd.s32 v1, v3  }
0x43: {  	[tilespmem:s18], [sflag:$0x1] =	stream.indirect_vreg.gather [hbm4b:s2+s3], $0x80, v4, vm0, $0xb8;
	[tilespmem:$0x18200] =	vst v63  }
0x44: {  	s19 =	simm.s32 $0x8A00  }
0x45: {  	[tilespmem:s19], [sflag:$0x1] =	stream.indirect_vreg.gather [hbm4b:s9+s3], $0x80, v4, vm0, $0xb8;
	[tilespmem:$0x18200] =	vst v63  }
0x46: {  	s20 =	simm.s32 $0x9200  }
0x47: {  	[tilespmem:s20], [sflag:$0x1] =	stream.indirect_vreg.gather [hbm4b:s2+s3], $0x80, v3, vm0, $0xb8;
	[tilespmem:$0x18200] =	vst v63  }
0x48: {  	s21 =	simm.s32 $0x9A00  }
0x49: {  	[tilespmem:s21], [sflag:$0x1] =	stream.indirect_vreg.gather [hbm4b:s9+s3], $0x80, v3, vm0, $0xb8;
	[tilespmem:$0x18200] =	vst v63  }
0x4a: {  	v3 =	vld [tilespmem:$0x30];
	_ =	sdelay $0x4  }
0x4b: {  	v63 =	vshll.u32 v3, $0x2  }
0x4c: {  	v3 =	vand.u32 $0x7, v3;
	v4 =	vand.u32 $0xFFFFFFE0, v63  }
0x4d: {  	v3 =	vor.u32 v3, v4  }
0x4e: {  	v4 =	vperm.xlane v3, v0;
	_ =	sdelay $0x1  }
0x4f: {  	v4 =	vadd.s32 v1, v4;
	_ =	sdelay $0x1  }
0x50: {  	v3 =	vperm.xlane v3, v2;
	_ =	sdelay $0x1  }
0x51: {  	s22 =	simm.s32 $0xA200;
	v3 =	vadd.s32 v1, v3  }
0x52: {  	[tilespmem:s22], [sflag:$0x1] =	stream.indirect_vreg.gather [hbm4b:s2+s3], $0x80, v4, vm0, $0xb8;
	[tilespmem:$0x18200] =	vst v63  }
0x53: {  	s23 =	simm.s32 $0xAA00  }
0x54: {  	[tilespmem:s23], [sflag:$0x1] =	stream.indirect_vreg.gather [hbm4b:s9+s3], $0x80, v4, vm0, $0xb8;
	[tilespmem:$0x18200] =	vst v63  }
0x55: {  	s24 =	simm.s32 $0xB200  }
0x56: {  	[tilespmem:s24], [sflag:$0x1] =	stream.indirect_vreg.gather [hbm4b:s2+s3], $0x80, v3, vm0, $0xb8;
	[tilespmem:$0x18200] =	vst v63  }
0x57: {  	s25 =	simm.s32 $0xBA00;
	s12 =	simm.s32 $0x0  }
0x58: {  	[tilespmem:s25], [sflag:$0x1] =	stream.indirect_vreg.gather [hbm4b:s9+s3], $0x80, v3, vm0, $0xb8;
	[tilespmem:$0x18200] =	vst v63  }
.LBB2_2:
0x59: {  	s8 =	sshllo.u32 s12, $0x1  }
0x5a: {  	s0 =	sshll.u32 s8, $0x6  }
0x5b: {  	s0 =	sand.u32 $0x3FFFFFC0, s0  }
0x5c: {  	v3 =	vld [tilespmem:s0+$0x0];
	_ =	sdelay $0x4  }
0x5d: {  	v4 =	vshll.u32 v3, $0x2  }
0x5e: {  	v3 =	vand.u32 $0x7, v3;
	v4 =	vand.u32 $0xFFFFFFE0, v4  }
0x5f: {  	v3 =	vor.u32 v3, v4  }
0x60: {  	v4 =	vperm.xlane v3, v0;
	_ =	sdelay $0x1  }
0x61: {  	v4 =	vadd.s32 v1, v4;
	_ =	sdelay $0x1  }
0x62: {  	v3 =	vperm.xlane v3, v2;
	_ =	sdelay $0x1  }
0x63: {  	s1 =	simm.s32 $0xC200;
	v3 =	vadd.s32 v1, v3  }
0x64: {  	[tilespmem:s1], [sflag:$0x2] =	stream.indirect_vreg.gather [hbm4b:s2+s3], $0x80, v4, vm0, $0xb8;
	[tilespmem:$0x18200] =	vst v63  }
0x65: {  	s24 =	simm.s32 $0xCA00  }
0x66: {  	[tilespmem:s24], [sflag:$0x2] =	stream.indirect_vreg.gather [hbm4b:s9+s3], $0x80, v4, vm0, $0xb8;
	[tilespmem:$0x18200] =	vst v63  }
0x67: {  	s25 =	simm.s32 $0xD200  }
0x68: {  	[tilespmem:s25], [sflag:$0x2] =	stream.indirect_vreg.gather [hbm4b:s2+s3], $0x80, v3, vm0, $0xb8;
	[tilespmem:$0x18200] =	vst v63  }
0x69: {  	s13 =	simm.s32 $0xDA00  }
0x6a: {  	[tilespmem:s13], [sflag:$0x2] =	stream.indirect_vreg.gather [hbm4b:s9+s3], $0x80, v3, vm0, $0xb8;
	[tilespmem:$0x18200] =	vst v63  }
0x6b: {  	v3 =	vld [tilespmem:s0+$0x10];
	_ =	sdelay $0x4  }
0x6c: {  	v4 =	vshll.u32 v3, $0x2  }
0x6d: {  	v3 =	vand.u32 $0x7, v3;
	v4 =	vand.u32 $0xFFFFFFE0, v4  }
0x6e: {  	v3 =	vor.u32 v3, v4  }
0x6f: {  	v4 =	vperm.xlane v3, v0;
	_ =	sdelay $0x1  }
0x70: {  	v4 =	vadd.s32 v1, v4;
	_ =	sdelay $0x1  }
0x71: {  	v3 =	vperm.xlane v3, v2;
	_ =	sdelay $0x1  }
0x72: {  	s14 =	simm.s32 $0xE200;
	v3 =	vadd.s32 v1, v3  }
0x73: {  	[tilespmem:s14], [sflag:$0x2] =	stream.indirect_vreg.gather [hbm4b:s2+s3], $0x80, v4, vm0, $0xb8;
	[tilespmem:$0x18200] =	vst v63  }
0x74: {  	s15 =	simm.s32 $0xEA00  }
0x75: {  	[tilespmem:s15], [sflag:$0x2] =	stream.indirect_vreg.gather [hbm4b:s9+s3], $0x80, v4, vm0, $0xb8;
	[tilespmem:$0x18200] =	vst v63  }
0x76: {  	s16 =	simm.s32 $0xF200  }
0x77: {  	[tilespmem:s16], [sflag:$0x2] =	stream.indirect_vreg.gather [hbm4b:s2+s3], $0x80, v3, vm0, $0xb8;
	[tilespmem:$0x18200] =	vst v63  }
0x78: {  	s17 =	simm.s32 $0xFA00  }
0x79: {  	[tilespmem:s17], [sflag:$0x2] =	stream.indirect_vreg.gather [hbm4b:s9+s3], $0x80, v3, vm0, $0xb8;
	[tilespmem:$0x18200] =	vst v63  }
0x7a: {  	v3 =	vld [tilespmem:s0+$0x20];
	_ =	sdelay $0x4  }
0x7b: {  	v4 =	vshll.u32 v3, $0x2  }
0x7c: {  	v3 =	vand.u32 $0x7, v3;
	v4 =	vand.u32 $0xFFFFFFE0, v4  }
0x7d: {  	v3 =	vor.u32 v3, v4  }
0x7e: {  	v4 =	vperm.xlane v3, v0;
	_ =	sdelay $0x1  }
0x7f: {  	v4 =	vadd.s32 v1, v4;
	_ =	sdelay $0x1  }
0x80: {  	v3 =	vperm.xlane v3, v2;
	_ =	sdelay $0x1  }
0x81: {  	s18 =	simm.s32 $0x10200;
	v3 =	vadd.s32 v1, v3  }
0x82: {  	[tilespmem:s18], [sflag:$0x2] =	stream.indirect_vreg.gather [hbm4b:s2+s3], $0x80, v4, vm0, $0xb8;
	[tilespmem:$0x18200] =	vst v63  }
0x83: {  	s19 =	simm.s32 $0x10A00  }
0x84: {  	[tilespmem:s19], [sflag:$0x2] =	stream.indirect_vreg.gather [hbm4b:s9+s3], $0x80, v4, vm0, $0xb8;
	[tilespmem:$0x18200] =	vst v63  }
0x85: {  	s20 =	simm.s32 $0x11200  }
0x86: {  	[tilespmem:s20], [sflag:$0x2] =	stream.indirect_vreg.gather [hbm4b:s2+s3], $0x80, v3, vm0, $0xb8;
	[tilespmem:$0x18200] =	vst v63  }
0x87: {  	s21 =	simm.s32 $0x11A00  }
0x88: {  	[tilespmem:s21], [sflag:$0x2] =	stream.indirect_vreg.gather [hbm4b:s9+s3], $0x80, v3, vm0, $0xb8;
	[tilespmem:$0x18200] =	vst v63  }
0x89: {  	v3 =	vld [tilespmem:s0+$0x30];
	_ =	sdelay $0x4  }
0x8a: {  	v4 =	vshll.u32 v3, $0x2  }
0x8b: {  	v3 =	vand.u32 $0x7, v3;
	v4 =	vand.u32 $0xFFFFFFE0, v4  }
0x8c: {  	v3 =	vor.u32 v3, v4  }
0x8d: {  	v4 =	vperm.xlane v3, v0;
	_ =	sdelay $0x1  }
0x8e: {  	v4 =	vadd.s32 v1, v4;
	_ =	sdelay $0x1  }
0x8f: {  	v3 =	vperm.xlane v3, v2;
	_ =	sdelay $0x1  }
0x90: {  	s22 =	simm.s32 $0x12200;
	v3 =	vadd.s32 v1, v3  }
0x91: {  	[tilespmem:s22], [sflag:$0x2] =	stream.indirect_vreg.gather [hbm4b:s2+s3], $0x80, v4, vm0, $0xb8;
	[tilespmem:$0x18200] =	vst v63  }
0x92: {  	s23 =	simm.s32 $0x12A00  }
0x93: {  	[tilespmem:s23], [sflag:$0x2] =	stream.indirect_vreg.gather [hbm4b:s9+s3], $0x80, v4, vm0, $0xb8;
	[tilespmem:$0x18200] =	vst v63  }
0x94: {  	p0 =	seq.s32 s12, $0x0;
	s24 =	simm.s32 $0x13200  }
0x95: {  	[tilespmem:s24], [sflag:$0x2] =	stream.indirect_vreg.gather [hbm4b:s2+s3], $0x80, v3, vm0, $0xb8;
	[tilespmem:$0x18200] =	vst v63  }
0x96: {  	s0 =	simm.s32 @!p0 $0x3  }
0x97: {  	[tilespmem:s26], [sflag:$0x2] =	stream.indirect_vreg.gather [hbm4b:s9+s3], $0x80, v3, vm0, $0xb8;
	[tilespmem:$0x18200] =	vst v63  }
0x98: {  	_ =	swait.ge @!p0 [sflag:s0], $0x1000  }
0x99: {  	[sflag:s0] =	ssyncset.done @!p0 $0x0  }
0x9a: {  	[sflag:s0] =	ssyncadd.s32 @!p0 $0xFFFFF000  }
0x9b: {  	_ =	swait.ge @!p0 [sflag:s0], $0x1000  }
0x9c: {  	[sflag:s0] =	ssyncset.done @!p0 $0x0  }
0x9d: {  	[sflag:s0] =	ssyncadd.s32 @!p0 $0xFFFFF000  }
0x9e: {  	_ =	swait.ge [sflag:s28], $0x8000  }
0x9f: {  	s25 =	sshll.u32 s12, $0xB;
	[sflag:s28] =	ssyncset.done $0x0  }
0xa0: {  	s1 =	simm.s32 $0x0;
	v3 =	vmov s25;
	s0 =	simm.s32 $0x0;
	[sflag:s28] =	ssyncadd.s32 $0xFFFF8000  }
.LBB2_3:
0xa1: {  	_ =	sdelay $0x2  }
0xa2: {  	s13 =	sshll.u32 s1, $0x7  }
0xa3: {  	v5 =	vld.idx.msk [tilespmem:v3+s13+$0x200 ss:$0x1], $0xffff  }
0xa4: {  	v7 =	vld.idx.msk [tilespmem:v3+s13+$0x210 ss:$0x1], $0xffff  }
0xa5: {  	v8 =	vld.idx.msk [tilespmem:v3+s13+$0x220 ss:$0x1], $0xffff  }
0xa6: {  	v10 =	vld.idx.msk [tilespmem:v3+s13+$0x230 ss:$0x1], $0xffff  }
0xa7: {  	s14 =	sshll.u32 s1, $0xC;
	v11 =	vld.idx.msk [tilespmem:v3+s13+$0x240 ss:$0x1], $0xffff  }
0xa8: {  	v9 =	vld.idx.msk [tilespmem:v3+s13+$0x250 ss:$0x1], $0xffff;
	s14 =	sand.u32 $0x3FFFF000, s14  }
0xa9: {  	s15 =	sand.u32 $0xC00, s0;
	v6 =	vld.idx.msk [tilespmem:v3+s13+$0x260 ss:$0x1], $0xffff;
	s14 =	sadd.s32 $0x4200, s14  }
0xaa: {  	s16 =	sand.u32 $0x60, s0;
	v4 =	vld.idx.msk [tilespmem:v3+s13+$0x270 ss:$0x1], $0xffff;
	s17 =	sadd.s32 s15, s14  }
0xab: {  	v12 =	vld.idx.msk [tilespmem:v3+s13+$0x2200 ss:$0x1], $0xffff;
	s18 =	sadd.s32 s16, s17  }
0xac: {  	v16 =	vld [tilespmem:s18+$0x0]  }
0xad: {  	v17 =	vld [tilespmem:s18+$0x80]  }
0xae: {  	v13 =	vld.idx.msk [tilespmem:v3+s13+$0x2210 ss:$0x1], $0xffff  }
0xaf: {  	v18 =	vld [tilespmem:s18+$0x100]  }
0xb0: {  	v14 =	vld.idx.msk [tilespmem:v3+s13+$0x2220 ss:$0x1], $0xffff  }
0xb1: {  	v19 =	vld [tilespmem:s18+$0x180]  }
0xb2: {  	v15 =	vld.idx.msk [tilespmem:v3+s13+$0x2230 ss:$0x1], $0xffff;
	v20 =	vmul.f32 v16, v5;
	v21 =	vmul.f32 v17, v7  }
0xb3: {  	v23 =	vld [tilespmem:s18+$0x200];
	v22 =	vmul.f32 v16, v12;
	v17 =	vmul.f32 v17, v13  }
0xb4: {  	v16 =	vld.idx.msk [tilespmem:v3+s13+$0x2240 ss:$0x1], $0xffff;
	v20 =	vadd.f32 v21, v20;
	v21 =	vmul.f32 v18, v8  }
0xb5: {  	v24 =	vld [tilespmem:s18+$0x280];
	v22 =	vadd.f32 v17, v22;
	v18 =	vmul.f32 v18, v14  }
0xb6: {  	v17 =	vld.idx.msk [tilespmem:v3+s13+$0x2250 ss:$0x1], $0xffff;
	v20 =	vadd.f32 v21, v20;
	v21 =	vmul.f32 v19, v10  }
0xb7: {  	v25 =	vld [tilespmem:s18+$0x300];
	v22 =	vadd.f32 v18, v22;
	v19 =	vmul.f32 v19, v15  }
0xb8: {  	v26 =	vmul.f32 v23, v11;
	v18 =	vld.idx.msk [tilespmem:v3+s13+$0x2260 ss:$0x1], $0xffff;
	v20 =	vadd.f32 v21, v20  }
0xb9: {  	v21 =	vmul.f32 v23, v16;
	v22 =	vadd.f32 v19, v22;
	v23 =	vld [tilespmem:s18+$0x380]  }
0xba: {  	v19 =	vld.idx.msk [tilespmem:v3+s13+$0x2270 ss:$0x1], $0xffff;
	v20 =	vadd.f32 v26, v20;
	v26 =	vmul.f32 v24, v9  }
0xbb: {  	v21 =	vadd.f32 v21, v22;
	v22 =	vmul.f32 v24, v17  }
0xbc: {  	v24 =	vmul.f32 v25, v6;
	v20 =	vadd.f32 v26, v20  }
0xbd: {  	v21 =	vadd.f32 v22, v21;
	v22 =	vmul.f32 v25, v18  }
0xbe: {  	v20 =	vadd.f32 v24, v20;
	v24 =	vmul.f32 v23, v4  }
0xbf: {  	v21 =	vadd.f32 v22, v21;
	v22 =	vmul.f32 v23, v19  }
0xc0: {  	s15 =	sor.u32 s13, s15;
	v20 =	vadd.f32 v24, v20  }
0xc1: {  	s24 =	sor.u32 s16, s15;
	v21 =	vadd.f32 v22, v21  }
0xc2: {  	s16 =	sor.u32 $0x10, s16;
	[tilespmem:s24+$0x14200] =	vst v20  }
0xc3: {  	s25 =	sadd.s32 s16, s17;
	[tilespmem:s24+$0x15200] =	vst v21  }
0xc4: {  	v20 =	vld [tilespmem:s25+$0x0]  }
0xc5: {  	v21 =	vld [tilespmem:s25+$0x80];
	_ =	sdelay $0x1  }
0xc6: {  	v22 =	vld [tilespmem:s25+$0x100];
	_ =	sdelay $0x1  }
0xc7: {  	v24 =	vld [tilespmem:s25+$0x180]  }
0xc8: {  	v23 =	vmul.f32 v20, v5;
	v25 =	vmul.f32 v21, v7  }
0xc9: {  	v28 =	vld [tilespmem:s25+$0x200];
	v20 =	vmul.f32 v20, v12;
	v21 =	vmul.f32 v21, v13  }
0xca: {  	v23 =	vadd.f32 v25, v23;
	v25 =	vmul.f32 v22, v8  }
0xcb: {  	v26 =	vmul.f32 v22, v14;
	v21 =	vadd.f32 v21, v20;
	v22 =	vld [tilespmem:s25+$0x280]  }
0xcc: {  	v29 =	vmul.f32 v24, v10;
	v27 =	vadd.f32 v25, v23  }
0xcd: {  	v23 =	vadd.f32 v26, v21;
	v25 =	vmul.f32 v24, v15;
	v21 =	vld [tilespmem:s25+$0x300]  }
0xce: {  	s19 =	simm.s32 $0x0;
	s17 =	simm.s32 $0x0;
	s18 =	simm.s32 $0x0;
	v20 =	vld [tilespmem:s25+$0x380];
	v24 =	vmul.f32 v28, v16;
	v26 =	vadd.f32 v29, v27;
	v27 =	vmul.f32 v28, v11  }
.LBB2_4:
0xcf: {  	s17 =	sadd.s32 $0x2, s17;
	v23 =	vadd.f32 v25, v23;
	s18 =	sadd.s32 $0x100, s18;
	s19 =	sadd.s32 $0x20, s19  }
0xd0: {  	p0 =	slt.u32 s17, $0x1E;
	v25 =	vadd.f32 v27, v26;
	v26 =	vmul.f32 v22, v9  }
0xd1: {  	s22 =	sand.u32 $0xC00, s18;
	v22 =	vmul.f32 v22, v17;
	v23 =	vadd.f32 v24, v23  }
0xd2: {  	s21 =	sand.u32 $0x60, s19;
	s20 =	sadd.s32 s22, s14;
	s22 =	sor.u32 s13, s22;
	v24 =	vadd.f32 v26, v25;
	v25 =	vmul.f32 v21, v6  }
0xd3: {  	s24 =	sor.u32 $0x10, s21;
	s23 =	sadd.s32 s21, s20;
	v21 =	vmul.f32 v21, v18;
	v22 =	vadd.f32 v22, v23  }
0xd4: {  	v23 =	vadd.f32 v25, v24;
	v24 =	vmul.f32 v20, v4  }
0xd5: {  	v20 =	vmul.f32 v20, v19;
	v21 =	vadd.f32 v21, v22  }
0xd6: {  	v22 =	vadd.f32 v24, v23  }
0xd7: {  	s25 =	sor.u32 s16, s15;
	s15 =	smov.u32 s22;
	s16 =	smov.u32 s24;
	v20 =	vadd.f32 v20, v21  }
0xd8: {  	[tilespmem:s25+$0x14200] =	vst v22  }
0xd9: {  	[tilespmem:s25+$0x15200] =	vst v20  }
0xda: {  	v20 =	vld [tilespmem:s23+$0x0]  }
0xdb: {  	v21 =	vld [tilespmem:s23+$0x80];
	_ =	sdelay $0x1  }
0xdc: {  	v22 =	vld [tilespmem:s23+$0x100]  }
0xdd: {  	v23 =	vld [tilespmem:s23+$0x180]  }
0xde: {  	v24 =	vmul.f32 v20, v5;
	v20 =	vmul.f32 v20, v12;
	v25 =	vld [tilespmem:s23+$0x200]  }
0xdf: {  	v26 =	vmul.f32 v21, v7;
	v21 =	vmul.f32 v21, v13;
	_ =	sdelay $0x1  }
0xe0: {  	v24 =	vadd.f32 v26, v24;
	v20 =	vadd.f32 v21, v20;
	v21 =	vmul.f32 v22, v8  }
0xe1: {  	v22 =	vmul.f32 v22, v14;
	v26 =	vld [tilespmem:s23+$0x280]  }
0xe2: {  	v21 =	vadd.f32 v21, v24;
	v24 =	vmul.f32 v23, v10  }
0xe3: {  	v20 =	vadd.f32 v22, v20;
	v22 =	vmul.f32 v23, v15;
	v23 =	vmul.f32 v25, v11;
	v27 =	vld [tilespmem:s23+$0x300]  }
0xe4: {  	v21 =	vadd.f32 v24, v21;
	v24 =	vmul.f32 v25, v16  }
0xe5: {  	v20 =	vadd.f32 v22, v20;
	v22 =	vld [tilespmem:s23+$0x380]  }
0xe6: {  	v21 =	vadd.f32 v23, v21;
	v23 =	vmul.f32 v26, v9  }
0xe7: {  	v20 =	vadd.f32 v24, v20;
	v24 =	vmul.f32 v26, v17  }
0xe8: {  	v21 =	vadd.f32 v23, v21;
	v23 =	vmul.f32 v27, v6  }
0xe9: {  	v20 =	vadd.f32 v24, v20;
	v24 =	vmul.f32 v27, v18  }
0xea: {  	v21 =	vadd.f32 v23, v21;
	v23 =	vmul.f32 v22, v4  }
0xeb: {  	v20 =	vadd.f32 v24, v20;
	v22 =	vmul.f32 v22, v19  }
0xec: {  	v21 =	vadd.f32 v23, v21  }
0xed: {  	s21 =	sor.u32 s21, s15;
	v20 =	vadd.f32 v22, v20  }
0xee: {  	[tilespmem:s21+$0x14200] =	vst v21  }
0xef: {  	s20 =	sadd.s32 s16, s20;
	[tilespmem:s21+$0x15200] =	vst v20  }
0xf0: {  	v21 =	vld [tilespmem:s20+$0x0]  }
0xf1: {  	v22 =	vld [tilespmem:s20+$0x80]  }
0xf2: {  	v20 =	vld [tilespmem:s20+$0x380]  }
0xf3: {  	v23 =	vld [tilespmem:s20+$0x100];
	_ =	sdelay $0x1  }
0xf4: {  	v24 =	vmul.f32 v21, v5;
	v21 =	vmul.f32 v21, v12;
	v25 =	vld [tilespmem:s20+$0x180]  }
0xf5: {  	v26 =	vmul.f32 v22, v7;
	v22 =	vmul.f32 v22, v13  }
0xf6: {  	v28 =	vld [tilespmem:s20+$0x200]  }
.Ltmp0:
0xf7: {  	v24 =	vadd.f32 v26, v24;
	v21 =	vadd.f32 v22, v21;
	v26 =	vmul.f32 v23, v8;
	(pc) =	sbr.rel @p0 .LBB2_4-.Ltmp0, $4  }
0xf8: {  	v23 =	vmul.f32 v23, v14;
	v22 =	vld [tilespmem:s20+$0x280]  }
0xf9: {  	v24 =	vadd.f32 v26, v24;
	v26 =	vmul.f32 v25, v10  }
0xfa: {  	v23 =	vadd.f32 v23, v21;
	v25 =	vmul.f32 v25, v15;
	v21 =	vld [tilespmem:s20+$0x300]  }
0xfb: {  	v26 =	vadd.f32 v26, v24;
	v27 =	vmul.f32 v28, v11;
	v24 =	vmul.f32 v28, v16  }
0xfc: {  	v5 =	vadd.f32 v25, v23  }
0xfd: {  	v7 =	vadd.f32 v27, v26;
	v8 =	vmul.f32 v22, v9  }
0xfe: {  	v61 =	vmul.f32 v22, v17;
	v5 =	vadd.f32 v24, v5  }
0xff: {  	v7 =	vadd.f32 v8, v7;
	v6 =	vmul.f32 v21, v6  }
0x100: {  	s1 =	sadd.s32 $0x1, s1;
	v62 =	vmul.f32 v21, v18;
	v5 =	vadd.f32 v61, v5  }
0x101: {  	v4 =	vmul.f32 v20, v4;
	p0 =	sne.s32 s1, $0x8;
	v6 =	vadd.f32 v6, v7  }
.Ltmp1:
0x102: {  	v63 =	vmul.f32 v20, v19;
	v5 =	vadd.f32 v62, v5;
	(pc) =	sbr.rel @p0 .LBB2_3-.Ltmp1, $4  }
0x103: {  	v4 =	vadd.f32 v4, v6  }
0x104: {  	s13 =	sor.u32 s16, s15;
	v5 =	vadd.f32 v63, v5  }
0x105: {  	[tilespmem:s13+$0x14200] =	vst v4  }
0x106: {  	[tilespmem:s13+$0x15200] =	vst v5  }
0x107: {  	s0 =	sshll.u32 s12, $0xA  }
0x108: {  	s0 =	sadd.s32 s10, s0  }
0x109: {  	s1 =	sadd.s32 s4, s0  }
0x10a: {  	[hbm4b:s1+s3] =	stream.linear.scatter [tilespmem:s29], [sflag:$0x3], $0x1000, $0x38;
	[tilespmem:$0x18200] =	vst v63  }
0x10b: {  	p0 =	seq.s32 s12, $0x3;
	s0 =	sadd.s32 s5, s0  }
0x10c: {  	[hbm4b:s0+s3] =	stream.linear.scatter [tilespmem:s30], [sflag:$0x3], $0x1000, $0x38;
	[tilespmem:$0x18200] =	vst v63  }
0x10d: {  	s0 =	sshll.u32 @!p0 s12, $0x7  }
0x10e: {  	s0 =	sand.u32 @!p0 $0x3FFFFF80, s0  }
0x10f: {  	v3 =	vld @!p0 [tilespmem:s0+$0x80];
	_ =	sdelay $0x4  }
0x110: {  	v4 =	vshll.u32 @!p0 v3, $0x2  }
0x111: {  	v5 =	vlaneseq.u32 @!p0;
	v3 =	vand.u32 @!p0 $0x7, v3;
	v4 =	vand.u32 @!p0 $0xFFFFFFE0, v4  }
0x112: {  	v6 =	vshrl.u32 @!p0 v5, $0x3;
	v3 =	vor.u32 @!p0 v3, v4;
	v4 =	vand.u32 @!p0 $0x7, v5  }
0x113: {  	v6 =	vmul.u32 @!p0 $0x8, v6;
	v7 =	vperm.xlane @!p0 v3, v4;
	_ =	sdelay $0x1  }
0x114: {  	v7 =	vadd.s32 @!p0 v6, v7  }
0x115: {  	v5 =	vor.u32 @!p0 $0x8, v5  }
0x116: {  	v3 =	vperm.xlane @!p0 v3, v5;
	_ =	sdelay $0x1  }
0x117: {  	vm1 =	vmmov @!p0 $0xffff;
	s13 =	simm.s32 @!p0 $0x4200;
	s1 =	simm.s32 @!p0 $0x0;
	v3 =	vadd.s32 @!p0 v6, v3  }
0x118: {  	[tilespmem:s13], [sflag:$0x1] =	stream.indirect_vreg.gather @!p0 [hbm4b:s2+s1], $0x80, v7, vm1, $0xb8;
	[tilespmem:$0x18200] =	vst v63  }
0x119: {  	s13 =	simm.s32 @!p0 $0x4A00  }
0x11a: {  	[tilespmem:s13], [sflag:$0x1] =	stream.indirect_vreg.gather @!p0 [hbm4b:s9+s1], $0x80, v7, vm1, $0xb8;
	[tilespmem:$0x18200] =	vst v63  }
0x11b: {  	s13 =	simm.s32 @!p0 $0x5200  }
0x11c: {  	[tilespmem:s13], [sflag:$0x1] =	stream.indirect_vreg.gather @!p0 [hbm4b:s2+s1], $0x80, v3, vm1, $0xb8;
	[tilespmem:$0x18200] =	vst v63  }
0x11d: {  	s13 =	simm.s32 @!p0 $0x5A00  }
0x11e: {  	[tilespmem:s13], [sflag:$0x1] =	stream.indirect_vreg.gather @!p0 [hbm4b:s9+s1], $0x80, v3, vm1, $0xb8;
	[tilespmem:$0x18200] =	vst v63  }
0x11f: {  	v3 =	vld @!p0 [tilespmem:s0+$0x90];
	_ =	sdelay $0x4  }
0x120: {  	v7 =	vshll.u32 @!p0 v3, $0x2  }
0x121: {  	v3 =	vand.u32 @!p0 $0x7, v3;
	v7 =	vand.u32 @!p0 $0xFFFFFFE0, v7  }
0x122: {  	v3 =	vor.u32 @!p0 v3, v7  }
0x123: {  	v7 =	vperm.xlane @!p0 v3, v4;
	_ =	sdelay $0x1  }
0x124: {  	v7 =	vadd.s32 @!p0 v6, v7;
	_ =	sdelay $0x1  }
0x125: {  	v3 =	vperm.xlane @!p0 v3, v5;
	_ =	sdelay $0x1  }
0x126: {  	s13 =	simm.s32 @!p0 $0x6200;
	v3 =	vadd.s32 @!p0 v6, v3  }
0x127: {  	[tilespmem:s13], [sflag:$0x1] =	stream.indirect_vreg.gather @!p0 [hbm4b:s2+s1], $0x80, v7, vm1, $0xb8;
	[tilespmem:$0x18200] =	vst v63  }
0x128: {  	s13 =	simm.s32 @!p0 $0x6A00  }
0x129: {  	[tilespmem:s13], [sflag:$0x1] =	stream.indirect_vreg.gather @!p0 [hbm4b:s9+s1], $0x80, v7, vm1, $0xb8;
	[tilespmem:$0x18200] =	vst v63  }
0x12a: {  	s13 =	simm.s32 @!p0 $0x7200  }
0x12b: {  	[tilespmem:s13], [sflag:$0x1] =	stream.indirect_vreg.gather @!p0 [hbm4b:s2+s1], $0x80, v3, vm1, $0xb8;
	[tilespmem:$0x18200] =	vst v63  }
0x12c: {  	s13 =	simm.s32 @!p0 $0x7A00  }
0x12d: {  	[tilespmem:s13], [sflag:$0x1] =	stream.indirect_vreg.gather @!p0 [hbm4b:s9+s1], $0x80, v3, vm1, $0xb8;
	[tilespmem:$0x18200] =	vst v63  }
0x12e: {  	v3 =	vld @!p0 [tilespmem:s0+$0xA0];
	_ =	sdelay $0x4  }
0x12f: {  	v7 =	vshll.u32 @!p0 v3, $0x2  }
0x130: {  	v3 =	vand.u32 @!p0 $0x7, v3;
	v7 =	vand.u32 @!p0 $0xFFFFFFE0, v7  }
0x131: {  	v3 =	vor.u32 @!p0 v3, v7  }
0x132: {  	v7 =	vperm.xlane @!p0 v3, v4;
	_ =	sdelay $0x1  }
0x133: {  	v7 =	vadd.s32 @!p0 v6, v7;
	_ =	sdelay $0x1  }
0x134: {  	v3 =	vperm.xlane @!p0 v3, v5;
	_ =	sdelay $0x1  }
0x135: {  	s13 =	simm.s32 @!p0 $0x8200;
	v3 =	vadd.s32 @!p0 v6, v3  }
0x136: {  	[tilespmem:s13], [sflag:$0x1] =	stream.indirect_vreg.gather @!p0 [hbm4b:s2+s1], $0x80, v7, vm1, $0xb8;
	[tilespmem:$0x18200] =	vst v63  }
0x137: {  	s13 =	simm.s32 @!p0 $0x8A00  }
0x138: {  	[tilespmem:s13], [sflag:$0x1] =	stream.indirect_vreg.gather @!p0 [hbm4b:s9+s1], $0x80, v7, vm1, $0xb8;
	[tilespmem:$0x18200] =	vst v63  }
0x139: {  	s13 =	simm.s32 @!p0 $0x9200  }
0x13a: {  	[tilespmem:s13], [sflag:$0x1] =	stream.indirect_vreg.gather @!p0 [hbm4b:s2+s1], $0x80, v3, vm1, $0xb8;
	[tilespmem:$0x18200] =	vst v63  }
0x13b: {  	s13 =	simm.s32 @!p0 $0x9A00  }
0x13c: {  	[tilespmem:s13], [sflag:$0x1] =	stream.indirect_vreg.gather @!p0 [hbm4b:s9+s1], $0x80, v3, vm1, $0xb8;
	[tilespmem:$0x18200] =	vst v63  }
0x13d: {  	v3 =	vld @!p0 [tilespmem:s0+$0xB0];
	_ =	sdelay $0x4  }
0x13e: {  	v7 =	vshll.u32 @!p0 v3, $0x2  }
0x13f: {  	v3 =	vand.u32 @!p0 $0x7, v3;
	v7 =	vand.u32 @!p0 $0xFFFFFFE0, v7  }
0x140: {  	v3 =	vor.u32 @!p0 v3, v7  }
0x141: {  	v4 =	vperm.xlane @!p0 v3, v4;
	_ =	sdelay $0x1  }
0x142: {  	v4 =	vadd.s32 @!p0 v6, v4;
	_ =	sdelay $0x1  }
0x143: {  	v3 =	vperm.xlane @!p0 v3, v5;
	_ =	sdelay $0x1  }
0x144: {  	s0 =	simm.s32 @!p0 $0xA200;
	v3 =	vadd.s32 @!p0 v6, v3  }
0x145: {  	[tilespmem:s0], [sflag:$0x1] =	stream.indirect_vreg.gather @!p0 [hbm4b:s2+s1], $0x80, v4, vm1, $0xb8;
	[tilespmem:$0x18200] =	vst v63  }
0x146: {  	s0 =	simm.s32 @!p0 $0xAA00  }
0x147: {  	[tilespmem:s0], [sflag:$0x1] =	stream.indirect_vreg.gather @!p0 [hbm4b:s9+s1], $0x80, v4, vm1, $0xb8;
	[tilespmem:$0x18200] =	vst v63  }
0x148: {  	s0 =	simm.s32 @!p0 $0xB200  }
0x149: {  	[tilespmem:s0], [sflag:$0x1] =	stream.indirect_vreg.gather @!p0 [hbm4b:s2+s1], $0x80, v3, vm1, $0xb8;
	[tilespmem:$0x18200] =	vst v63  }
0x14a: {  	p1 =	seq.s32 @!p0 s12, $0x0;
	s0 =	simm.s32 @!p0 $0xBA00  }
0x14b: {  	[tilespmem:s0], [sflag:$0x1] =	stream.indirect_vreg.gather @!p0 [hbm4b:s9+s1], $0x80, v3, vm1, $0xb8;
	[tilespmem:$0x18200] =	vst v63  }
0x14c: {  	p0 =	por p0, !p1  }
0x14d: {  	_ =	swait.ge @p0 [sflag:s11], $0x1000  }
0x14e: {  	[sflag:s11] =	ssyncset.done @p0 $0x0  }
0x14f: {  	[sflag:s11] =	ssyncadd.s32 @p0 $0xFFFFF000  }
0x150: {  	_ =	swait.ge @p0 [sflag:s11], $0x1000  }
0x151: {  	[sflag:s11] =	ssyncset.done @p0 $0x0  }
0x152: {  	[sflag:s11] =	ssyncadd.s32 @p0 $0xFFFFF000  }
0x153: {  	_ =	swait.ge [sflag:s31], $0x8000  }
0x154: {  	s25 =	sshll.u32 s8, $0xA;
	[sflag:s31] =	ssyncset.done $0x0  }
0x155: {  	s0 =	simm.s32 $0x0;
	v3 =	vmov s25;
	s1 =	simm.s32 $0x0;
	[sflag:s31] =	ssyncadd.s32 $0xFFFF8000  }
.LBB2_7:
0x156: {  	_ =	sdelay $0x2  }
0x157: {  	s13 =	sshll.u32 s1, $0x7  }
0x158: {  	v5 =	vld.idx.msk [tilespmem:v3+s13+$0x200 ss:$0x1], $0xffff  }
0x159: {  	v7 =	vld.idx.msk [tilespmem:v3+s13+$0x210 ss:$0x1], $0xffff  }
0x15a: {  	v8 =	vld.idx.msk [tilespmem:v3+s13+$0x220 ss:$0x1], $0xffff  }
0x15b: {  	v10 =	vld.idx.msk [tilespmem:v3+s13+$0x230 ss:$0x1], $0xffff  }
0x15c: {  	s14 =	sshll.u32 s1, $0xC;
	v11 =	vld.idx.msk [tilespmem:v3+s13+$0x240 ss:$0x1], $0xffff  }
0x15d: {  	v9 =	vld.idx.msk [tilespmem:v3+s13+$0x250 ss:$0x1], $0xffff;
	s14 =	sand.u32 $0x3FFFF000, s14  }
0x15e: {  	s15 =	sand.u32 $0xC00, s0;
	v6 =	vld.idx.msk [tilespmem:v3+s13+$0x260 ss:$0x1], $0xffff;
	s14 =	sadd.s32 $0xC200, s14  }
0x15f: {  	s16 =	sand.u32 $0x60, s0;
	v4 =	vld.idx.msk [tilespmem:v3+s13+$0x270 ss:$0x1], $0xffff;
	s17 =	sadd.s32 s15, s14  }
0x160: {  	v12 =	vld.idx.msk [tilespmem:v3+s13+$0x2200 ss:$0x1], $0xffff;
	s18 =	sadd.s32 s16, s17  }
0x161: {  	v16 =	vld [tilespmem:s18+$0x0]  }
0x162: {  	v17 =	vld [tilespmem:s18+$0x80]  }
0x163: {  	v13 =	vld.idx.msk [tilespmem:v3+s13+$0x2210 ss:$0x1], $0xffff  }
0x164: {  	v18 =	vld [tilespmem:s18+$0x100]  }
0x165: {  	v14 =	vld.idx.msk [tilespmem:v3+s13+$0x2220 ss:$0x1], $0xffff  }
0x166: {  	v19 =	vld [tilespmem:s18+$0x180]  }
0x167: {  	v15 =	vld.idx.msk [tilespmem:v3+s13+$0x2230 ss:$0x1], $0xffff;
	v20 =	vmul.f32 v16, v5;
	v21 =	vmul.f32 v17, v7  }
0x168: {  	v23 =	vld [tilespmem:s18+$0x200];
	v22 =	vmul.f32 v16, v12;
	v17 =	vmul.f32 v17, v13  }
0x169: {  	v16 =	vld.idx.msk [tilespmem:v3+s13+$0x2240 ss:$0x1], $0xffff;
	v20 =	vadd.f32 v21, v20;
	v21 =	vmul.f32 v18, v8  }
0x16a: {  	v24 =	vld [tilespmem:s18+$0x280];
	v22 =	vadd.f32 v17, v22;
	v18 =	vmul.f32 v18, v14  }
0x16b: {  	v17 =	vld.idx.msk [tilespmem:v3+s13+$0x2250 ss:$0x1], $0xffff;
	v20 =	vadd.f32 v21, v20;
	v21 =	vmul.f32 v19, v10  }
0x16c: {  	v25 =	vld [tilespmem:s18+$0x300];
	v22 =	vadd.f32 v18, v22;
	v19 =	vmul.f32 v19, v15  }
0x16d: {  	v26 =	vmul.f32 v23, v11;
	v18 =	vld.idx.msk [tilespmem:v3+s13+$0x2260 ss:$0x1], $0xffff;
	v20 =	vadd.f32 v21, v20  }
0x16e: {  	v21 =	vmul.f32 v23, v16;
	v22 =	vadd.f32 v19, v22;
	v23 =	vld [tilespmem:s18+$0x380]  }
0x16f: {  	v19 =	vld.idx.msk [tilespmem:v3+s13+$0x2270 ss:$0x1], $0xffff;
	v20 =	vadd.f32 v26, v20;
	v26 =	vmul.f32 v24, v9  }
0x170: {  	v21 =	vadd.f32 v21, v22;
	v22 =	vmul.f32 v24, v17  }
0x171: {  	v24 =	vmul.f32 v25, v6;
	v20 =	vadd.f32 v26, v20  }
0x172: {  	v21 =	vadd.f32 v22, v21;
	v22 =	vmul.f32 v25, v18  }
0x173: {  	v20 =	vadd.f32 v24, v20;
	v24 =	vmul.f32 v23, v4  }
0x174: {  	v21 =	vadd.f32 v22, v21;
	v22 =	vmul.f32 v23, v19  }
0x175: {  	s15 =	sor.u32 s13, s15;
	v20 =	vadd.f32 v24, v20  }
0x176: {  	s24 =	sor.u32 s16, s15;
	v21 =	vadd.f32 v22, v21  }
0x177: {  	s16 =	sor.u32 $0x10, s16;
	[tilespmem:s24+$0x16200] =	vst v20  }
0x178: {  	s25 =	sadd.s32 s16, s17;
	[tilespmem:s24+$0x17200] =	vst v21  }
0x179: {  	v20 =	vld [tilespmem:s25+$0x0]  }
0x17a: {  	v21 =	vld [tilespmem:s25+$0x80];
	_ =	sdelay $0x1  }
0x17b: {  	v22 =	vld [tilespmem:s25+$0x100];
	_ =	sdelay $0x1  }
0x17c: {  	v24 =	vld [tilespmem:s25+$0x180]  }
0x17d: {  	v23 =	vmul.f32 v20, v5;
	v25 =	vmul.f32 v21, v7  }
0x17e: {  	v28 =	vld [tilespmem:s25+$0x200];
	v20 =	vmul.f32 v20, v12;
	v21 =	vmul.f32 v21, v13  }
0x17f: {  	v23 =	vadd.f32 v25, v23;
	v25 =	vmul.f32 v22, v8  }
0x180: {  	v26 =	vmul.f32 v22, v14;
	v21 =	vadd.f32 v21, v20;
	v22 =	vld [tilespmem:s25+$0x280]  }
0x181: {  	v29 =	vmul.f32 v24, v10;
	v27 =	vadd.f32 v25, v23  }
0x182: {  	v23 =	vadd.f32 v26, v21;
	v25 =	vmul.f32 v24, v15;
	v21 =	vld [tilespmem:s25+$0x300]  }
0x183: {  	s19 =	simm.s32 $0x0;
	s17 =	simm.s32 $0x0;
	s18 =	simm.s32 $0x0;
	v20 =	vld [tilespmem:s25+$0x380];
	v24 =	vmul.f32 v28, v16;
	v26 =	vadd.f32 v29, v27;
	v27 =	vmul.f32 v28, v11  }
.LBB2_8:
0x184: {  	s17 =	sadd.s32 $0x2, s17;
	v23 =	vadd.f32 v25, v23;
	s18 =	sadd.s32 $0x100, s18;
	s19 =	sadd.s32 $0x20, s19  }
0x185: {  	p0 =	slt.u32 s17, $0x1E;
	v25 =	vadd.f32 v27, v26;
	v26 =	vmul.f32 v22, v9  }
0x186: {  	s22 =	sand.u32 $0xC00, s18;
	v22 =	vmul.f32 v22, v17;
	v23 =	vadd.f32 v24, v23  }
0x187: {  	s21 =	sand.u32 $0x60, s19;
	s20 =	sadd.s32 s22, s14;
	s22 =	sor.u32 s13, s22;
	v24 =	vadd.f32 v26, v25;
	v25 =	vmul.f32 v21, v6  }
0x188: {  	s24 =	sor.u32 $0x10, s21;
	s23 =	sadd.s32 s21, s20;
	v21 =	vmul.f32 v21, v18;
	v22 =	vadd.f32 v22, v23  }
0x189: {  	v23 =	vadd.f32 v25, v24;
	v24 =	vmul.f32 v20, v4  }
0x18a: {  	v20 =	vmul.f32 v20, v19;
	v21 =	vadd.f32 v21, v22  }
0x18b: {  	v22 =	vadd.f32 v24, v23  }
0x18c: {  	s25 =	sor.u32 s16, s15;
	s15 =	smov.u32 s22;
	s16 =	smov.u32 s24;
	v20 =	vadd.f32 v20, v21  }
0x18d: {  	[tilespmem:s25+$0x16200] =	vst v22  }
0x18e: {  	[tilespmem:s25+$0x17200] =	vst v20  }
0x18f: {  	v20 =	vld [tilespmem:s23+$0x0]  }
0x190: {  	v21 =	vld [tilespmem:s23+$0x80];
	_ =	sdelay $0x1  }
0x191: {  	v22 =	vld [tilespmem:s23+$0x100]  }
0x192: {  	v23 =	vld [tilespmem:s23+$0x180]  }
0x193: {  	v24 =	vmul.f32 v20, v5;
	v20 =	vmul.f32 v20, v12;
	v25 =	vld [tilespmem:s23+$0x200]  }
0x194: {  	v26 =	vmul.f32 v21, v7;
	v21 =	vmul.f32 v21, v13;
	_ =	sdelay $0x1  }
0x195: {  	v24 =	vadd.f32 v26, v24;
	v20 =	vadd.f32 v21, v20;
	v21 =	vmul.f32 v22, v8  }
0x196: {  	v22 =	vmul.f32 v22, v14;
	v26 =	vld [tilespmem:s23+$0x280]  }
0x197: {  	v21 =	vadd.f32 v21, v24;
	v24 =	vmul.f32 v23, v10  }
0x198: {  	v20 =	vadd.f32 v22, v20;
	v22 =	vmul.f32 v23, v15;
	v23 =	vmul.f32 v25, v11;
	v27 =	vld [tilespmem:s23+$0x300]  }
0x199: {  	v21 =	vadd.f32 v24, v21;
	v24 =	vmul.f32 v25, v16  }
0x19a: {  	v20 =	vadd.f32 v22, v20;
	v22 =	vld [tilespmem:s23+$0x380]  }
0x19b: {  	v21 =	vadd.f32 v23, v21;
	v23 =	vmul.f32 v26, v9  }
0x19c: {  	v20 =	vadd.f32 v24, v20;
	v24 =	vmul.f32 v26, v17  }
0x19d: {  	v21 =	vadd.f32 v23, v21;
	v23 =	vmul.f32 v27, v6  }
0x19e: {  	v20 =	vadd.f32 v24, v20;
	v24 =	vmul.f32 v27, v18  }
0x19f: {  	v21 =	vadd.f32 v23, v21;
	v23 =	vmul.f32 v22, v4  }
0x1a0: {  	v20 =	vadd.f32 v24, v20;
	v22 =	vmul.f32 v22, v19  }
0x1a1: {  	v21 =	vadd.f32 v23, v21  }
0x1a2: {  	s21 =	sor.u32 s21, s15;
	v20 =	vadd.f32 v22, v20  }
0x1a3: {  	[tilespmem:s21+$0x16200] =	vst v21  }
0x1a4: {  	s20 =	sadd.s32 s16, s20;
	[tilespmem:s21+$0x17200] =	vst v20  }
0x1a5: {  	v21 =	vld [tilespmem:s20+$0x0]  }
0x1a6: {  	v22 =	vld [tilespmem:s20+$0x80]  }
0x1a7: {  	v20 =	vld [tilespmem:s20+$0x380]  }
0x1a8: {  	v23 =	vld [tilespmem:s20+$0x100];
	_ =	sdelay $0x1  }
0x1a9: {  	v24 =	vmul.f32 v21, v5;
	v21 =	vmul.f32 v21, v12;
	v25 =	vld [tilespmem:s20+$0x180]  }
0x1aa: {  	v26 =	vmul.f32 v22, v7;
	v22 =	vmul.f32 v22, v13  }
0x1ab: {  	v28 =	vld [tilespmem:s20+$0x200]  }
.Ltmp2:
0x1ac: {  	v24 =	vadd.f32 v26, v24;
	v21 =	vadd.f32 v22, v21;
	v26 =	vmul.f32 v23, v8;
	(pc) =	sbr.rel @p0 .LBB2_8-.Ltmp2, $4  }
0x1ad: {  	v23 =	vmul.f32 v23, v14;
	v22 =	vld [tilespmem:s20+$0x280]  }
0x1ae: {  	v24 =	vadd.f32 v26, v24;
	v26 =	vmul.f32 v25, v10  }
0x1af: {  	v23 =	vadd.f32 v23, v21;
	v25 =	vmul.f32 v25, v15;
	v21 =	vld [tilespmem:s20+$0x300]  }
0x1b0: {  	v26 =	vadd.f32 v26, v24;
	v27 =	vmul.f32 v28, v11;
	v24 =	vmul.f32 v28, v16  }
0x1b1: {  	v5 =	vadd.f32 v25, v23  }
0x1b2: {  	v7 =	vadd.f32 v27, v26;
	v8 =	vmul.f32 v22, v9  }
0x1b3: {  	v61 =	vmul.f32 v22, v17;
	v5 =	vadd.f32 v24, v5  }
0x1b4: {  	v7 =	vadd.f32 v8, v7;
	v6 =	vmul.f32 v21, v6  }
0x1b5: {  	s1 =	sadd.s32 $0x1, s1;
	v62 =	vmul.f32 v21, v18;
	v5 =	vadd.f32 v61, v5  }
0x1b6: {  	v4 =	vmul.f32 v20, v4;
	p0 =	sne.s32 s1, $0x8;
	v6 =	vadd.f32 v6, v7  }
.Ltmp3:
0x1b7: {  	v63 =	vmul.f32 v20, v19;
	v5 =	vadd.f32 v62, v5;
	(pc) =	sbr.rel @p0 .LBB2_7-.Ltmp3, $4  }
0x1b8: {  	v4 =	vadd.f32 v4, v6  }
0x1b9: {  	s13 =	sor.u32 s16, s15;
	v5 =	vadd.f32 v63, v5  }
0x1ba: {  	[tilespmem:s13+$0x16200] =	vst v4  }
0x1bb: {  	[tilespmem:s13+$0x17200] =	vst v5  }
0x1bc: {  	s12 =	sadd.s32 $0x1, s12  }
0x1bd: {  	s0 =	sshll.u32 s8, $0x9;
	p0 =	sne.s32 s12, $0x4  }
.Ltmp4:
0x1be: {  	s0 =	sadd.s32 s10, s0;
	(pc) =	sbr.rel @p0 .LBB2_2-.Ltmp4, $4  }
0x1bf: {  	s1 =	sadd.s32 s4, s0  }
0x1c0: {  	[hbm4b:s1+s3] =	stream.linear.scatter [tilespmem:s6], [sflag:$0x4], $0x1000, $0x38;
	[tilespmem:$0x18200] =	vst v63  }
0x1c1: {  	s0 =	sadd.s32 s5, s0  }
0x1c2: {  	[hbm4b:s0+s3] =	stream.linear.scatter [tilespmem:s7], [sflag:$0x4], $0x1000, $0x38;
	[tilespmem:$0x18200] =	vst v63  }
0x1c3: {  	s0 =	simm.s32 $0x3  }
0x1c4: {  	_ =	swait.ge [sflag:s0], $0x1000  }
0x1c5: {  	[sflag:s0] =	ssyncset.done $0x0  }
0x1c6: {  	[sflag:s0] =	ssyncadd.s32 $0xFFFFF000  }
0x1c7: {  	_ =	swait.ge [sflag:s0], $0x1000  }
0x1c8: {  	[sflag:s0] =	ssyncset.done $0x0  }
0x1c9: {  	[sflag:s0] =	ssyncadd.s32 $0xFFFFF000  }
0x1ca: {  	_ =	swait.ge [sflag:s11], $0x1000  }
0x1cb: {  	[sflag:s11] =	ssyncset.done $0x0  }
0x1cc: {  	[sflag:s11] =	ssyncadd.s32 $0xFFFFF000  }
0x1cd: {  	_ =	swait.ge [sflag:s11], $0x1000  }
0x1ce: {  	s1 =	rddreg [dreg:$0x7]  }
0x1cf: {  	s25 =	rddreg [dreg:$0x6];
	s1 =	sadd.s32 $0x1, s1  }
0x1d0: {  	p0 =	sne.s32 s1, s25  }
.Ltmp5:
0x1d1: {  	_ = 	snop;
	(pc) =	sbr.rel @p0 .LBB2_1-.Ltmp5, $3  }
0x1d2: {  	_ =	sdelay $0x1  }
0x1d3: {  	[sflag:s11] =	ssyncset.done $0x0  }
0x1d4: {  	[sflag:s11] =	ssyncadd.s32 $0xFFFFF000  }
0x1d5: {  	_ =	sfence.sel $0x180000  }
0x1d6: {  	[bflag:$0x0] =	sbarrier.arrive $0xFFFF  }
0x1d7: {  	_ =	strace $0x90000047  }
0x1d8: {  	s0 =	stileid.u32;
	[bflag:$0x2] =	sbarrier.arrive $0xFFFF  }
0x1d9: {  	p0 =	sne.s32 s0, $0x0;
	s0 =	rddreg [dreg:$0x2]  }
0x1da: {  	s0 =	sadd.s32 @!p0 $0x100000, s0  }
0x1db: {  	[sflag:s0] =	ssyncadd.tile.s32 @!p0 $0x1;
	_ =	shalt  }
.Lfunc_end2:
_tile_overlayer_lowered:
.L_overlay_start_2:
0x1dc: {  	(tag) =	ssettag $0x2  }
0x1dd: {  	s0 =	rddreg [dreg:$0x0];
	s2 =	stileid.u32  }
0x1de: {  	s1 =	rddreg [dreg:$0x1];
	p0 =	sne.s32 s2, $0x0  }
0x1df: {  	s3 =	rddreg [dreg:$0x2];
	[bflag:$0x3] =	sbarrier.arrive $0xFFFF;
	s2 =	simm.s32 @!p0 $0x1C05  }
0x1e0: {  	[timem:s3], [sflag:s2] =	dma.local @!p0 [hbm:s0], s1  }
0x1e1: {  	s0 =	simm.s32 @!p0 $0x5  }
0x1e2: {  	_ =	swait.ge @!p0 [sflag:s0], s1  }
0x1e3: {  	s1 =	ssub.s32 @!p0 $0x0, s1;
	[sflag:s0] =	ssyncset.done @!p0 $0x0  }
0x1e4: {  	[sflag:s0] =	ssyncadd.s32 @!p0 s1  }
0x1e5: {  	[bflag:$0x3] =	sbarrier.arrive $0xFFFF  }
0x1e6: {  	_ =	shalt  }

</sc_bundles>
